<compile_context>
chip_gen: v7x
topology: tpu7x:2x2x1
jax: 0.10.2.dev20260603
libtpu: 0.0.44.dev20260713+nightly
codegen_flags: <defaults>
</compile_context>

<pallas_src>
import jax
import jax.numpy as jnp
import numpy as np
from jax import lax
from jax.experimental import pallas as pl
from jax.experimental.pallas import tpu as pltpu
from jax.experimental.pallas import tpu_sc as plsc


def kernel(frames):
    C, T, H, W = frames.shape
    S = T // 4

    idx = np.linspace(0.0, T - 1, S).astype(np.int64)
    assert np.array_equal(idx, (np.arange(S) * (T - 1)) // (S - 1))

    NSEL = C * S
    NC, NS = 2, 16
    NW = NC * NS

    assert NSEL * 2 == 3 * NW
    HB = H // 2
    assert HB % 8 == 0

    mesh = plsc.VectorSubcoreMesh(
        core_axis_name="c", subcore_axis_name="s")

    def sc_body(x_hbm, slow_hbm, buf, insem, outsem):
        wid = lax.axis_index("s") * NC + lax.axis_index("c")
        two = wid < NS

        def finfo(f):
            ch = lax.div(f, S)
            jj = lax.rem(f, S)
            t = (jj * (T - 1)) // (S - 1)
            return ch, t, jj

        def in_cp(f, half, s):
            ch, t, _ = finfo(f)
            return pltpu.make_async_copy(
                x_hbm.at[ch, t, pl.ds(half * HB, HB)], buf.at[s],
                insem.at[s])

        def out_cp(f, half, s):
            ch, _, jj = finfo(f)
            return pltpu.make_async_copy(
                buf.at[s], slow_hbm.at[ch, jj, pl.ds(half * HB, HB)],
                outsem.at[s])

        f0 = jnp.where(two, 2 * wid, wid + NS)
        f1 = f0 + 1

        in_cp(f0, 0, 0).start()
        in_cp(f0, 1, 1).start()
        in_cp(f0, 0, 0).wait()
        out_cp(f0, 0, 0).start()
        in_cp(f0, 1, 1).wait()
        out_cp(f0, 1, 1).start()

        @pl.when(two)
        def _():
            out_cp(f0, 0, 0).wait()
            in_cp(f1, 0, 0).start()
            out_cp(f0, 1, 1).wait()
            in_cp(f1, 1, 1).start()
            in_cp(f1, 0, 0).wait()
            out_cp(f1, 0, 0).start()
            in_cp(f1, 1, 1).wait()
            out_cp(f1, 1, 1).start()
            out_cp(f1, 0, 0).wait()
            out_cp(f1, 1, 1).wait()

        @pl.when(jnp.logical_not(two))
        def _():
            out_cp(f0, 0, 0).wait()
            out_cp(f0, 1, 1).wait()

    sc_run = pl.kernel(
        sc_body,
        out_type=jax.ShapeDtypeStruct((C, S, H, W), frames.dtype),
        mesh=mesh,
        scratch_types=[
            pltpu.VMEM((2, HB, W), frames.dtype),
            pltpu.SemaphoreType.DMA((2,)),
            pltpu.SemaphoreType.DMA((2,)),
        ],
    )

    GF = 8
    assert T % GF == 0
    NG = C * (T // GF)
    TSLOTS = 4

    def tc_body(x_hbm, fast_hbm, buf, insem, outsem):
        def grp(g):
            return g // (T // GF), (g % (T // GF)) * GF

        def in_cp(g, s):
            ch, t0 = grp(g)
            return pltpu.make_async_copy(
                x_hbm.at[ch, pl.ds(t0, GF)], buf.at[s], insem.at[s])

        def out_cp(g, s):
            ch, t0 = grp(g)
            return pltpu.make_async_copy(
                buf.at[s], fast_hbm.at[ch, pl.ds(t0, GF)], outsem.at[s])

        for g in range(min(TSLOTS, NG)):
            in_cp(g, g).start()
        for g in range(NG):
            s = g % TSLOTS
            if g >= 1:
                p = g - 1
                if p + TSLOTS < NG:
                    out_cp(p, p % TSLOTS).wait()
                    in_cp(p + TSLOTS, p % TSLOTS).start()
            in_cp(g, s).wait()
            out_cp(g, s).start()
        for g in range(max(NG - TSLOTS, 0), NG):
            out_cp(g, g % TSLOTS).wait()

    fast = pl.pallas_call(
        tc_body,
        in_specs=[pl.BlockSpec(memory_space=pltpu.MemorySpace.HBM)],
        out_specs=pl.BlockSpec(memory_space=pltpu.MemorySpace.HBM),
        out_shape=jax.ShapeDtypeStruct((C, T, H, W), frames.dtype),
        scratch_shapes=[
            pltpu.VMEM((TSLOTS, GF, H, W), frames.dtype),
            pltpu.SemaphoreType.DMA((TSLOTS,)),
            pltpu.SemaphoreType.DMA((TSLOTS,)),
        ],
    )(frames)

    slow = sc_run(frames)
    return (slow, fast)

# --- scband reference (transcript-rebuilt; emitter-appended) ---
"""Pipeline reference for scband-pack-pathway-69715909149035 (READ-ONLY COPY).

The authoritative reference and input builder live on the scoring server;
editing this copy changes nothing except your own understanding.
"""

import jax, jax.numpy as jnp
import numpy as np


def setup_inputs(seed: int = 0) -> dict:
    key = jax.random.key(seed)
    frames = jax.random.normal(key, (3, 64, 320, 320), dtype=jnp.float32)
    return {"frames": frames}


def reference(frames):
    # PackPathway.forward with do_transform=True
    T = frames.shape[1]
    # torch.linspace(0, T-1, T//4).long() truncates toward zero
    idx = np.linspace(0.0, T - 1, T // 4).astype(np.int64)
    idx = jnp.asarray(idx, dtype=jnp.int32)
    fast_pathway = frames
    slow_pathway = jnp.take(frames, idx, axis=1)
    return (slow_pathway, fast_pathway)

if __name__ == "__main__":
    import jax
    _d = setup_inputs()
    print(jax.jit(kernel)(*tuple(_d.values())))

</pallas_src>

<mosaic_0001>
#map = affine_map<(d0, d1) -> (0, 0, 0, 0)>
module attributes {stable_mosaic.version = 14 : i64} {
  func.func @sc_body(%arg0: i32, %arg1: i32, %arg2: memref<3x64x320x320xf32, #tpu.memory_space<hbm>>, %arg3: memref<3x16x320x320xf32, #tpu.memory_space<hbm>>, %arg4: memref<2x160x320xf32, #tpu.memory_space<vmem>>, %arg5: memref<2x!tpu.dma_semaphore, #tpu.memory_space<semaphore_mem>>, %arg6: memref<2x!tpu.dma_semaphore, #tpu.memory_space<semaphore_mem>>) attributes {dimension_semantics = [#tpu.dimension_semantics<core_parallel>, #tpu.dimension_semantics<subcore_parallel>], iteration_bounds = array<i64: 2, 16>, scalar_prefetch = 0 : i64, scratch_operands = 3 : i64, tpu.core_type = #tpu.core_type<sc_vector_subcore>, window_params = [{transform_indices = #map}, {transform_indices = #map}]} {
    %mul3A = arith.constant 2 : i32
    %mul3A_0 = arith.muli %arg1, %mul3A : i32
    %add3A = arith.addi %mul3A_0, %arg0 : i32
    %lt3A = arith.constant 16 : i32
    %lt3A_1 = arith.cmpi slt, %add3A, %lt3A : i32
    %mul3A_2 = arith.constant 2 : i32
    %mul3A_3 = arith.muli %mul3A_2, %add3A : i32
    %add3A_4 = arith.constant 16 : i32
    %add3A_5 = arith.addi %add3A, %add3A_4 : i32
    %select_n3A = arith.select %lt3A_1, %mul3A_3, %add3A_5 : i32
    %add3A_6 = arith.constant 1 : i32
    %add3A_7 = arith.addi %select_n3A, %add3A_6 : i32
    %div3A = arith.constant 16 : i32
    %div3A_8 = arith.divsi %select_n3A, %div3A : i32
    %rem3A = arith.constant 16 : i32
    %rem3A_9 = arith.remsi %select_n3A, %rem3A : i32
    %mul3A_10 = arith.constant 63 : i32
    %mul3A_11 = arith.muli %rem3A_9, %mul3A_10 : i32
    %jit3A = arith.constant 15 : i32
    %div3A_12 = arith.divsi %mul3A_11, %jit3A : i32
    %sign3A = arith.constant 0 : i32
    %sign3A_13 = arith.cmpi sgt, %mul3A_11, %sign3A : i32
    %sign3A_14 = arith.extui %sign3A_13 : i1 to i32
    %sign3A_15 = arith.constant 0 : i32
    %sign3A_16 = arith.cmpi slt, %mul3A_11, %sign3A_15 : i32
    %sign3A_17 = arith.extui %sign3A_16 : i1 to i32
    %sign3A_18 = arith.subi %sign3A_14, %sign3A_17 : i32
    %sign3A_19 = arith.constant 0 : i32
    %sign3A_20 = arith.cmpi sgt, %jit3A, %sign3A_19 : i32
    %sign3A_21 = arith.extui %sign3A_20 : i1 to i32
    %sign3A_22 = arith.constant 0 : i32
    %sign3A_23 = arith.cmpi slt, %jit3A, %sign3A_22 : i32
    %sign3A_24 = arith.extui %sign3A_23 : i1 to i32
    %sign3A_25 = arith.subi %sign3A_21, %sign3A_24 : i32
    %ne3A = arith.cmpi ne, %sign3A_18, %sign3A_25 : i32
    %rem3A_26 = arith.remsi %mul3A_11, %jit3A : i32
    %ne3A_27 = arith.constant 0 : i32
    %ne3A_28 = arith.cmpi ne, %rem3A_26, %ne3A_27 : i32
    %and3A = arith.andi %ne3A, %ne3A_28 : i1
    %sub3A = arith.constant 1 : i32
    %sub3A_29 = arith.subi %div3A_12, %sub3A : i32
    %select_n3A_30 = arith.select %and3A, %sub3A_29, %div3A_12 : i32
    %dma_start3A = arith.constant 0 : i32
    %dma_start3A_31 = arith.constant 0 : i32
    %dma_start3A_32 = arith.constant 0 : i32
    %dma_start3A_33 = arith.constant 0 : i32
    %dma_start3A_34 = tpu.memref_slice %arg4[%dma_start3A, %dma_start3A_32, %dma_start3A_33] : memref<2x160x320xf32, #tpu.memory_space<vmem>> -> memref<1x160x320xf32, #tpu.memory_space<vmem>>
    %dma_start3A_35 = tpu.memref_squeeze %dma_start3A_34 : memref<1x160x320xf32, #tpu.memory_space<vmem>> -> memref<160x320xf32, #tpu.memory_space<vmem>>
    %dma_start3A_36 = arith.constant 0 : i32
    %dma_start3A_37 = arith.constant 0 : i32
    %dma_start3A_38 = tpu.memref_slice %arg2[%div3A_8, %select_n3A_30, %dma_start3A_36, %dma_start3A_37] : memref<3x64x320x320xf32, #tpu.memory_space<hbm>> -> memref<1x1x160x320xf32, #tpu.memory_space<hbm>>
    %dma_start3A_39 = tpu.memref_squeeze %dma_start3A_38 : memref<1x1x160x320xf32, #tpu.memory_space<hbm>> -> memref<160x320xf32, #tpu.memory_space<hbm>>
    %dma_start3A_40 = tpu.memref_slice %arg5[%dma_start3A_31] : memref<2x!tpu.dma_semaphore, #tpu.memory_space<semaphore_mem>> -> memref<1x!tpu.dma_semaphore, #tpu.memory_space<semaphore_mem>>
    %dma_start3A_41 = tpu.memref_squeeze %dma_start3A_40 : memref<1x!tpu.dma_semaphore, #tpu.memory_space<semaphore_mem>> -> memref<!tpu.dma_semaphore, #tpu.memory_space<semaphore_mem>>
    %dma_start3A_42 = arith.constant 0 : i32
    %dma_start3A_43 = arith.constant 0 : i32
    %dma_start3A_44 = tpu.memref_slice %arg4[%dma_start3A, %dma_start3A_42, %dma_start3A_43] : memref<2x160x320xf32, #tpu.memory_space<vmem>> -> memref<1x160x320xf32, #tpu.memory_space<vmem>>
    %dma_start3A_45 = tpu.memref_squeeze %dma_start3A_44 : memref<1x160x320xf32, #tpu.memory_space<vmem>> -> memref<160x320xf32, #tpu.memory_space<vmem>>
    %dma_start3A_46 = arith.constant 0 : i32
    %dma_start3A_47 = arith.constant 0 : i32
    %dma_start3A_48 = tpu.memref_slice %arg2[%div3A_8, %select_n3A_30, %dma_start3A_46, %dma_start3A_47] : memref<3x64x320x320xf32, #tpu.memory_space<hbm>> -> memref<1x1x160x320xf32, #tpu.memory_space<hbm>>
    %dma_start3A_49 = tpu.memref_squeeze %dma_start3A_48 : memref<1x1x160x320xf32, #tpu.memory_space<hbm>> -> memref<160x320xf32, #tpu.memory_space<hbm>>
    tpu.enqueue_dma source(%dma_start3A_49 : memref<160x320xf32, #tpu.memory_space<hbm>>) target(%dma_start3A_45 : memref<160x320xf32, #tpu.memory_space<vmem>>) target_semaphore(%dma_start3A_41 : memref<!tpu.dma_semaphore, #tpu.memory_space<semaphore_mem>>)
    %div3A_50 = arith.constant 16 : i32
    %div3A_51 = arith.divsi %select_n3A, %div3A_50 : i32
    %rem3A_52 = arith.constant 16 : i32
    %rem3A_53 = arith.remsi %select_n3A, %rem3A_52 : i32
    %mul3A_54 = arith.constant 63 : i32
    %mul3A_55 = arith.muli %rem3A_53, %mul3A_54 : i32
    %jit3A_56 = arith.constant 15 : i32
    %div3A_57 = arith.divsi %mul3A_55, %jit3A_56 : i32
    %sign3A_58 = arith.constant 0 : i32
    %sign3A_59 = arith.cmpi sgt, %mul3A_55, %sign3A_58 : i32
    %sign3A_60 = arith.extui %sign3A_59 : i1 to i32
    %sign3A_61 = arith.constant 0 : i32
    %sign3A_62 = arith.cmpi slt, %mul3A_55, %sign3A_61 : i32
    %sign3A_63 = arith.extui %sign3A_62 : i1 to i32
    %sign3A_64 = arith.subi %sign3A_60, %sign3A_63 : i32
    %sign3A_65 = arith.constant 0 : i32
    %sign3A_66 = arith.cmpi sgt, %jit3A_56, %sign3A_65 : i32
    %sign3A_67 = arith.extui %sign3A_66 : i1 to i32
    %sign3A_68 = arith.constant 0 : i32
    %sign3A_69 = arith.cmpi slt, %jit3A_56, %sign3A_68 : i32
    %sign3A_70 = arith.extui %sign3A_69 : i1 to i32
    %sign3A_71 = arith.subi %sign3A_67, %sign3A_70 : i32
    %ne3A_72 = arith.cmpi ne, %sign3A_64, %sign3A_71 : i32
    %rem3A_73 = arith.remsi %mul3A_55, %jit3A_56 : i32
    %ne3A_74 = arith.constant 0 : i32
    %ne3A_75 = arith.cmpi ne, %rem3A_73, %ne3A_74 : i32
    %and3A_76 = arith.andi %ne3A_72, %ne3A_75 : i1
    %sub3A_77 = arith.constant 1 : i32
    %sub3A_78 = arith.subi %div3A_57, %sub3A_77 : i32
    %select_n3A_79 = arith.select %and3A_76, %sub3A_78, %div3A_57 : i32
    %dma_start3A_80 = arith.constant 1 : i32
    %dma_start3A_81 = arith.constant 1 : i32
    %dma_start3A_82 = arith.constant 0 : i32
    %dma_start3A_83 = arith.constant 0 : i32
    %dma_start3A_84 = tpu.memref_slice %arg4[%dma_start3A_80, %dma_start3A_82, %dma_start3A_83] : memref<2x160x320xf32, #tpu.memory_space<vmem>> -> memref<1x160x320xf32, #tpu.memory_space<vmem>>
    %dma_start3A_85 = tpu.memref_squeeze %dma_start3A_84 : memref<1x160x320xf32, #tpu.memory_space<vmem>> -> memref<160x320xf32, #tpu.memory_space<vmem>>
    %dma_start3A_86 = arith.constant 160 : i32
    %dma_start3A_87 = arith.constant 0 : i32
    %dma_start3A_88 = tpu.memref_slice %arg2[%div3A_51, %select_n3A_79, %dma_start3A_86, %dma_start3A_87] : memref<3x64x320x320xf32, #tpu.memory_space<hbm>> -> memref<1x1x160x320xf32, #tpu.memory_space<hbm>>
    %dma_start3A_89 = tpu.memref_squeeze %dma_start3A_88 : memref<1x1x160x320xf32, #tpu.memory_space<hbm>> -> memref<160x320xf32, #tpu.memory_space<hbm>>
    %dma_start3A_90 = tpu.memref_slice %arg5[%dma_start3A_81] : memref<2x!tpu.dma_semaphore, #tpu.memory_space<semaphore_mem>> -> memref<1x!tpu.dma_semaphore, #tpu.memory_space<semaphore_mem>>
    %dma_start3A_91 = tpu.memref_squeeze %dma_start3A_90 : memref<1x!tpu.dma_semaphore, #tpu.memory_space<semaphore_mem>> -> memref<!tpu.dma_semaphore, #tpu.memory_space<semaphore_mem>>
    %dma_start3A_92 = arith.constant 0 : i32
    %dma_start3A_93 = arith.constant 0 : i32
    %dma_start3A_94 = tpu.memref_slice %arg4[%dma_start3A_80, %dma_start3A_92, %dma_start3A_93] : memref<2x160x320xf32, #tpu.memory_space<vmem>> -> memref<1x160x320xf32, #tpu.memory_space<vmem>>
    %dma_start3A_95 = tpu.memref_squeeze %dma_start3A_94 : memref<1x160x320xf32, #tpu.memory_space<vmem>> -> memref<160x320xf32, #tpu.memory_space<vmem>>
    %dma_start3A_96 = arith.constant 160 : i32
    %dma_start3A_97 = arith.constant 0 : i32
    %dma_start3A_98 = tpu.memref_slice %arg2[%div3A_51, %select_n3A_79, %dma_start3A_96, %dma_start3A_97] : memref<3x64x320x320xf32, #tpu.memory_space<hbm>> -> memref<1x1x160x320xf32, #tpu.memory_space<hbm>>
    %dma_start3A_99 = tpu.memref_squeeze %dma_start3A_98 : memref<1x1x160x320xf32, #tpu.memory_space<hbm>> -> memref<160x320xf32, #tpu.memory_space<hbm>>
    tpu.enqueue_dma source(%dma_start3A_99 : memref<160x320xf32, #tpu.memory_space<hbm>>) target(%dma_start3A_95 : memref<160x320xf32, #tpu.memory_space<vmem>>) target_semaphore(%dma_start3A_91 : memref<!tpu.dma_semaphore, #tpu.memory_space<semaphore_mem>>)
    %div3A_100 = arith.constant 16 : i32
    %div3A_101 = arith.divsi %select_n3A, %div3A_100 : i32
    %rem3A_102 = arith.constant 16 : i32
    %rem3A_103 = arith.remsi %select_n3A, %rem3A_102 : i32
    %mul3A_104 = arith.constant 63 : i32
    %mul3A_105 = arith.muli %rem3A_103, %mul3A_104 : i32
    %jit3A_106 = arith.constant 15 : i32
    %div3A_107 = arith.divsi %mul3A_105, %jit3A_106 : i32
    %sign3A_108 = arith.constant 0 : i32
    %sign3A_109 = arith.cmpi sgt, %mul3A_105, %sign3A_108 : i32
    %sign3A_110 = arith.extui %sign3A_109 : i1 to i32
    %sign3A_111 = arith.constant 0 : i32
    %sign3A_112 = arith.cmpi slt, %mul3A_105, %sign3A_111 : i32
    %sign3A_113 = arith.extui %sign3A_112 : i1 to i32
    %sign3A_114 = arith.subi %sign3A_110, %sign3A_113 : i32
    %sign3A_115 = arith.constant 0 : i32
    %sign3A_116 = arith.cmpi sgt, %jit3A_106, %sign3A_115 : i32
    %sign3A_117 = arith.extui %sign3A_116 : i1 to i32
    %sign3A_118 = arith.constant 0 : i32
    %sign3A_119 = arith.cmpi slt, %jit3A_106, %sign3A_118 : i32
    %sign3A_120 = arith.extui %sign3A_119 : i1 to i32
    %sign3A_121 = arith.subi %sign3A_117, %sign3A_120 : i32
    %ne3A_122 = arith.cmpi ne, %sign3A_114, %sign3A_121 : i32
    %rem3A_123 = arith.remsi %mul3A_105, %jit3A_106 : i32
    %ne3A_124 = arith.constant 0 : i32
    %ne3A_125 = arith.cmpi ne, %rem3A_123, %ne3A_124 : i32
    %and3A_126 = arith.andi %ne3A_122, %ne3A_125 : i1
    %sub3A_127 = arith.constant 1 : i32
    %sub3A_128 = arith.subi %div3A_107, %sub3A_127 : i32
    %select_n3A_129 = arith.select %and3A_126, %sub3A_128, %div3A_107 : i32
    %dma_wait3A = arith.constant 0 : i32
    %dma_wait3A_130 = arith.constant 0 : i32
    %dma_wait3A_131 = arith.constant 0 : i32
    %dma_wait3A_132 = arith.constant 0 : i32
    %dma_wait3A_133 = tpu.memref_slice %arg4[%dma_wait3A, %dma_wait3A_131, %dma_wait3A_132] : memref<2x160x320xf32, #tpu.memory_space<vmem>> -> memref<1x160x320xf32, #tpu.memory_space<vmem>>
    %dma_wait3A_134 = tpu.memref_squeeze %dma_wait3A_133 : memref<1x160x320xf32, #tpu.memory_space<vmem>> -> memref<160x320xf32, #tpu.memory_space<vmem>>
    %dma_wait3A_135 = arith.constant 0 : i32
    %dma_wait3A_136 = arith.constant 0 : i32
    %dma_wait3A_137 = tpu.memref_slice %arg2[%div3A_101, %select_n3A_129, %dma_wait3A_135, %dma_wait3A_136] : memref<3x64x320x320xf32, #tpu.memory_space<hbm>> -> memref<1x1x160x320xf32, #tpu.memory_space<hbm>>
    %dma_wait3A_138 = tpu.memref_squeeze %dma_wait3A_137 : memref<1x1x160x320xf32, #tpu.memory_space<hbm>> -> memref<160x320xf32, #tpu.memory_space<hbm>>
    %dma_wait3A_139 = tpu.memref_slice %arg5[%dma_wait3A_130] : memref<2x!tpu.dma_semaphore, #tpu.memory_space<semaphore_mem>> -> memref<1x!tpu.dma_semaphore, #tpu.memory_space<semaphore_mem>>
    %dma_wait3A_140 = tpu.memref_squeeze %dma_wait3A_139 : memref<1x!tpu.dma_semaphore, #tpu.memory_space<semaphore_mem>> -> memref<!tpu.dma_semaphore, #tpu.memory_space<semaphore_mem>>
    %dma_wait3A_141 = arith.constant 0 : i32
    %dma_wait3A_142 = arith.constant 0 : i32
    %dma_wait3A_143 = tpu.memref_slice %arg4[%dma_wait3A, %dma_wait3A_141, %dma_wait3A_142] : memref<2x160x320xf32, #tpu.memory_space<vmem>> -> memref<1x160x320xf32, #tpu.memory_space<vmem>>
    %dma_wait3A_144 = tpu.memref_squeeze %dma_wait3A_143 : memref<1x160x320xf32, #tpu.memory_space<vmem>> -> memref<160x320xf32, #tpu.memory_space<vmem>>
    %dma_wait3A_145 = arith.constant 0 : i32
    %dma_wait3A_146 = arith.constant 0 : i32
    %dma_wait3A_147 = tpu.memref_slice %arg2[%div3A_101, %select_n3A_129, %dma_wait3A_145, %dma_wait3A_146] : memref<3x64x320x320xf32, #tpu.memory_space<hbm>> -> memref<1x1x160x320xf32, #tpu.memory_space<hbm>>
    %dma_wait3A_148 = tpu.memref_squeeze %dma_wait3A_147 : memref<1x1x160x320xf32, #tpu.memory_space<hbm>> -> memref<160x320xf32, #tpu.memory_space<hbm>>
    tpu.wait_dma2 semaphore(%dma_wait3A_140 : memref<!tpu.dma_semaphore, #tpu.memory_space<semaphore_mem>>) src(%dma_wait3A_148 : memref<160x320xf32, #tpu.memory_space<hbm>>) dst(%dma_wait3A_144 : memref<160x320xf32, #tpu.memory_space<vmem>>)
    %div3A_149 = arith.constant 16 : i32
    %div3A_150 = arith.divsi %select_n3A, %div3A_149 : i32
    %rem3A_151 = arith.constant 16 : i32
    %rem3A_152 = arith.remsi %select_n3A, %rem3A_151 : i32
    %mul3A_153 = arith.constant 63 : i32
    %mul3A_154 = arith.muli %rem3A_152, %mul3A_153 : i32
    %jit3A_155 = arith.constant 15 : i32
    %div3A_156 = arith.divsi %mul3A_154, %jit3A_155 : i32
    %sign3A_157 = arith.constant 0 : i32
    %sign3A_158 = arith.cmpi sgt, %mul3A_154, %sign3A_157 : i32
    %sign3A_159 = arith.extui %sign3A_158 : i1 to i32
    %sign3A_160 = arith.constant 0 : i32
    %sign3A_161 = arith.cmpi slt, %mul3A_154, %sign3A_160 : i32
    %sign3A_162 = arith.extui %sign3A_161 : i1 to i32
    %sign3A_163 = arith.subi %sign3A_159, %sign3A_162 : i32
    %sign3A_164 = arith.constant 0 : i32
    %sign3A_165 = arith.cmpi sgt, %jit3A_155, %sign3A_164 : i32
    %sign3A_166 = arith.extui %sign3A_165 : i1 to i32
    %sign3A_167 = arith.constant 0 : i32
    %sign3A_168 = arith.cmpi slt, %jit3A_155, %sign3A_167 : i32
    %sign3A_169 = arith.extui %sign3A_168 : i1 to i32
    %sign3A_170 = arith.subi %sign3A_166, %sign3A_169 : i32
    %ne3A_171 = arith.cmpi ne, %sign3A_163, %sign3A_170 : i32
    %rem3A_172 = arith.remsi %mul3A_154, %jit3A_155 : i32
    %ne3A_173 = arith.constant 0 : i32
    %ne3A_174 = arith.cmpi ne, %rem3A_172, %ne3A_173 : i32
    %and3A_175 = arith.andi %ne3A_171, %ne3A_174 : i1
    %sub3A_176 = arith.constant 1 : i32
    %sub3A_177 = arith.subi %div3A_156, %sub3A_176 : i32
    %select_n3A_178 = arith.select %and3A_175, %sub3A_177, %div3A_156 : i32
    %dma_start3A_179 = arith.constant 0 : i32
    %dma_start3A_180 = arith.constant 0 : i32
    %dma_start3A_181 = arith.constant 0 : i32
    %dma_start3A_182 = arith.constant 0 : i32
    %dma_start3A_183 = tpu.memref_slice %arg4[%dma_start3A_179, %dma_start3A_181, %dma_start3A_182] : memref<2x160x320xf32, #tpu.memory_space<vmem>> -> memref<1x160x320xf32, #tpu.memory_space<vmem>>
    %dma_start3A_184 = tpu.memref_squeeze %dma_start3A_183 : memref<1x160x320xf32, #tpu.memory_space<vmem>> -> memref<160x320xf32, #tpu.memory_space<vmem>>
    %dma_start3A_185 = arith.constant 0 : i32
    %dma_start3A_186 = arith.constant 0 : i32
    %dma_start3A_187 = tpu.memref_slice %arg3[%div3A_150, %rem3A_152, %dma_start3A_185, %dma_start3A_186] : memref<3x16x320x320xf32, #tpu.memory_space<hbm>> -> memref<1x1x160x320xf32, #tpu.memory_space<hbm>>
    %dma_start3A_188 = tpu.memref_squeeze %dma_start3A_187 : memref<1x1x160x320xf32, #tpu.memory_space<hbm>> -> memref<160x320xf32, #tpu.memory_space<hbm>>
    %dma_start3A_189 = tpu.memref_slice %arg6[%dma_start3A_180] : memref<2x!tpu.dma_semaphore, #tpu.memory_space<semaphore_mem>> -> memref<1x!tpu.dma_semaphore, #tpu.memory_space<semaphore_mem>>
    %dma_start3A_190 = tpu.memref_squeeze %dma_start3A_189 : memref<1x!tpu.dma_semaphore, #tpu.memory_space<semaphore_mem>> -> memref<!tpu.dma_semaphore, #tpu.memory_space<semaphore_mem>>
    %dma_start3A_191 = arith.constant 0 : i32
    %dma_start3A_192 = arith.constant 0 : i32
    %dma_start3A_193 = tpu.memref_slice %arg3[%div3A_150, %rem3A_152, %dma_start3A_191, %dma_start3A_192] : memref<3x16x320x320xf32, #tpu.memory_space<hbm>> -> memref<1x1x160x320xf32, #tpu.memory_space<hbm>>
    %dma_start3A_194 = tpu.memref_squeeze %dma_start3A_193 : memref<1x1x160x320xf32, #tpu.memory_space<hbm>> -> memref<160x320xf32, #tpu.memory_space<hbm>>
    %dma_start3A_195 = arith.constant 0 : i32
    %dma_start3A_196 = arith.constant 0 : i32
    %dma_start3A_197 = tpu.memref_slice %arg4[%dma_start3A_179, %dma_start3A_195, %dma_start3A_196] : memref<2x160x320xf32, #tpu.memory_space<vmem>> -> memref<1x160x320xf32, #tpu.memory_space<vmem>>
    %dma_start3A_198 = tpu.memref_squeeze %dma_start3A_197 : memref<1x160x320xf32, #tpu.memory_space<vmem>> -> memref<160x320xf32, #tpu.memory_space<vmem>>
    tpu.enqueue_dma source(%dma_start3A_198 : memref<160x320xf32, #tpu.memory_space<vmem>>) target(%dma_start3A_194 : memref<160x320xf32, #tpu.memory_space<hbm>>) target_semaphore(%dma_start3A_190 : memref<!tpu.dma_semaphore, #tpu.memory_space<semaphore_mem>>)
    %div3A_199 = arith.constant 16 : i32
    %div3A_200 = arith.divsi %select_n3A, %div3A_199 : i32
    %rem3A_201 = arith.constant 16 : i32
    %rem3A_202 = arith.remsi %select_n3A, %rem3A_201 : i32
    %mul3A_203 = arith.constant 63 : i32
    %mul3A_204 = arith.muli %rem3A_202, %mul3A_203 : i32
    %jit3A_205 = arith.constant 15 : i32
    %div3A_206 = arith.divsi %mul3A_204, %jit3A_205 : i32
    %sign3A_207 = arith.constant 0 : i32
    %sign3A_208 = arith.cmpi sgt, %mul3A_204, %sign3A_207 : i32
    %sign3A_209 = arith.extui %sign3A_208 : i1 to i32
    %sign3A_210 = arith.constant 0 : i32
    %sign3A_211 = arith.cmpi slt, %mul3A_204, %sign3A_210 : i32
    %sign3A_212 = arith.extui %sign3A_211 : i1 to i32
    %sign3A_213 = arith.subi %sign3A_209, %sign3A_212 : i32
    %sign3A_214 = arith.constant 0 : i32
    %sign3A_215 = arith.cmpi sgt, %jit3A_205, %sign3A_214 : i32
    %sign3A_216 = arith.extui %sign3A_215 : i1 to i32
    %sign3A_217 = arith.constant 0 : i32
    %sign3A_218 = arith.cmpi slt, %jit3A_205, %sign3A_217 : i32
    %sign3A_219 = arith.extui %sign3A_218 : i1 to i32
    %sign3A_220 = arith.subi %sign3A_216, %sign3A_219 : i32
    %ne3A_221 = arith.cmpi ne, %sign3A_213, %sign3A_220 : i32
    %rem3A_222 = arith.remsi %mul3A_204, %jit3A_205 : i32
    %ne3A_223 = arith.constant 0 : i32
    %ne3A_224 = arith.cmpi ne, %rem3A_222, %ne3A_223 : i32
    %and3A_225 = arith.andi %ne3A_221, %ne3A_224 : i1
    %sub3A_226 = arith.constant 1 : i32
    %sub3A_227 = arith.subi %div3A_206, %sub3A_226 : i32
    %select_n3A_228 = arith.select %and3A_225, %sub3A_227, %div3A_206 : i32
    %dma_wait3A_229 = arith.constant 1 : i32
    %dma_wait3A_230 = arith.constant 1 : i32
    %dma_wait3A_231 = arith.constant 0 : i32
    %dma_wait3A_232 = arith.constant 0 : i32
    %dma_wait3A_233 = tpu.memref_slice %arg4[%dma_wait3A_229, %dma_wait3A_231, %dma_wait3A_232] : memref<2x160x320xf32, #tpu.memory_space<vmem>> -> memref<1x160x320xf32, #tpu.memory_space<vmem>>
    %dma_wait3A_234 = tpu.memref_squeeze %dma_wait3A_233 : memref<1x160x320xf32, #tpu.memory_space<vmem>> -> memref<160x320xf32, #tpu.memory_space<vmem>>
    %dma_wait3A_235 = arith.constant 160 : i32
    %dma_wait3A_236 = arith.constant 0 : i32
    %dma_wait3A_237 = tpu.memref_slice %arg2[%div3A_200, %select_n3A_228, %dma_wait3A_235, %dma_wait3A_236] : memref<3x64x320x320xf32, #tpu.memory_space<hbm>> -> memref<1x1x160x320xf32, #tpu.memory_space<hbm>>
    %dma_wait3A_238 = tpu.memref_squeeze %dma_wait3A_237 : memref<1x1x160x320xf32, #tpu.memory_space<hbm>> -> memref<160x320xf32, #tpu.memory_space<hbm>>
    %dma_wait3A_239 = tpu.memref_slice %arg5[%dma_wait3A_230] : memref<2x!tpu.dma_semaphore, #tpu.memory_space<semaphore_mem>> -> memref<1x!tpu.dma_semaphore, #tpu.memory_space<semaphore_mem>>
    %dma_wait3A_240 = tpu.memref_squeeze %dma_wait3A_239 : memref<1x!tpu.dma_semaphore, #tpu.memory_space<semaphore_mem>> -> memref<!tpu.dma_semaphore, #tpu.memory_space<semaphore_mem>>
    %dma_wait3A_241 = arith.constant 0 : i32
    %dma_wait3A_242 = arith.constant 0 : i32
    %dma_wait3A_243 = tpu.memref_slice %arg4[%dma_wait3A_229, %dma_wait3A_241, %dma_wait3A_242] : memref<2x160x320xf32, #tpu.memory_space<vmem>> -> memref<1x160x320xf32, #tpu.memory_space<vmem>>
    %dma_wait3A_244 = tpu.memref_squeeze %dma_wait3A_243 : memref<1x160x320xf32, #tpu.memory_space<vmem>> -> memref<160x320xf32, #tpu.memory_space<vmem>>
    %dma_wait3A_245 = arith.constant 160 : i32
    %dma_wait3A_246 = arith.constant 0 : i32
    %dma_wait3A_247 = tpu.memref_slice %arg2[%div3A_200, %select_n3A_228, %dma_wait3A_245, %dma_wait3A_246] : memref<3x64x320x320xf32, #tpu.memory_space<hbm>> -> memref<1x1x160x320xf32, #tpu.memory_space<hbm>>
    %dma_wait3A_248 = tpu.memref_squeeze %dma_wait3A_247 : memref<1x1x160x320xf32, #tpu.memory_space<hbm>> -> memref<160x320xf32, #tpu.memory_space<hbm>>
    tpu.wait_dma2 semaphore(%dma_wait3A_240 : memref<!tpu.dma_semaphore, #tpu.memory_space<semaphore_mem>>) src(%dma_wait3A_248 : memref<160x320xf32, #tpu.memory_space<hbm>>) dst(%dma_wait3A_244 : memref<160x320xf32, #tpu.memory_space<vmem>>)
    %div3A_249 = arith.constant 16 : i32
    %div3A_250 = arith.divsi %select_n3A, %div3A_249 : i32
    %rem3A_251 = arith.constant 16 : i32
    %rem3A_252 = arith.remsi %select_n3A, %rem3A_251 : i32
    %mul3A_253 = arith.constant 63 : i32
    %mul3A_254 = arith.muli %rem3A_252, %mul3A_253 : i32
    %jit3A_255 = arith.constant 15 : i32
    %div3A_256 = arith.divsi %mul3A_254, %jit3A_255 : i32
    %sign3A_257 = arith.constant 0 : i32
    %sign3A_258 = arith.cmpi sgt, %mul3A_254, %sign3A_257 : i32
    %sign3A_259 = arith.extui %sign3A_258 : i1 to i32
    %sign3A_260 = arith.constant 0 : i32
    %sign3A_261 = arith.cmpi slt, %mul3A_254, %sign3A_260 : i32
    %sign3A_262 = arith.extui %sign3A_261 : i1 to i32
    %sign3A_263 = arith.subi %sign3A_259, %sign3A_262 : i32
    %sign3A_264 = arith.constant 0 : i32
    %sign3A_265 = arith.cmpi sgt, %jit3A_255, %sign3A_264 : i32
    %sign3A_266 = arith.extui %sign3A_265 : i1 to i32
    %sign3A_267 = arith.constant 0 : i32
    %sign3A_268 = arith.cmpi slt, %jit3A_255, %sign3A_267 : i32
    %sign3A_269 = arith.extui %sign3A_268 : i1 to i32
    %sign3A_270 = arith.subi %sign3A_266, %sign3A_269 : i32
    %ne3A_271 = arith.cmpi ne, %sign3A_263, %sign3A_270 : i32
    %rem3A_272 = arith.remsi %mul3A_254, %jit3A_255 : i32
    %ne3A_273 = arith.constant 0 : i32
    %ne3A_274 = arith.cmpi ne, %rem3A_272, %ne3A_273 : i32
    %and3A_275 = arith.andi %ne3A_271, %ne3A_274 : i1
    %sub3A_276 = arith.constant 1 : i32
    %sub3A_277 = arith.subi %div3A_256, %sub3A_276 : i32
    %select_n3A_278 = arith.select %and3A_275, %sub3A_277, %div3A_256 : i32
    %dma_start3A_279 = arith.constant 1 : i32
    %dma_start3A_280 = arith.constant 1 : i32
    %dma_start3A_281 = arith.constant 0 : i32
    %dma_start3A_282 = arith.constant 0 : i32
    %dma_start3A_283 = tpu.memref_slice %arg4[%dma_start3A_279, %dma_start3A_281, %dma_start3A_282] : memref<2x160x320xf32, #tpu.memory_space<vmem>> -> memref<1x160x320xf32, #tpu.memory_space<vmem>>
    %dma_start3A_284 = tpu.memref_squeeze %dma_start3A_283 : memref<1x160x320xf32, #tpu.memory_space<vmem>> -> memref<160x320xf32, #tpu.memory_space<vmem>>
    %dma_start3A_285 = arith.constant 160 : i32
    %dma_start3A_286 = arith.constant 0 : i32
    %dma_start3A_287 = tpu.memref_slice %arg3[%div3A_250, %rem3A_252, %dma_start3A_285, %dma_start3A_286] : memref<3x16x320x320xf32, #tpu.memory_space<hbm>> -> memref<1x1x160x320xf32, #tpu.memory_space<hbm>>
    %dma_start3A_288 = tpu.memref_squeeze %dma_start3A_287 : memref<1x1x160x320xf32, #tpu.memory_space<hbm>> -> memref<160x320xf32, #tpu.memory_space<hbm>>
    %dma_start3A_289 = tpu.memref_slice %arg6[%dma_start3A_280] : memref<2x!tpu.dma_semaphore, #tpu.memory_space<semaphore_mem>> -> memref<1x!tpu.dma_semaphore, #tpu.memory_space<semaphore_mem>>
    %dma_start3A_290 = tpu.memref_squeeze %dma_start3A_289 : memref<1x!tpu.dma_semaphore, #tpu.memory_space<semaphore_mem>> -> memref<!tpu.dma_semaphore, #tpu.memory_space<semaphore_mem>>
    %dma_start3A_291 = arith.constant 160 : i32
    %dma_start3A_292 = arith.constant 0 : i32
    %dma_start3A_293 = tpu.memref_slice %arg3[%div3A_250, %rem3A_252, %dma_start3A_291, %dma_start3A_292] : memref<3x16x320x320xf32, #tpu.memory_space<hbm>> -> memref<1x1x160x320xf32, #tpu.memory_space<hbm>>
    %dma_start3A_294 = tpu.memref_squeeze %dma_start3A_293 : memref<1x1x160x320xf32, #tpu.memory_space<hbm>> -> memref<160x320xf32, #tpu.memory_space<hbm>>
    %dma_start3A_295 = arith.constant 0 : i32
    %dma_start3A_296 = arith.constant 0 : i32
    %dma_start3A_297 = tpu.memref_slice %arg4[%dma_start3A_279, %dma_start3A_295, %dma_start3A_296] : memref<2x160x320xf32, #tpu.memory_space<vmem>> -> memref<1x160x320xf32, #tpu.memory_space<vmem>>
    %dma_start3A_298 = tpu.memref_squeeze %dma_start3A_297 : memref<1x160x320xf32, #tpu.memory_space<vmem>> -> memref<160x320xf32, #tpu.memory_space<vmem>>
    tpu.enqueue_dma source(%dma_start3A_298 : memref<160x320xf32, #tpu.memory_space<vmem>>) target(%dma_start3A_294 : memref<160x320xf32, #tpu.memory_space<hbm>>) target_semaphore(%dma_start3A_290 : memref<!tpu.dma_semaphore, #tpu.memory_space<semaphore_mem>>)
    %convert_element_type3A = arith.extui %lt3A_1 : i1 to i32
    %cond3A = arith.constant 0 : i32
    %cond3A_299 = arith.cmpi ne, %convert_element_type3A, %cond3A : i32
    scf.if %cond3A_299 {
      %div3A_304 = arith.constant 16 : i32
      %div3A_305 = arith.divsi %select_n3A, %div3A_304 : i32
      %rem3A_306 = arith.constant 16 : i32
      %rem3A_307 = arith.remsi %select_n3A, %rem3A_306 : i32
      %mul3A_308 = arith.constant 63 : i32
      %mul3A_309 = arith.muli %rem3A_307, %mul3A_308 : i32
      %jit3A_310 = arith.constant 15 : i32
      %div3A_311 = arith.divsi %mul3A_309, %jit3A_310 : i32
      %sign3A_312 = arith.constant 0 : i32
      %sign3A_313 = arith.cmpi sgt, %mul3A_309, %sign3A_312 : i32
      %sign3A_314 = arith.extui %sign3A_313 : i1 to i32
      %sign3A_315 = arith.constant 0 : i32
      %sign3A_316 = arith.cmpi slt, %mul3A_309, %sign3A_315 : i32
      %sign3A_317 = arith.extui %sign3A_316 : i1 to i32
      %sign3A_318 = arith.subi %sign3A_314, %sign3A_317 : i32
      %sign3A_319 = arith.constant 0 : i32
      %sign3A_320 = arith.cmpi sgt, %jit3A_310, %sign3A_319 : i32
      %sign3A_321 = arith.extui %sign3A_320 : i1 to i32
      %sign3A_322 = arith.constant 0 : i32
      %sign3A_323 = arith.cmpi slt, %jit3A_310, %sign3A_322 : i32
      %sign3A_324 = arith.extui %sign3A_323 : i1 to i32
      %sign3A_325 = arith.subi %sign3A_321, %sign3A_324 : i32
      %ne3A_326 = arith.cmpi ne, %sign3A_318, %sign3A_325 : i32
      %rem3A_327 = arith.remsi %mul3A_309, %jit3A_310 : i32
      %ne3A_328 = arith.constant 0 : i32
      %ne3A_329 = arith.cmpi ne, %rem3A_327, %ne3A_328 : i32
      %and3A_330 = arith.andi %ne3A_326, %ne3A_329 : i1
      %sub3A_331 = arith.constant 1 : i32
      %sub3A_332 = arith.subi %div3A_311, %sub3A_331 : i32
      %select_n3A_333 = arith.select %and3A_330, %sub3A_332, %div3A_311 : i32
      %dma_wait3A_334 = arith.constant 0 : i32
      %dma_wait3A_335 = arith.constant 0 : i32
      %dma_wait3A_336 = arith.constant 0 : i32
      %dma_wait3A_337 = arith.constant 0 : i32
      %dma_wait3A_338 = tpu.memref_slice %arg4[%dma_wait3A_334, %dma_wait3A_336, %dma_wait3A_337] : memref<2x160x320xf32, #tpu.memory_space<vmem>> -> memref<1x160x320xf32, #tpu.memory_space<vmem>>
      %dma_wait3A_339 = tpu.memref_squeeze %dma_wait3A_338 : memref<1x160x320xf32, #tpu.memory_space<vmem>> -> memref<160x320xf32, #tpu.memory_space<vmem>>
      %dma_wait3A_340 = arith.constant 0 : i32
      %dma_wait3A_341 = arith.constant 0 : i32
      %dma_wait3A_342 = tpu.memref_slice %arg3[%div3A_305, %rem3A_307, %dma_wait3A_340, %dma_wait3A_341] : memref<3x16x320x320xf32, #tpu.memory_space<hbm>> -> memref<1x1x160x320xf32, #tpu.memory_space<hbm>>
      %dma_wait3A_343 = tpu.memref_squeeze %dma_wait3A_342 : memref<1x1x160x320xf32, #tpu.memory_space<hbm>> -> memref<160x320xf32, #tpu.memory_space<hbm>>
      %dma_wait3A_344 = tpu.memref_slice %arg6[%dma_wait3A_335] : memref<2x!tpu.dma_semaphore, #tpu.memory_space<semaphore_mem>> -> memref<1x!tpu.dma_semaphore, #tpu.memory_space<semaphore_mem>>
      %dma_wait3A_345 = tpu.memref_squeeze %dma_wait3A_344 : memref<1x!tpu.dma_semaphore, #tpu.memory_space<semaphore_mem>> -> memref<!tpu.dma_semaphore, #tpu.memory_space<semaphore_mem>>
      %dma_wait3A_346 = arith.constant 0 : i32
      %dma_wait3A_347 = arith.constant 0 : i32
      %dma_wait3A_348 = tpu.memref_slice %arg3[%div3A_305, %rem3A_307, %dma_wait3A_346, %dma_wait3A_347] : memref<3x16x320x320xf32, #tpu.memory_space<hbm>> -> memref<1x1x160x320xf32, #tpu.memory_space<hbm>>
      %dma_wait3A_349 = tpu.memref_squeeze %dma_wait3A_348 : memref<1x1x160x320xf32, #tpu.memory_space<hbm>> -> memref<160x320xf32, #tpu.memory_space<hbm>>
      %dma_wait3A_350 = arith.constant 0 : i32
      %dma_wait3A_351 = arith.constant 0 : i32
      %dma_wait3A_352 = tpu.memref_slice %arg4[%dma_wait3A_334, %dma_wait3A_350, %dma_wait3A_351] : memref<2x160x320xf32, #tpu.memory_space<vmem>> -> memref<1x160x320xf32, #tpu.memory_space<vmem>>
      %dma_wait3A_353 = tpu.memref_squeeze %dma_wait3A_352 : memref<1x160x320xf32, #tpu.memory_space<vmem>> -> memref<160x320xf32, #tpu.memory_space<vmem>>
      tpu.wait_dma2 semaphore(%dma_wait3A_345 : memref<!tpu.dma_semaphore, #tpu.memory_space<semaphore_mem>>) src(%dma_wait3A_353 : memref<160x320xf32, #tpu.memory_space<vmem>>) dst(%dma_wait3A_349 : memref<160x320xf32, #tpu.memory_space<hbm>>)
      %div3A_354 = arith.constant 16 : i32
      %div3A_355 = arith.divsi %add3A_7, %div3A_354 : i32
      %rem3A_356 = arith.constant 16 : i32
      %rem3A_357 = arith.remsi %add3A_7, %rem3A_356 : i32
      %mul3A_358 = arith.constant 63 : i32
      %mul3A_359 = arith.muli %rem3A_357, %mul3A_358 : i32
      %jit3A_360 = arith.constant 15 : i32
      %div3A_361 = arith.divsi %mul3A_359, %jit3A_360 : i32
      %sign3A_362 = arith.constant 0 : i32
      %sign3A_363 = arith.cmpi sgt, %mul3A_359, %sign3A_362 : i32
      %sign3A_364 = arith.extui %sign3A_363 : i1 to i32
      %sign3A_365 = arith.constant 0 : i32
      %sign3A_366 = arith.cmpi slt, %mul3A_359, %sign3A_365 : i32
      %sign3A_367 = arith.extui %sign3A_366 : i1 to i32
      %sign3A_368 = arith.subi %sign3A_364, %sign3A_367 : i32
      %sign3A_369 = arith.constant 0 : i32
      %sign3A_370 = arith.cmpi sgt, %jit3A_360, %sign3A_369 : i32
      %sign3A_371 = arith.extui %sign3A_370 : i1 to i32
      %sign3A_372 = arith.constant 0 : i32
      %sign3A_373 = arith.cmpi slt, %jit3A_360, %sign3A_372 : i32
      %sign3A_374 = arith.extui %sign3A_373 : i1 to i32
      %sign3A_375 = arith.subi %sign3A_371, %sign3A_374 : i32
      %ne3A_376 = arith.cmpi ne, %sign3A_368, %sign3A_375 : i32
      %rem3A_377 = arith.remsi %mul3A_359, %jit3A_360 : i32
      %ne3A_378 = arith.constant 0 : i32
      %ne3A_379 = arith.cmpi ne, %rem3A_377, %ne3A_378 : i32
      %and3A_380 = arith.andi %ne3A_376, %ne3A_379 : i1
      %sub3A_381 = arith.constant 1 : i32
      %sub3A_382 = arith.subi %div3A_361, %sub3A_381 : i32
      %select_n3A_383 = arith.select %and3A_380, %sub3A_382, %div3A_361 : i32
      %dma_start3A_384 = arith.constant 0 : i32
      %dma_start3A_385 = arith.constant 0 : i32
      %dma_start3A_386 = arith.constant 0 : i32
      %dma_start3A_387 = arith.constant 0 : i32
      %dma_start3A_388 = tpu.memref_slice %arg4[%dma_start3A_384, %dma_start3A_386, %dma_start3A_387] : memref<2x160x320xf32, #tpu.memory_space<vmem>> -> memref<1x160x320xf32, #tpu.memory_space<vmem>>
      %dma_start3A_389 = tpu.memref_squeeze %dma_start3A_388 : memref<1x160x320xf32, #tpu.memory_space<vmem>> -> memref<160x320xf32, #tpu.memory_space<vmem>>
      %dma_start3A_390 = arith.constant 0 : i32
      %dma_start3A_391 = arith.constant 0 : i32
      %dma_start3A_392 = tpu.memref_slice %arg2[%div3A_355, %select_n3A_383, %dma_start3A_390, %dma_start3A_391] : memref<3x64x320x320xf32, #tpu.memory_space<hbm>> -> memref<1x1x160x320xf32, #tpu.memory_space<hbm>>
      %dma_start3A_393 = tpu.memref_squeeze %dma_start3A_392 : memref<1x1x160x320xf32, #tpu.memory_space<hbm>> -> memref<160x320xf32, #tpu.memory_space<hbm>>
      %dma_start3A_394 = tpu.memref_slice %arg5[%dma_start3A_385] : memref<2x!tpu.dma_semaphore, #tpu.memory_space<semaphore_mem>> -> memref<1x!tpu.dma_semaphore, #tpu.memory_space<semaphore_mem>>
      %dma_start3A_395 = tpu.memref_squeeze %dma_start3A_394 : memref<1x!tpu.dma_semaphore, #tpu.memory_space<semaphore_mem>> -> memref<!tpu.dma_semaphore, #tpu.memory_space<semaphore_mem>>
      %dma_start3A_396 = arith.constant 0 : i32
      %dma_start3A_397 = arith.constant 0 : i32
      %dma_start3A_398 = tpu.memref_slice %arg4[%dma_start3A_384, %dma_start3A_396, %dma_start3A_397] : memref<2x160x320xf32, #tpu.memory_space<vmem>> -> memref<1x160x320xf32, #tpu.memory_space<vmem>>
      %dma_start3A_399 = tpu.memref_squeeze %dma_start3A_398 : memref<1x160x320xf32, #tpu.memory_space<vmem>> -> memref<160x320xf32, #tpu.memory_space<vmem>>
      %dma_start3A_400 = arith.constant 0 : i32
      %dma_start3A_401 = arith.constant 0 : i32
      %dma_start3A_402 = tpu.memref_slice %arg2[%div3A_355, %select_n3A_383, %dma_start3A_400, %dma_start3A_401] : memref<3x64x320x320xf32, #tpu.memory_space<hbm>> -> memref<1x1x160x320xf32, #tpu.memory_space<hbm>>
      %dma_start3A_403 = tpu.memref_squeeze %dma_start3A_402 : memref<1x1x160x320xf32, #tpu.memory_space<hbm>> -> memref<160x320xf32, #tpu.memory_space<hbm>>
      tpu.enqueue_dma source(%dma_start3A_403 : memref<160x320xf32, #tpu.memory_space<hbm>>) target(%dma_start3A_399 : memref<160x320xf32, #tpu.memory_space<vmem>>) target_semaphore(%dma_start3A_395 : memref<!tpu.dma_semaphore, #tpu.memory_space<semaphore_mem>>)
      %div3A_404 = arith.constant 16 : i32
      %div3A_405 = arith.divsi %select_n3A, %div3A_404 : i32
      %rem3A_406 = arith.constant 16 : i32
      %rem3A_407 = arith.remsi %select_n3A, %rem3A_406 : i32
      %mul3A_408 = arith.constant 63 : i32
      %mul3A_409 = arith.muli %rem3A_407, %mul3A_408 : i32
      %jit3A_410 = arith.constant 15 : i32
      %div3A_411 = arith.divsi %mul3A_409, %jit3A_410 : i32
      %sign3A_412 = arith.constant 0 : i32
      %sign3A_413 = arith.cmpi sgt, %mul3A_409, %sign3A_412 : i32
      %sign3A_414 = arith.extui %sign3A_413 : i1 to i32
      %sign3A_415 = arith.constant 0 : i32
      %sign3A_416 = arith.cmpi slt, %mul3A_409, %sign3A_415 : i32
      %sign3A_417 = arith.extui %sign3A_416 : i1 to i32
      %sign3A_418 = arith.subi %sign3A_414, %sign3A_417 : i32
      %sign3A_419 = arith.constant 0 : i32
      %sign3A_420 = arith.cmpi sgt, %jit3A_410, %sign3A_419 : i32
      %sign3A_421 = arith.extui %sign3A_420 : i1 to i32
      %sign3A_422 = arith.constant 0 : i32
      %sign3A_423 = arith.cmpi slt, %jit3A_410, %sign3A_422 : i32
      %sign3A_424 = arith.extui %sign3A_423 : i1 to i32
      %sign3A_425 = arith.subi %sign3A_421, %sign3A_424 : i32
      %ne3A_426 = arith.cmpi ne, %sign3A_418, %sign3A_425 : i32
      %rem3A_427 = arith.remsi %mul3A_409, %jit3A_410 : i32
      %ne3A_428 = arith.constant 0 : i32
      %ne3A_429 = arith.cmpi ne, %rem3A_427, %ne3A_428 : i32
      %and3A_430 = arith.andi %ne3A_426, %ne3A_429 : i1
      %sub3A_431 = arith.constant 1 : i32
      %sub3A_432 = arith.subi %div3A_411, %sub3A_431 : i32
      %select_n3A_433 = arith.select %and3A_430, %sub3A_432, %div3A_411 : i32
      %dma_wait3A_434 = arith.constant 1 : i32
      %dma_wait3A_435 = arith.constant 1 : i32
      %dma_wait3A_436 = arith.constant 0 : i32
      %dma_wait3A_437 = arith.constant 0 : i32
      %dma_wait3A_438 = tpu.memref_slice %arg4[%dma_wait3A_434, %dma_wait3A_436, %dma_wait3A_437] : memref<2x160x320xf32, #tpu.memory_space<vmem>> -> memref<1x160x320xf32, #tpu.memory_space<vmem>>
      %dma_wait3A_439 = tpu.memref_squeeze %dma_wait3A_438 : memref<1x160x320xf32, #tpu.memory_space<vmem>> -> memref<160x320xf32, #tpu.memory_space<vmem>>
      %dma_wait3A_440 = arith.constant 160 : i32
      %dma_wait3A_441 = arith.constant 0 : i32
      %dma_wait3A_442 = tpu.memref_slice %arg3[%div3A_405, %rem3A_407, %dma_wait3A_440, %dma_wait3A_441] : memref<3x16x320x320xf32, #tpu.memory_space<hbm>> -> memref<1x1x160x320xf32, #tpu.memory_space<hbm>>
      %dma_wait3A_443 = tpu.memref_squeeze %dma_wait3A_442 : memref<1x1x160x320xf32, #tpu.memory_space<hbm>> -> memref<160x320xf32, #tpu.memory_space<hbm>>
      %dma_wait3A_444 = tpu.memref_slice %arg6[%dma_wait3A_435] : memref<2x!tpu.dma_semaphore, #tpu.memory_space<semaphore_mem>> -> memref<1x!tpu.dma_semaphore, #tpu.memory_space<semaphore_mem>>
      %dma_wait3A_445 = tpu.memref_squeeze %dma_wait3A_444 : memref<1x!tpu.dma_semaphore, #tpu.memory_space<semaphore_mem>> -> memref<!tpu.dma_semaphore, #tpu.memory_space<semaphore_mem>>
      %dma_wait3A_446 = arith.constant 160 : i32
      %dma_wait3A_447 = arith.constant 0 : i32
      %dma_wait3A_448 = tpu.memref_slice %arg3[%div3A_405, %rem3A_407, %dma_wait3A_446, %dma_wait3A_447] : memref<3x16x320x320xf32, #tpu.memory_space<hbm>> -> memref<1x1x160x320xf32, #tpu.memory_space<hbm>>
      %dma_wait3A_449 = tpu.memref_squeeze %dma_wait3A_448 : memref<1x1x160x320xf32, #tpu.memory_space<hbm>> -> memref<160x320xf32, #tpu.memory_space<hbm>>
      %dma_wait3A_450 = arith.constant 0 : i32
      %dma_wait3A_451 = arith.constant 0 : i32
      %dma_wait3A_452 = tpu.memref_slice %arg4[%dma_wait3A_434, %dma_wait3A_450, %dma_wait3A_451] : memref<2x160x320xf32, #tpu.memory_space<vmem>> -> memref<1x160x320xf32, #tpu.memory_space<vmem>>
      %dma_wait3A_453 = tpu.memref_squeeze %dma_wait3A_452 : memref<1x160x320xf32, #tpu.memory_space<vmem>> -> memref<160x320xf32, #tpu.memory_space<vmem>>
      tpu.wait_dma2 semaphore(%dma_wait3A_445 : memref<!tpu.dma_semaphore, #tpu.memory_space<semaphore_mem>>) src(%dma_wait3A_453 : memref<160x320xf32, #tpu.memory_space<vmem>>) dst(%dma_wait3A_449 : memref<160x320xf32, #tpu.memory_space<hbm>>)
      %div3A_454 = arith.constant 16 : i32
      %div3A_455 = arith.divsi %add3A_7, %div3A_454 : i32
      %rem3A_456 = arith.constant 16 : i32
      %rem3A_457 = arith.remsi %add3A_7, %rem3A_456 : i32
      %mul3A_458 = arith.constant 63 : i32
      %mul3A_459 = arith.muli %rem3A_457, %mul3A_458 : i32
      %jit3A_460 = arith.constant 15 : i32
      %div3A_461 = arith.divsi %mul3A_459, %jit3A_460 : i32
      %sign3A_462 = arith.constant 0 : i32
      %sign3A_463 = arith.cmpi sgt, %mul3A_459, %sign3A_462 : i32
      %sign3A_464 = arith.extui %sign3A_463 : i1 to i32
      %sign3A_465 = arith.constant 0 : i32
      %sign3A_466 = arith.cmpi slt, %mul3A_459, %sign3A_465 : i32
      %sign3A_467 = arith.extui %sign3A_466 : i1 to i32
      %sign3A_468 = arith.subi %sign3A_464, %sign3A_467 : i32
      %sign3A_469 = arith.constant 0 : i32
      %sign3A_470 = arith.cmpi sgt, %jit3A_460, %sign3A_469 : i32
      %sign3A_471 = arith.extui %sign3A_470 : i1 to i32
      %sign3A_472 = arith.constant 0 : i32
      %sign3A_473 = arith.cmpi slt, %jit3A_460, %sign3A_472 : i32
      %sign3A_474 = arith.extui %sign3A_473 : i1 to i32
      %sign3A_475 = arith.subi %sign3A_471, %sign3A_474 : i32
      %ne3A_476 = arith.cmpi ne, %sign3A_468, %sign3A_475 : i32
      %rem3A_477 = arith.remsi %mul3A_459, %jit3A_460 : i32
      %ne3A_478 = arith.constant 0 : i32
      %ne3A_479 = arith.cmpi ne, %rem3A_477, %ne3A_478 : i32
      %and3A_480 = arith.andi %ne3A_476, %ne3A_479 : i1
      %sub3A_481 = arith.constant 1 : i32
      %sub3A_482 = arith.subi %div3A_461, %sub3A_481 : i32
      %select_n3A_483 = arith.select %and3A_480, %sub3A_482, %div3A_461 : i32
      %dma_start3A_484 = arith.constant 1 : i32
      %dma_start3A_485 = arith.constant 1 : i32
      %dma_start3A_486 = arith.constant 0 : i32
      %dma_start3A_487 = arith.constant 0 : i32
      %dma_start3A_488 = tpu.memref_slice %arg4[%dma_start3A_484, %dma_start3A_486, %dma_start3A_487] : memref<2x160x320xf32, #tpu.memory_space<vmem>> -> memref<1x160x320xf32, #tpu.memory_space<vmem>>
      %dma_start3A_489 = tpu.memref_squeeze %dma_start3A_488 : memref<1x160x320xf32, #tpu.memory_space<vmem>> -> memref<160x320xf32, #tpu.memory_space<vmem>>
      %dma_start3A_490 = arith.constant 160 : i32
      %dma_start3A_491 = arith.constant 0 : i32
      %dma_start3A_492 = tpu.memref_slice %arg2[%div3A_455, %select_n3A_483, %dma_start3A_490, %dma_start3A_491] : memref<3x64x320x320xf32, #tpu.memory_space<hbm>> -> memref<1x1x160x320xf32, #tpu.memory_space<hbm>>
      %dma_start3A_493 = tpu.memref_squeeze %dma_start3A_492 : memref<1x1x160x320xf32, #tpu.memory_space<hbm>> -> memref<160x320xf32, #tpu.memory_space<hbm>>
      %dma_start3A_494 = tpu.memref_slice %arg5[%dma_start3A_485] : memref<2x!tpu.dma_semaphore, #tpu.memory_space<semaphore_mem>> -> memref<1x!tpu.dma_semaphore, #tpu.memory_space<semaphore_mem>>
      %dma_start3A_495 = tpu.memref_squeeze %dma_start3A_494 : memref<1x!tpu.dma_semaphore, #tpu.memory_space<semaphore_mem>> -> memref<!tpu.dma_semaphore, #tpu.memory_space<semaphore_mem>>
      %dma_start3A_496 = arith.constant 0 : i32
      %dma_start3A_497 = arith.constant 0 : i32
      %dma_start3A_498 = tpu.memref_slice %arg4[%dma_start3A_484, %dma_start3A_496, %dma_start3A_497] : memref<2x160x320xf32, #tpu.memory_space<vmem>> -> memref<1x160x320xf32, #tpu.memory_space<vmem>>
      %dma_start3A_499 = tpu.memref_squeeze %dma_start3A_498 : memref<1x160x320xf32, #tpu.memory_space<vmem>> -> memref<160x320xf32, #tpu.memory_space<vmem>>
      %dma_start3A_500 = arith.constant 160 : i32
      %dma_start3A_501 = arith.constant 0 : i32
      %dma_start3A_502 = tpu.memref_slice %arg2[%div3A_455, %select_n3A_483, %dma_start3A_500, %dma_start3A_501] : memref<3x64x320x320xf32, #tpu.memory_space<hbm>> -> memref<1x1x160x320xf32, #tpu.memory_space<hbm>>
      %dma_start3A_503 = tpu.memref_squeeze %dma_start3A_502 : memref<1x1x160x320xf32, #tpu.memory_space<hbm>> -> memref<160x320xf32, #tpu.memory_space<hbm>>
      tpu.enqueue_dma source(%dma_start3A_503 : memref<160x320xf32, #tpu.memory_space<hbm>>) target(%dma_start3A_499 : memref<160x320xf32, #tpu.memory_space<vmem>>) target_semaphore(%dma_start3A_495 : memref<!tpu.dma_semaphore, #tpu.memory_space<semaphore_mem>>)
      %div3A_504 = arith.constant 16 : i32
      %div3A_505 = arith.divsi %add3A_7, %div3A_504 : i32
      %rem3A_506 = arith.constant 16 : i32
      %rem3A_507 = arith.remsi %add3A_7, %rem3A_506 : i32
      %mul3A_508 = arith.constant 63 : i32
      %mul3A_509 = arith.muli %rem3A_507, %mul3A_508 : i32
      %jit3A_510 = arith.constant 15 : i32
      %div3A_511 = arith.divsi %mul3A_509, %jit3A_510 : i32
      %sign3A_512 = arith.constant 0 : i32
      %sign3A_513 = arith.cmpi sgt, %mul3A_509, %sign3A_512 : i32
      %sign3A_514 = arith.extui %sign3A_513 : i1 to i32
      %sign3A_515 = arith.constant 0 : i32
      %sign3A_516 = arith.cmpi slt, %mul3A_509, %sign3A_515 : i32
      %sign3A_517 = arith.extui %sign3A_516 : i1 to i32
      %sign3A_518 = arith.subi %sign3A_514, %sign3A_517 : i32
      %sign3A_519 = arith.constant 0 : i32
      %sign3A_520 = arith.cmpi sgt, %jit3A_510, %sign3A_519 : i32
      %sign3A_521 = arith.extui %sign3A_520 : i1 to i32
      %sign3A_522 = arith.constant 0 : i32
      %sign3A_523 = arith.cmpi slt, %jit3A_510, %sign3A_522 : i32
      %sign3A_524 = arith.extui %sign3A_523 : i1 to i32
      %sign3A_525 = arith.subi %sign3A_521, %sign3A_524 : i32
      %ne3A_526 = arith.cmpi ne, %sign3A_518, %sign3A_525 : i32
      %rem3A_527 = arith.remsi %mul3A_509, %jit3A_510 : i32
      %ne3A_528 = arith.constant 0 : i32
      %ne3A_529 = arith.cmpi ne, %rem3A_527, %ne3A_528 : i32
      %and3A_530 = arith.andi %ne3A_526, %ne3A_529 : i1
      %sub3A_531 = arith.constant 1 : i32
      %sub3A_532 = arith.subi %div3A_511, %sub3A_531 : i32
      %select_n3A_533 = arith.select %and3A_530, %sub3A_532, %div3A_511 : i32
      %dma_wait3A_534 = arith.constant 0 : i32
      %dma_wait3A_535 = arith.constant 0 : i32
      %dma_wait3A_536 = arith.constant 0 : i32
      %dma_wait3A_537 = arith.constant 0 : i32
      %dma_wait3A_538 = tpu.memref_slice %arg4[%dma_wait3A_534, %dma_wait3A_536, %dma_wait3A_537] : memref<2x160x320xf32, #tpu.memory_space<vmem>> -> memref<1x160x320xf32, #tpu.memory_space<vmem>>
      %dma_wait3A_539 = tpu.memref_squeeze %dma_wait3A_538 : memref<1x160x320xf32, #tpu.memory_space<vmem>> -> memref<160x320xf32, #tpu.memory_space<vmem>>
      %dma_wait3A_540 = arith.constant 0 : i32
      %dma_wait3A_541 = arith.constant 0 : i32
      %dma_wait3A_542 = tpu.memref_slice %arg2[%div3A_505, %select_n3A_533, %dma_wait3A_540, %dma_wait3A_541] : memref<3x64x320x320xf32, #tpu.memory_space<hbm>> -> memref<1x1x160x320xf32, #tpu.memory_space<hbm>>
      %dma_wait3A_543 = tpu.memref_squeeze %dma_wait3A_542 : memref<1x1x160x320xf32, #tpu.memory_space<hbm>> -> memref<160x320xf32, #tpu.memory_space<hbm>>
      %dma_wait3A_544 = tpu.memref_slice %arg5[%dma_wait3A_535] : memref<2x!tpu.dma_semaphore, #tpu.memory_space<semaphore_mem>> -> memref<1x!tpu.dma_semaphore, #tpu.memory_space<semaphore_mem>>
      %dma_wait3A_545 = tpu.memref_squeeze %dma_wait3A_544 : memref<1x!tpu.dma_semaphore, #tpu.memory_space<semaphore_mem>> -> memref<!tpu.dma_semaphore, #tpu.memory_space<semaphore_mem>>
      %dma_wait3A_546 = arith.constant 0 : i32
      %dma_wait3A_547 = arith.constant 0 : i32
      %dma_wait3A_548 = tpu.memref_slice %arg4[%dma_wait3A_534, %dma_wait3A_546, %dma_wait3A_547] : memref<2x160x320xf32, #tpu.memory_space<vmem>> -> memref<1x160x320xf32, #tpu.memory_space<vmem>>
      %dma_wait3A_549 = tpu.memref_squeeze %dma_wait3A_548 : memref<1x160x320xf32, #tpu.memory_space<vmem>> -> memref<160x320xf32, #tpu.memory_space<vmem>>
      %dma_wait3A_550 = arith.constant 0 : i32
      %dma_wait3A_551 = arith.constant 0 : i32
      %dma_wait3A_552 = tpu.memref_slice %arg2[%div3A_505, %select_n3A_533, %dma_wait3A_550, %dma_wait3A_551] : memref<3x64x320x320xf32, #tpu.memory_space<hbm>> -> memref<1x1x160x320xf32, #tpu.memory_space<hbm>>
      %dma_wait3A_553 = tpu.memref_squeeze %dma_wait3A_552 : memref<1x1x160x320xf32, #tpu.memory_space<hbm>> -> memref<160x320xf32, #tpu.memory_space<hbm>>
      tpu.wait_dma2 semaphore(%dma_wait3A_545 : memref<!tpu.dma_semaphore, #tpu.memory_space<semaphore_mem>>) src(%dma_wait3A_553 : memref<160x320xf32, #tpu.memory_space<hbm>>) dst(%dma_wait3A_549 : memref<160x320xf32, #tpu.memory_space<vmem>>)
      %div3A_554 = arith.constant 16 : i32
      %div3A_555 = arith.divsi %add3A_7, %div3A_554 : i32
      %rem3A_556 = arith.constant 16 : i32
      %rem3A_557 = arith.remsi %add3A_7, %rem3A_556 : i32
      %mul3A_558 = arith.constant 63 : i32
      %mul3A_559 = arith.muli %rem3A_557, %mul3A_558 : i32
      %jit3A_560 = arith.constant 15 : i32
      %div3A_561 = arith.divsi %mul3A_559, %jit3A_560 : i32
      %sign3A_562 = arith.constant 0 : i32
      %sign3A_563 = arith.cmpi sgt, %mul3A_559, %sign3A_562 : i32
      %sign3A_564 = arith.extui %sign3A_563 : i1 to i32
      %sign3A_565 = arith.constant 0 : i32
      %sign3A_566 = arith.cmpi slt, %mul3A_559, %sign3A_565 : i32
      %sign3A_567 = arith.extui %sign3A_566 : i1 to i32
      %sign3A_568 = arith.subi %sign3A_564, %sign3A_567 : i32
      %sign3A_569 = arith.constant 0 : i32
      %sign3A_570 = arith.cmpi sgt, %jit3A_560, %sign3A_569 : i32
      %sign3A_571 = arith.extui %sign3A_570 : i1 to i32
      %sign3A_572 = arith.constant 0 : i32
      %sign3A_573 = arith.cmpi slt, %jit3A_560, %sign3A_572 : i32
      %sign3A_574 = arith.extui %sign3A_573 : i1 to i32
      %sign3A_575 = arith.subi %sign3A_571, %sign3A_574 : i32
      %ne3A_576 = arith.cmpi ne, %sign3A_568, %sign3A_575 : i32
      %rem3A_577 = arith.remsi %mul3A_559, %jit3A_560 : i32
      %ne3A_578 = arith.constant 0 : i32
      %ne3A_579 = arith.cmpi ne, %rem3A_577, %ne3A_578 : i32
      %and3A_580 = arith.andi %ne3A_576, %ne3A_579 : i1
      %sub3A_581 = arith.constant 1 : i32
      %sub3A_582 = arith.subi %div3A_561, %sub3A_581 : i32
      %select_n3A_583 = arith.select %and3A_580, %sub3A_582, %div3A_561 : i32
      %dma_start3A_584 = arith.constant 0 : i32
      %dma_start3A_585 = arith.constant 0 : i32
      %dma_start3A_586 = arith.constant 0 : i32
      %dma_start3A_587 = arith.constant 0 : i32
      %dma_start3A_588 = tpu.memref_slice %arg4[%dma_start3A_584, %dma_start3A_586, %dma_start3A_587] : memref<2x160x320xf32, #tpu.memory_space<vmem>> -> memref<1x160x320xf32, #tpu.memory_space<vmem>>
      %dma_start3A_589 = tpu.memref_squeeze %dma_start3A_588 : memref<1x160x320xf32, #tpu.memory_space<vmem>> -> memref<160x320xf32, #tpu.memory_space<vmem>>
      %dma_start3A_590 = arith.constant 0 : i32
      %dma_start3A_591 = arith.constant 0 : i32
      %dma_start3A_592 = tpu.memref_slice %arg3[%div3A_555, %rem3A_557, %dma_start3A_590, %dma_start3A_591] : memref<3x16x320x320xf32, #tpu.memory_space<hbm>> -> memref<1x1x160x320xf32, #tpu.memory_space<hbm>>
      %dma_start3A_593 = tpu.memref_squeeze %dma_start3A_592 : memref<1x1x160x320xf32, #tpu.memory_space<hbm>> -> memref<160x320xf32, #tpu.memory_space<hbm>>
      %dma_start3A_594 = tpu.memref_slice %arg6[%dma_start3A_585] : memref<2x!tpu.dma_semaphore, #tpu.memory_space<semaphore_mem>> -> memref<1x!tpu.dma_semaphore, #tpu.memory_space<semaphore_mem>>
      %dma_start3A_595 = tpu.memref_squeeze %dma_start3A_594 : memref<1x!tpu.dma_semaphore, #tpu.memory_space<semaphore_mem>> -> memref<!tpu.dma_semaphore, #tpu.memory_space<semaphore_mem>>
      %dma_start3A_596 = arith.constant 0 : i32
      %dma_start3A_597 = arith.constant 0 : i32
      %dma_start3A_598 = tpu.memref_slice %arg3[%div3A_555, %rem3A_557, %dma_start3A_596, %dma_start3A_597] : memref<3x16x320x320xf32, #tpu.memory_space<hbm>> -> memref<1x1x160x320xf32, #tpu.memory_space<hbm>>
      %dma_start3A_599 = tpu.memref_squeeze %dma_start3A_598 : memref<1x1x160x320xf32, #tpu.memory_space<hbm>> -> memref<160x320xf32, #tpu.memory_space<hbm>>
      %dma_start3A_600 = arith.constant 0 : i32
      %dma_start3A_601 = arith.constant 0 : i32
      %dma_start3A_602 = tpu.memref_slice %arg4[%dma_start3A_584, %dma_start3A_600, %dma_start3A_601] : memref<2x160x320xf32, #tpu.memory_space<vmem>> -> memref<1x160x320xf32, #tpu.memory_space<vmem>>
      %dma_start3A_603 = tpu.memref_squeeze %dma_start3A_602 : memref<1x160x320xf32, #tpu.memory_space<vmem>> -> memref<160x320xf32, #tpu.memory_space<vmem>>
      tpu.enqueue_dma source(%dma_start3A_603 : memref<160x320xf32, #tpu.memory_space<vmem>>) target(%dma_start3A_599 : memref<160x320xf32, #tpu.memory_space<hbm>>) target_semaphore(%dma_start3A_595 : memref<!tpu.dma_semaphore, #tpu.memory_space<semaphore_mem>>)
      %div3A_604 = arith.constant 16 : i32
      %div3A_605 = arith.divsi %add3A_7, %div3A_604 : i32
      %rem3A_606 = arith.constant 16 : i32
      %rem3A_607 = arith.remsi %add3A_7, %rem3A_606 : i32
      %mul3A_608 = arith.constant 63 : i32
      %mul3A_609 = arith.muli %rem3A_607, %mul3A_608 : i32
      %jit3A_610 = arith.constant 15 : i32
      %div3A_611 = arith.divsi %mul3A_609, %jit3A_610 : i32
      %sign3A_612 = arith.constant 0 : i32
      %sign3A_613 = arith.cmpi sgt, %mul3A_609, %sign3A_612 : i32
      %sign3A_614 = arith.extui %sign3A_613 : i1 to i32
      %sign3A_615 = arith.constant 0 : i32
      %sign3A_616 = arith.cmpi slt, %mul3A_609, %sign3A_615 : i32
      %sign3A_617 = arith.extui %sign3A_616 : i1 to i32
      %sign3A_618 = arith.subi %sign3A_614, %sign3A_617 : i32
      %sign3A_619 = arith.constant 0 : i32
      %sign3A_620 = arith.cmpi sgt, %jit3A_610, %sign3A_619 : i32
      %sign3A_621 = arith.extui %sign3A_620 : i1 to i32
      %sign3A_622 = arith.constant 0 : i32
      %sign3A_623 = arith.cmpi slt, %jit3A_610, %sign3A_622 : i32
      %sign3A_624 = arith.extui %sign3A_623 : i1 to i32
      %sign3A_625 = arith.subi %sign3A_621, %sign3A_624 : i32
      %ne3A_626 = arith.cmpi ne, %sign3A_618, %sign3A_625 : i32
      %rem3A_627 = arith.remsi %mul3A_609, %jit3A_610 : i32
      %ne3A_628 = arith.constant 0 : i32
      %ne3A_629 = arith.cmpi ne, %rem3A_627, %ne3A_628 : i32
      %and3A_630 = arith.andi %ne3A_626, %ne3A_629 : i1
      %sub3A_631 = arith.constant 1 : i32
      %sub3A_632 = arith.subi %div3A_611, %sub3A_631 : i32
      %select_n3A_633 = arith.select %and3A_630, %sub3A_632, %div3A_611 : i32
      %dma_wait3A_634 = arith.constant 1 : i32
      %dma_wait3A_635 = arith.constant 1 : i32
      %dma_wait3A_636 = arith.constant 0 : i32
      %dma_wait3A_637 = arith.constant 0 : i32
      %dma_wait3A_638 = tpu.memref_slice %arg4[%dma_wait3A_634, %dma_wait3A_636, %dma_wait3A_637] : memref<2x160x320xf32, #tpu.memory_space<vmem>> -> memref<1x160x320xf32, #tpu.memory_space<vmem>>
      %dma_wait3A_639 = tpu.memref_squeeze %dma_wait3A_638 : memref<1x160x320xf32, #tpu.memory_space<vmem>> -> memref<160x320xf32, #tpu.memory_space<vmem>>
      %dma_wait3A_640 = arith.constant 160 : i32
      %dma_wait3A_641 = arith.constant 0 : i32
      %dma_wait3A_642 = tpu.memref_slice %arg2[%div3A_605, %select_n3A_633, %dma_wait3A_640, %dma_wait3A_641] : memref<3x64x320x320xf32, #tpu.memory_space<hbm>> -> memref<1x1x160x320xf32, #tpu.memory_space<hbm>>
      %dma_wait3A_643 = tpu.memref_squeeze %dma_wait3A_642 : memref<1x1x160x320xf32, #tpu.memory_space<hbm>> -> memref<160x320xf32, #tpu.memory_space<hbm>>
      %dma_wait3A_644 = tpu.memref_slice %arg5[%dma_wait3A_635] : memref<2x!tpu.dma_semaphore, #tpu.memory_space<semaphore_mem>> -> memref<1x!tpu.dma_semaphore, #tpu.memory_space<semaphore_mem>>
      %dma_wait3A_645 = tpu.memref_squeeze %dma_wait3A_644 : memref<1x!tpu.dma_semaphore, #tpu.memory_space<semaphore_mem>> -> memref<!tpu.dma_semaphore, #tpu.memory_space<semaphore_mem>>
      %dma_wait3A_646 = arith.constant 0 : i32
      %dma_wait3A_647 = arith.constant 0 : i32
      %dma_wait3A_648 = tpu.memref_slice %arg4[%dma_wait3A_634, %dma_wait3A_646, %dma_wait3A_647] : memref<2x160x320xf32, #tpu.memory_space<vmem>> -> memref<1x160x320xf32, #tpu.memory_space<vmem>>
      %dma_wait3A_649 = tpu.memref_squeeze %dma_wait3A_648 : memref<1x160x320xf32, #tpu.memory_space<vmem>> -> memref<160x320xf32, #tpu.memory_space<vmem>>
      %dma_wait3A_650 = arith.constant 160 : i32
      %dma_wait3A_651 = arith.constant 0 : i32
      %dma_wait3A_652 = tpu.memref_slice %arg2[%div3A_605, %select_n3A_633, %dma_wait3A_650, %dma_wait3A_651] : memref<3x64x320x320xf32, #tpu.memory_space<hbm>> -> memref<1x1x160x320xf32, #tpu.memory_space<hbm>>
      %dma_wait3A_653 = tpu.memref_squeeze %dma_wait3A_652 : memref<1x1x160x320xf32, #tpu.memory_space<hbm>> -> memref<160x320xf32, #tpu.memory_space<hbm>>
      tpu.wait_dma2 semaphore(%dma_wait3A_645 : memref<!tpu.dma_semaphore, #tpu.memory_space<semaphore_mem>>) src(%dma_wait3A_653 : memref<160x320xf32, #tpu.memory_space<hbm>>) dst(%dma_wait3A_649 : memref<160x320xf32, #tpu.memory_space<vmem>>)
      %div3A_654 = arith.constant 16 : i32
      %div3A_655 = arith.divsi %add3A_7, %div3A_654 : i32
      %rem3A_656 = arith.constant 16 : i32
      %rem3A_657 = arith.remsi %add3A_7, %rem3A_656 : i32
      %mul3A_658 = arith.constant 63 : i32
      %mul3A_659 = arith.muli %rem3A_657, %mul3A_658 : i32
      %jit3A_660 = arith.constant 15 : i32
      %div3A_661 = arith.divsi %mul3A_659, %jit3A_660 : i32
      %sign3A_662 = arith.constant 0 : i32
      %sign3A_663 = arith.cmpi sgt, %mul3A_659, %sign3A_662 : i32
      %sign3A_664 = arith.extui %sign3A_663 : i1 to i32
      %sign3A_665 = arith.constant 0 : i32
      %sign3A_666 = arith.cmpi slt, %mul3A_659, %sign3A_665 : i32
      %sign3A_667 = arith.extui %sign3A_666 : i1 to i32
      %sign3A_668 = arith.subi %sign3A_664, %sign3A_667 : i32
      %sign3A_669 = arith.constant 0 : i32
      %sign3A_670 = arith.cmpi sgt, %jit3A_660, %sign3A_669 : i32
      %sign3A_671 = arith.extui %sign3A_670 : i1 to i32
      %sign3A_672 = arith.constant 0 : i32
      %sign3A_673 = arith.cmpi slt, %jit3A_660, %sign3A_672 : i32
      %sign3A_674 = arith.extui %sign3A_673 : i1 to i32
      %sign3A_675 = arith.subi %sign3A_671, %sign3A_674 : i32
      %ne3A_676 = arith.cmpi ne, %sign3A_668, %sign3A_675 : i32
      %rem3A_677 = arith.remsi %mul3A_659, %jit3A_660 : i32
      %ne3A_678 = arith.constant 0 : i32
      %ne3A_679 = arith.cmpi ne, %rem3A_677, %ne3A_678 : i32
      %and3A_680 = arith.andi %ne3A_676, %ne3A_679 : i1
      %sub3A_681 = arith.constant 1 : i32
      %sub3A_682 = arith.subi %div3A_661, %sub3A_681 : i32
      %select_n3A_683 = arith.select %and3A_680, %sub3A_682, %div3A_661 : i32
      %dma_start3A_684 = arith.constant 1 : i32
      %dma_start3A_685 = arith.constant 1 : i32
      %dma_start3A_686 = arith.constant 0 : i32
      %dma_start3A_687 = arith.constant 0 : i32
      %dma_start3A_688 = tpu.memref_slice %arg4[%dma_start3A_684, %dma_start3A_686, %dma_start3A_687] : memref<2x160x320xf32, #tpu.memory_space<vmem>> -> memref<1x160x320xf32, #tpu.memory_space<vmem>>
      %dma_start3A_689 = tpu.memref_squeeze %dma_start3A_688 : memref<1x160x320xf32, #tpu.memory_space<vmem>> -> memref<160x320xf32, #tpu.memory_space<vmem>>
      %dma_start3A_690 = arith.constant 160 : i32
      %dma_start3A_691 = arith.constant 0 : i32
      %dma_start3A_692 = tpu.memref_slice %arg3[%div3A_655, %rem3A_657, %dma_start3A_690, %dma_start3A_691] : memref<3x16x320x320xf32, #tpu.memory_space<hbm>> -> memref<1x1x160x320xf32, #tpu.memory_space<hbm>>
      %dma_start3A_693 = tpu.memref_squeeze %dma_start3A_692 : memref<1x1x160x320xf32, #tpu.memory_space<hbm>> -> memref<160x320xf32, #tpu.memory_space<hbm>>
      %dma_start3A_694 = tpu.memref_slice %arg6[%dma_start3A_685] : memref<2x!tpu.dma_semaphore, #tpu.memory_space<semaphore_mem>> -> memref<1x!tpu.dma_semaphore, #tpu.memory_space<semaphore_mem>>
      %dma_start3A_695 = tpu.memref_squeeze %dma_start3A_694 : memref<1x!tpu.dma_semaphore, #tpu.memory_space<semaphore_mem>> -> memref<!tpu.dma_semaphore, #tpu.memory_space<semaphore_mem>>
      %dma_start3A_696 = arith.constant 160 : i32
      %dma_start3A_697 = arith.constant 0 : i32
      %dma_start3A_698 = tpu.memref_slice %arg3[%div3A_655, %rem3A_657, %dma_start3A_696, %dma_start3A_697] : memref<3x16x320x320xf32, #tpu.memory_space<hbm>> -> memref<1x1x160x320xf32, #tpu.memory_space<hbm>>
      %dma_start3A_699 = tpu.memref_squeeze %dma_start3A_698 : memref<1x1x160x320xf32, #tpu.memory_space<hbm>> -> memref<160x320xf32, #tpu.memory_space<hbm>>
      %dma_start3A_700 = arith.constant 0 : i32
      %dma_start3A_701 = arith.constant 0 : i32
      %dma_start3A_702 = tpu.memref_slice %arg4[%dma_start3A_684, %dma_start3A_700, %dma_start3A_701] : memref<2x160x320xf32, #tpu.memory_space<vmem>> -> memref<1x160x320xf32, #tpu.memory_space<vmem>>
      %dma_start3A_703 = tpu.memref_squeeze %dma_start3A_702 : memref<1x160x320xf32, #tpu.memory_space<vmem>> -> memref<160x320xf32, #tpu.memory_space<vmem>>
      tpu.enqueue_dma source(%dma_start3A_703 : memref<160x320xf32, #tpu.memory_space<vmem>>) target(%dma_start3A_699 : memref<160x320xf32, #tpu.memory_space<hbm>>) target_semaphore(%dma_start3A_695 : memref<!tpu.dma_semaphore, #tpu.memory_space<semaphore_mem>>)
      %div3A_704 = arith.constant 16 : i32
      %div3A_705 = arith.divsi %add3A_7, %div3A_704 : i32
      %rem3A_706 = arith.constant 16 : i32
      %rem3A_707 = arith.remsi %add3A_7, %rem3A_706 : i32
      %mul3A_708 = arith.constant 63 : i32
      %mul3A_709 = arith.muli %rem3A_707, %mul3A_708 : i32
      %jit3A_710 = arith.constant 15 : i32
      %div3A_711 = arith.divsi %mul3A_709, %jit3A_710 : i32
      %sign3A_712 = arith.constant 0 : i32
      %sign3A_713 = arith.cmpi sgt, %mul3A_709, %sign3A_712 : i32
      %sign3A_714 = arith.extui %sign3A_713 : i1 to i32
      %sign3A_715 = arith.constant 0 : i32
      %sign3A_716 = arith.cmpi slt, %mul3A_709, %sign3A_715 : i32
      %sign3A_717 = arith.extui %sign3A_716 : i1 to i32
      %sign3A_718 = arith.subi %sign3A_714, %sign3A_717 : i32
      %sign3A_719 = arith.constant 0 : i32
      %sign3A_720 = arith.cmpi sgt, %jit3A_710, %sign3A_719 : i32
      %sign3A_721 = arith.extui %sign3A_720 : i1 to i32
      %sign3A_722 = arith.constant 0 : i32
      %sign3A_723 = arith.cmpi slt, %jit3A_710, %sign3A_722 : i32
      %sign3A_724 = arith.extui %sign3A_723 : i1 to i32
      %sign3A_725 = arith.subi %sign3A_721, %sign3A_724 : i32
      %ne3A_726 = arith.cmpi ne, %sign3A_718, %sign3A_725 : i32
      %rem3A_727 = arith.remsi %mul3A_709, %jit3A_710 : i32
      %ne3A_728 = arith.constant 0 : i32
      %ne3A_729 = arith.cmpi ne, %rem3A_727, %ne3A_728 : i32
      %and3A_730 = arith.andi %ne3A_726, %ne3A_729 : i1
      %sub3A_731 = arith.constant 1 : i32
      %sub3A_732 = arith.subi %div3A_711, %sub3A_731 : i32
      %select_n3A_733 = arith.select %and3A_730, %sub3A_732, %div3A_711 : i32
      %dma_wait3A_734 = arith.constant 0 : i32
      %dma_wait3A_735 = arith.constant 0 : i32
      %dma_wait3A_736 = arith.constant 0 : i32
      %dma_wait3A_737 = arith.constant 0 : i32
      %dma_wait3A_738 = tpu.memref_slice %arg4[%dma_wait3A_734, %dma_wait3A_736, %dma_wait3A_737] : memref<2x160x320xf32, #tpu.memory_space<vmem>> -> memref<1x160x320xf32, #tpu.memory_space<vmem>>
      %dma_wait3A_739 = tpu.memref_squeeze %dma_wait3A_738 : memref<1x160x320xf32, #tpu.memory_space<vmem>> -> memref<160x320xf32, #tpu.memory_space<vmem>>
      %dma_wait3A_740 = arith.constant 0 : i32
      %dma_wait3A_741 = arith.constant 0 : i32
      %dma_wait3A_742 = tpu.memref_slice %arg3[%div3A_705, %rem3A_707, %dma_wait3A_740, %dma_wait3A_741] : memref<3x16x320x320xf32, #tpu.memory_space<hbm>> -> memref<1x1x160x320xf32, #tpu.memory_space<hbm>>
      %dma_wait3A_743 = tpu.memref_squeeze %dma_wait3A_742 : memref<1x1x160x320xf32, #tpu.memory_space<hbm>> -> memref<160x320xf32, #tpu.memory_space<hbm>>
      %dma_wait3A_744 = tpu.memref_slice %arg6[%dma_wait3A_735] : memref<2x!tpu.dma_semaphore, #tpu.memory_space<semaphore_mem>> -> memref<1x!tpu.dma_semaphore, #tpu.memory_space<semaphore_mem>>
      %dma_wait3A_745 = tpu.memref_squeeze %dma_wait3A_744 : memref<1x!tpu.dma_semaphore, #tpu.memory_space<semaphore_mem>> -> memref<!tpu.dma_semaphore, #tpu.memory_space<semaphore_mem>>
      %dma_wait3A_746 = arith.constant 0 : i32
      %dma_wait3A_747 = arith.constant 0 : i32
      %dma_wait3A_748 = tpu.memref_slice %arg3[%div3A_705, %rem3A_707, %dma_wait3A_746, %dma_wait3A_747] : memref<3x16x320x320xf32, #tpu.memory_space<hbm>> -> memref<1x1x160x320xf32, #tpu.memory_space<hbm>>
      %dma_wait3A_749 = tpu.memref_squeeze %dma_wait3A_748 : memref<1x1x160x320xf32, #tpu.memory_space<hbm>> -> memref<160x320xf32, #tpu.memory_space<hbm>>
      %dma_wait3A_750 = arith.constant 0 : i32
      %dma_wait3A_751 = arith.constant 0 : i32
      %dma_wait3A_752 = tpu.memref_slice %arg4[%dma_wait3A_734, %dma_wait3A_750, %dma_wait3A_751] : memref<2x160x320xf32, #tpu.memory_space<vmem>> -> memref<1x160x320xf32, #tpu.memory_space<vmem>>
      %dma_wait3A_753 = tpu.memref_squeeze %dma_wait3A_752 : memref<1x160x320xf32, #tpu.memory_space<vmem>> -> memref<160x320xf32, #tpu.memory_space<vmem>>
      tpu.wait_dma2 semaphore(%dma_wait3A_745 : memref<!tpu.dma_semaphore, #tpu.memory_space<semaphore_mem>>) src(%dma_wait3A_753 : memref<160x320xf32, #tpu.memory_space<vmem>>) dst(%dma_wait3A_749 : memref<160x320xf32, #tpu.memory_space<hbm>>)
      %div3A_754 = arith.constant 16 : i32
      %div3A_755 = arith.divsi %add3A_7, %div3A_754 : i32
      %rem3A_756 = arith.constant 16 : i32
      %rem3A_757 = arith.remsi %add3A_7, %rem3A_756 : i32
      %mul3A_758 = arith.constant 63 : i32
      %mul3A_759 = arith.muli %rem3A_757, %mul3A_758 : i32
      %jit3A_760 = arith.constant 15 : i32
      %div3A_761 = arith.divsi %mul3A_759, %jit3A_760 : i32
      %sign3A_762 = arith.constant 0 : i32
      %sign3A_763 = arith.cmpi sgt, %mul3A_759, %sign3A_762 : i32
      %sign3A_764 = arith.extui %sign3A_763 : i1 to i32
      %sign3A_765 = arith.constant 0 : i32
      %sign3A_766 = arith.cmpi slt, %mul3A_759, %sign3A_765 : i32
      %sign3A_767 = arith.extui %sign3A_766 : i1 to i32
      %sign3A_768 = arith.subi %sign3A_764, %sign3A_767 : i32
      %sign3A_769 = arith.constant 0 : i32
      %sign3A_770 = arith.cmpi sgt, %jit3A_760, %sign3A_769 : i32
      %sign3A_771 = arith.extui %sign3A_770 : i1 to i32
      %sign3A_772 = arith.constant 0 : i32
      %sign3A_773 = arith.cmpi slt, %jit3A_760, %sign3A_772 : i32
      %sign3A_774 = arith.extui %sign3A_773 : i1 to i32
      %sign3A_775 = arith.subi %sign3A_771, %sign3A_774 : i32
      %ne3A_776 = arith.cmpi ne, %sign3A_768, %sign3A_775 : i32
      %rem3A_777 = arith.remsi %mul3A_759, %jit3A_760 : i32
      %ne3A_778 = arith.constant 0 : i32
      %ne3A_779 = arith.cmpi ne, %rem3A_777, %ne3A_778 : i32
      %and3A_780 = arith.andi %ne3A_776, %ne3A_779 : i1
      %sub3A_781 = arith.constant 1 : i32
      %sub3A_782 = arith.subi %div3A_761, %sub3A_781 : i32
      %select_n3A_783 = arith.select %and3A_780, %sub3A_782, %div3A_761 : i32
      %dma_wait3A_784 = arith.constant 1 : i32
      %dma_wait3A_785 = arith.constant 1 : i32
      %dma_wait3A_786 = arith.constant 0 : i32
      %dma_wait3A_787 = arith.constant 0 : i32
      %dma_wait3A_788 = tpu.memref_slice %arg4[%dma_wait3A_784, %dma_wait3A_786, %dma_wait3A_787] : memref<2x160x320xf32, #tpu.memory_space<vmem>> -> memref<1x160x320xf32, #tpu.memory_space<vmem>>
      %dma_wait3A_789 = tpu.memref_squeeze %dma_wait3A_788 : memref<1x160x320xf32, #tpu.memory_space<vmem>> -> memref<160x320xf32, #tpu.memory_space<vmem>>
      %dma_wait3A_790 = arith.constant 160 : i32
      %dma_wait3A_791 = arith.constant 0 : i32
      %dma_wait3A_792 = tpu.memref_slice %arg3[%div3A_755, %rem3A_757, %dma_wait3A_790, %dma_wait3A_791] : memref<3x16x320x320xf32, #tpu.memory_space<hbm>> -> memref<1x1x160x320xf32, #tpu.memory_space<hbm>>
      %dma_wait3A_793 = tpu.memref_squeeze %dma_wait3A_792 : memref<1x1x160x320xf32, #tpu.memory_space<hbm>> -> memref<160x320xf32, #tpu.memory_space<hbm>>
      %dma_wait3A_794 = tpu.memref_slice %arg6[%dma_wait3A_785] : memref<2x!tpu.dma_semaphore, #tpu.memory_space<semaphore_mem>> -> memref<1x!tpu.dma_semaphore, #tpu.memory_space<semaphore_mem>>
      %dma_wait3A_795 = tpu.memref_squeeze %dma_wait3A_794 : memref<1x!tpu.dma_semaphore, #tpu.memory_space<semaphore_mem>> -> memref<!tpu.dma_semaphore, #tpu.memory_space<semaphore_mem>>
      %dma_wait3A_796 = arith.constant 160 : i32
      %dma_wait3A_797 = arith.constant 0 : i32
      %dma_wait3A_798 = tpu.memref_slice %arg3[%div3A_755, %rem3A_757, %dma_wait3A_796, %dma_wait3A_797] : memref<3x16x320x320xf32, #tpu.memory_space<hbm>> -> memref<1x1x160x320xf32, #tpu.memory_space<hbm>>
      %dma_wait3A_799 = tpu.memref_squeeze %dma_wait3A_798 : memref<1x1x160x320xf32, #tpu.memory_space<hbm>> -> memref<160x320xf32, #tpu.memory_space<hbm>>
      %dma_wait3A_800 = arith.constant 0 : i32
      %dma_wait3A_801 = arith.constant 0 : i32
      %dma_wait3A_802 = tpu.memref_slice %arg4[%dma_wait3A_784, %dma_wait3A_800, %dma_wait3A_801] : memref<2x160x320xf32, #tpu.memory_space<vmem>> -> memref<1x160x320xf32, #tpu.memory_space<vmem>>
      %dma_wait3A_803 = tpu.memref_squeeze %dma_wait3A_802 : memref<1x160x320xf32, #tpu.memory_space<vmem>> -> memref<160x320xf32, #tpu.memory_space<vmem>>
      tpu.wait_dma2 semaphore(%dma_wait3A_795 : memref<!tpu.dma_semaphore, #tpu.memory_space<semaphore_mem>>) src(%dma_wait3A_803 : memref<160x320xf32, #tpu.memory_space<vmem>>) dst(%dma_wait3A_799 : memref<160x320xf32, #tpu.memory_space<hbm>>)
    } else {
    }
    %not3A = arith.constant true
    %not3A_300 = arith.xori %lt3A_1, %not3A : i1
    %convert_element_type3A_301 = arith.extui %not3A_300 : i1 to i32
    %cond3A_302 = arith.constant 0 : i32
    %cond3A_303 = arith.cmpi ne, %convert_element_type3A_301, %cond3A_302 : i32
    scf.if %cond3A_303 {
      %div3A_304 = arith.constant 16 : i32
      %div3A_305 = arith.divsi %select_n3A, %div3A_304 : i32
      %rem3A_306 = arith.constant 16 : i32
      %rem3A_307 = arith.remsi %select_n3A, %rem3A_306 : i32
      %mul3A_308 = arith.constant 63 : i32
      %mul3A_309 = arith.muli %rem3A_307, %mul3A_308 : i32
      %jit3A_310 = arith.constant 15 : i32
      %div3A_311 = arith.divsi %mul3A_309, %jit3A_310 : i32
      %sign3A_312 = arith.constant 0 : i32
      %sign3A_313 = arith.cmpi sgt, %mul3A_309, %sign3A_312 : i32
      %sign3A_314 = arith.extui %sign3A_313 : i1 to i32
      %sign3A_315 = arith.constant 0 : i32
      %sign3A_316 = arith.cmpi slt, %mul3A_309, %sign3A_315 : i32
      %sign3A_317 = arith.extui %sign3A_316 : i1 to i32
      %sign3A_318 = arith.subi %sign3A_314, %sign3A_317 : i32
      %sign3A_319 = arith.constant 0 : i32
      %sign3A_320 = arith.cmpi sgt, %jit3A_310, %sign3A_319 : i32
      %sign3A_321 = arith.extui %sign3A_320 : i1 to i32
      %sign3A_322 = arith.constant 0 : i32
      %sign3A_323 = arith.cmpi slt, %jit3A_310, %sign3A_322 : i32
      %sign3A_324 = arith.extui %sign3A_323 : i1 to i32
      %sign3A_325 = arith.subi %sign3A_321, %sign3A_324 : i32
      %ne3A_326 = arith.cmpi ne, %sign3A_318, %sign3A_325 : i32
      %rem3A_327 = arith.remsi %mul3A_309, %jit3A_310 : i32
      %ne3A_328 = arith.constant 0 : i32
      %ne3A_329 = arith.cmpi ne, %rem3A_327, %ne3A_328 : i32
      %and3A_330 = arith.andi %ne3A_326, %ne3A_329 : i1
      %sub3A_331 = arith.constant 1 : i32
      %sub3A_332 = arith.subi %div3A_311, %sub3A_331 : i32
      %select_n3A_333 = arith.select %and3A_330, %sub3A_332, %div3A_311 : i32
      %dma_wait3A_334 = arith.constant 0 : i32
      %dma_wait3A_335 = arith.constant 0 : i32
      %dma_wait3A_336 = arith.constant 0 : i32
      %dma_wait3A_337 = arith.constant 0 : i32
      %dma_wait3A_338 = tpu.memref_slice %arg4[%dma_wait3A_334, %dma_wait3A_336, %dma_wait3A_337] : memref<2x160x320xf32, #tpu.memory_space<vmem>> -> memref<1x160x320xf32, #tpu.memory_space<vmem>>
      %dma_wait3A_339 = tpu.memref_squeeze %dma_wait3A_338 : memref<1x160x320xf32, #tpu.memory_space<vmem>> -> memref<160x320xf32, #tpu.memory_space<vmem>>
      %dma_wait3A_340 = arith.constant 0 : i32
      %dma_wait3A_341 = arith.constant 0 : i32
      %dma_wait3A_342 = tpu.memref_slice %arg3[%div3A_305, %rem3A_307, %dma_wait3A_340, %dma_wait3A_341] : memref<3x16x320x320xf32, #tpu.memory_space<hbm>> -> memref<1x1x160x320xf32, #tpu.memory_space<hbm>>
      %dma_wait3A_343 = tpu.memref_squeeze %dma_wait3A_342 : memref<1x1x160x320xf32, #tpu.memory_space<hbm>> -> memref<160x320xf32, #tpu.memory_space<hbm>>
      %dma_wait3A_344 = tpu.memref_slice %arg6[%dma_wait3A_335] : memref<2x!tpu.dma_semaphore, #tpu.memory_space<semaphore_mem>> -> memref<1x!tpu.dma_semaphore, #tpu.memory_space<semaphore_mem>>
      %dma_wait3A_345 = tpu.memref_squeeze %dma_wait3A_344 : memref<1x!tpu.dma_semaphore, #tpu.memory_space<semaphore_mem>> -> memref<!tpu.dma_semaphore, #tpu.memory_space<semaphore_mem>>
      %dma_wait3A_346 = arith.constant 0 : i32
      %dma_wait3A_347 = arith.constant 0 : i32
      %dma_wait3A_348 = tpu.memref_slice %arg3[%div3A_305, %rem3A_307, %dma_wait3A_346, %dma_wait3A_347] : memref<3x16x320x320xf32, #tpu.memory_space<hbm>> -> memref<1x1x160x320xf32, #tpu.memory_space<hbm>>
      %dma_wait3A_349 = tpu.memref_squeeze %dma_wait3A_348 : memref<1x1x160x320xf32, #tpu.memory_space<hbm>> -> memref<160x320xf32, #tpu.memory_space<hbm>>
      %dma_wait3A_350 = arith.constant 0 : i32
      %dma_wait3A_351 = arith.constant 0 : i32
      %dma_wait3A_352 = tpu.memref_slice %arg4[%dma_wait3A_334, %dma_wait3A_350, %dma_wait3A_351] : memref<2x160x320xf32, #tpu.memory_space<vmem>> -> memref<1x160x320xf32, #tpu.memory_space<vmem>>
      %dma_wait3A_353 = tpu.memref_squeeze %dma_wait3A_352 : memref<1x160x320xf32, #tpu.memory_space<vmem>> -> memref<160x320xf32, #tpu.memory_space<vmem>>
      tpu.wait_dma2 semaphore(%dma_wait3A_345 : memref<!tpu.dma_semaphore, #tpu.memory_space<semaphore_mem>>) src(%dma_wait3A_353 : memref<160x320xf32, #tpu.memory_space<vmem>>) dst(%dma_wait3A_349 : memref<160x320xf32, #tpu.memory_space<hbm>>)
      %div3A_354 = arith.constant 16 : i32
      %div3A_355 = arith.divsi %select_n3A, %div3A_354 : i32
      %rem3A_356 = arith.constant 16 : i32
      %rem3A_357 = arith.remsi %select_n3A, %rem3A_356 : i32
      %mul3A_358 = arith.constant 63 : i32
      %mul3A_359 = arith.muli %rem3A_357, %mul3A_358 : i32
      %jit3A_360 = arith.constant 15 : i32
      %div3A_361 = arith.divsi %mul3A_359, %jit3A_360 : i32
      %sign3A_362 = arith.constant 0 : i32
      %sign3A_363 = arith.cmpi sgt, %mul3A_359, %sign3A_362 : i32
      %sign3A_364 = arith.extui %sign3A_363 : i1 to i32
      %sign3A_365 = arith.constant 0 : i32
      %sign3A_366 = arith.cmpi slt, %mul3A_359, %sign3A_365 : i32
      %sign3A_367 = arith.extui %sign3A_366 : i1 to i32
      %sign3A_368 = arith.subi %sign3A_364, %sign3A_367 : i32
      %sign3A_369 = arith.constant 0 : i32
      %sign3A_370 = arith.cmpi sgt, %jit3A_360, %sign3A_369 : i32
      %sign3A_371 = arith.extui %sign3A_370 : i1 to i32
      %sign3A_372 = arith.constant 0 : i32
      %sign3A_373 = arith.cmpi slt, %jit3A_360, %sign3A_372 : i32
      %sign3A_374 = arith.extui %sign3A_373 : i1 to i32
      %sign3A_375 = arith.subi %sign3A_371, %sign3A_374 : i32
      %ne3A_376 = arith.cmpi ne, %sign3A_368, %sign3A_375 : i32
      %rem3A_377 = arith.remsi %mul3A_359, %jit3A_360 : i32
      %ne3A_378 = arith.constant 0 : i32
      %ne3A_379 = arith.cmpi ne, %rem3A_377, %ne3A_378 : i32
      %and3A_380 = arith.andi %ne3A_376, %ne3A_379 : i1
      %sub3A_381 = arith.constant 1 : i32
      %sub3A_382 = arith.subi %div3A_361, %sub3A_381 : i32
      %select_n3A_383 = arith.select %and3A_380, %sub3A_382, %div3A_361 : i32
      %dma_wait3A_384 = arith.constant 1 : i32
      %dma_wait3A_385 = arith.constant 1 : i32
      %dma_wait3A_386 = arith.constant 0 : i32
      %dma_wait3A_387 = arith.constant 0 : i32
      %dma_wait3A_388 = tpu.memref_slice %arg4[%dma_wait3A_384, %dma_wait3A_386, %dma_wait3A_387] : memref<2x160x320xf32, #tpu.memory_space<vmem>> -> memref<1x160x320xf32, #tpu.memory_space<vmem>>
      %dma_wait3A_389 = tpu.memref_squeeze %dma_wait3A_388 : memref<1x160x320xf32, #tpu.memory_space<vmem>> -> memref<160x320xf32, #tpu.memory_space<vmem>>
      %dma_wait3A_390 = arith.constant 160 : i32
      %dma_wait3A_391 = arith.constant 0 : i32
      %dma_wait3A_392 = tpu.memref_slice %arg3[%div3A_355, %rem3A_357, %dma_wait3A_390, %dma_wait3A_391] : memref<3x16x320x320xf32, #tpu.memory_space<hbm>> -> memref<1x1x160x320xf32, #tpu.memory_space<hbm>>
      %dma_wait3A_393 = tpu.memref_squeeze %dma_wait3A_392 : memref<1x1x160x320xf32, #tpu.memory_space<hbm>> -> memref<160x320xf32, #tpu.memory_space<hbm>>
      %dma_wait3A_394 = tpu.memref_slice %arg6[%dma_wait3A_385] : memref<2x!tpu.dma_semaphore, #tpu.memory_space<semaphore_mem>> -> memref<1x!tpu.dma_semaphore, #tpu.memory_space<semaphore_mem>>
      %dma_wait3A_395 = tpu.memref_squeeze %dma_wait3A_394 : memref<1x!tpu.dma_semaphore, #tpu.memory_space<semaphore_mem>> -> memref<!tpu.dma_semaphore, #tpu.memory_space<semaphore_mem>>
      %dma_wait3A_396 = arith.constant 160 : i32
      %dma_wait3A_397 = arith.constant 0 : i32
      %dma_wait3A_398 = tpu.memref_slice %arg3[%div3A_355, %rem3A_357, %dma_wait3A_396, %dma_wait3A_397] : memref<3x16x320x320xf32, #tpu.memory_space<hbm>> -> memref<1x1x160x320xf32, #tpu.memory_space<hbm>>
      %dma_wait3A_399 = tpu.memref_squeeze %dma_wait3A_398 : memref<1x1x160x320xf32, #tpu.memory_space<hbm>> -> memref<160x320xf32, #tpu.memory_space<hbm>>
      %dma_wait3A_400 = arith.constant 0 : i32
      %dma_wait3A_401 = arith.constant 0 : i32
      %dma_wait3A_402 = tpu.memref_slice %arg4[%dma_wait3A_384, %dma_wait3A_400, %dma_wait3A_401] : memref<2x160x320xf32, #tpu.memory_space<vmem>> -> memref<1x160x320xf32, #tpu.memory_space<vmem>>
      %dma_wait3A_403 = tpu.memref_squeeze %dma_wait3A_402 : memref<1x160x320xf32, #tpu.memory_space<vmem>> -> memref<160x320xf32, #tpu.memory_space<vmem>>
      tpu.wait_dma2 semaphore(%dma_wait3A_395 : memref<!tpu.dma_semaphore, #tpu.memory_space<semaphore_mem>>) src(%dma_wait3A_403 : memref<160x320xf32, #tpu.memory_space<vmem>>) dst(%dma_wait3A_399 : memref<160x320xf32, #tpu.memory_space<hbm>>)
    } else {
    }
    return
  }
}

module attributes {stable_mosaic.version = 14 : i64} {
  func.func @tc_body(%arg0: memref<3x64x320x320xf32, #tpu.memory_space<hbm>>, %arg1: memref<3x64x320x320xf32, #tpu.memory_space<hbm>>, %arg2: memref<4x8x320x320xf32, #tpu.memory_space<vmem>>, %arg3: memref<4x!tpu.dma_semaphore, #tpu.memory_space<semaphore_mem>>, %arg4: memref<4x!tpu.dma_semaphore, #tpu.memory_space<semaphore_mem>>) attributes {dimension_semantics = [], scalar_prefetch = 0 : i64, scratch_operands = 3 : i64, tpu.core_type = #tpu.core_type<tc>} {
    %dma_start3A = arith.constant 0 : i32
    %dma_start3A_0 = arith.constant 0 : i32
    %dma_start3A_1 = arith.constant 0 : i32
    %dma_start3A_2 = tpu.memref_slice %arg3[%dma_start3A_1] : memref<4x!tpu.dma_semaphore, #tpu.memory_space<semaphore_mem>> -> memref<1x!tpu.dma_semaphore, #tpu.memory_space<semaphore_mem>>
    %dma_start3A_3 = tpu.memref_squeeze %dma_start3A_2 : memref<1x!tpu.dma_semaphore, #tpu.memory_space<semaphore_mem>> -> memref<!tpu.dma_semaphore, #tpu.memory_space<semaphore_mem>>
    %dma_start3A_4 = arith.constant 0 : i32
    %dma_start3A_5 = arith.constant 0 : i32
    %dma_start3A_6 = arith.constant 0 : i32
    %dma_start3A_7 = tpu.memref_slice %arg2[%dma_start3A_0, %dma_start3A_4, %dma_start3A_5, %dma_start3A_6] : memref<4x8x320x320xf32, #tpu.memory_space<vmem>> -> memref<1x8x320x320xf32, #tpu.memory_space<vmem>>
    %dma_start3A_8 = tpu.memref_squeeze %dma_start3A_7 : memref<1x8x320x320xf32, #tpu.memory_space<vmem>> -> memref<8x320x320xf32, #tpu.memory_space<vmem>>
    %dma_start3A_9 = arith.constant 0 : i32
    %dma_start3A_10 = arith.constant 0 : i32
    %dma_start3A_11 = arith.constant 0 : i32
    %dma_start3A_12 = tpu.memref_slice %arg0[%dma_start3A, %dma_start3A_9, %dma_start3A_10, %dma_start3A_11] : memref<3x64x320x320xf32, #tpu.memory_space<hbm>> -> memref<1x8x320x320xf32, #tpu.memory_space<hbm>>
    %dma_start3A_13 = tpu.memref_squeeze %dma_start3A_12 : memref<1x8x320x320xf32, #tpu.memory_space<hbm>> -> memref<8x320x320xf32, #tpu.memory_space<hbm>>
    tpu.enqueue_dma source(%dma_start3A_13 : memref<8x320x320xf32, #tpu.memory_space<hbm>>) target(%dma_start3A_8 : memref<8x320x320xf32, #tpu.memory_space<vmem>>) target_semaphore(%dma_start3A_3 : memref<!tpu.dma_semaphore, #tpu.memory_space<semaphore_mem>>)
    %dma_start3A_14 = arith.constant 0 : i32
    %dma_start3A_15 = arith.constant 1 : i32
    %dma_start3A_16 = arith.constant 1 : i32
    %dma_start3A_17 = tpu.memref_slice %arg3[%dma_start3A_16] : memref<4x!tpu.dma_semaphore, #tpu.memory_space<semaphore_mem>> -> memref<1x!tpu.dma_semaphore, #tpu.memory_space<semaphore_mem>>
    %dma_start3A_18 = tpu.memref_squeeze %dma_start3A_17 : memref<1x!tpu.dma_semaphore, #tpu.memory_space<semaphore_mem>> -> memref<!tpu.dma_semaphore, #tpu.memory_space<semaphore_mem>>
    %dma_start3A_19 = arith.constant 0 : i32
    %dma_start3A_20 = arith.constant 0 : i32
    %dma_start3A_21 = arith.constant 0 : i32
    %dma_start3A_22 = tpu.memref_slice %arg2[%dma_start3A_15, %dma_start3A_19, %dma_start3A_20, %dma_start3A_21] : memref<4x8x320x320xf32, #tpu.memory_space<vmem>> -> memref<1x8x320x320xf32, #tpu.memory_space<vmem>>
    %dma_start3A_23 = tpu.memref_squeeze %dma_start3A_22 : memref<1x8x320x320xf32, #tpu.memory_space<vmem>> -> memref<8x320x320xf32, #tpu.memory_space<vmem>>
    %dma_start3A_24 = arith.constant 8 : i32
    %dma_start3A_25 = arith.constant 0 : i32
    %dma_start3A_26 = arith.constant 0 : i32
    %dma_start3A_27 = tpu.memref_slice %arg0[%dma_start3A_14, %dma_start3A_24, %dma_start3A_25, %dma_start3A_26] : memref<3x64x320x320xf32, #tpu.memory_space<hbm>> -> memref<1x8x320x320xf32, #tpu.memory_space<hbm>>
    %dma_start3A_28 = tpu.memref_squeeze %dma_start3A_27 : memref<1x8x320x320xf32, #tpu.memory_space<hbm>> -> memref<8x320x320xf32, #tpu.memory_space<hbm>>
    tpu.enqueue_dma source(%dma_start3A_28 : memref<8x320x320xf32, #tpu.memory_space<hbm>>) target(%dma_start3A_23 : memref<8x320x320xf32, #tpu.memory_space<vmem>>) target_semaphore(%dma_start3A_18 : memref<!tpu.dma_semaphore, #tpu.memory_space<semaphore_mem>>)
    %dma_start3A_29 = arith.constant 0 : i32
    %dma_start3A_30 = arith.constant 2 : i32
    %dma_start3A_31 = arith.constant 2 : i32
    %dma_start3A_32 = tpu.memref_slice %arg3[%dma_start3A_31] : memref<4x!tpu.dma_semaphore, #tpu.memory_space<semaphore_mem>> -> memref<1x!tpu.dma_semaphore, #tpu.memory_space<semaphore_mem>>
    %dma_start3A_33 = tpu.memref_squeeze %dma_start3A_32 : memref<1x!tpu.dma_semaphore, #tpu.memory_space<semaphore_mem>> -> memref<!tpu.dma_semaphore, #tpu.memory_space<semaphore_mem>>
    %dma_start3A_34 = arith.constant 0 : i32
    %dma_start3A_35 = arith.constant 0 : i32
    %dma_start3A_36 = arith.constant 0 : i32
    %dma_start3A_37 = tpu.memref_slice %arg2[%dma_start3A_30, %dma_start3A_34, %dma_start3A_35, %dma_start3A_36] : memref<4x8x320x320xf32, #tpu.memory_space<vmem>> -> memref<1x8x320x320xf32, #tpu.memory_space<vmem>>
    %dma_start3A_38 = tpu.memref_squeeze %dma_start3A_37 : memref<1x8x320x320xf32, #tpu.memory_space<vmem>> -> memref<8x320x320xf32, #tpu.memory_space<vmem>>
    %dma_start3A_39 = arith.constant 16 : i32
    %dma_start3A_40 = arith.constant 0 : i32
    %dma_start3A_41 = arith.constant 0 : i32
    %dma_start3A_42 = tpu.memref_slice %arg0[%dma_start3A_29, %dma_start3A_39, %dma_start3A_40, %dma_start3A_41] : memref<3x64x320x320xf32, #tpu.memory_space<hbm>> -> memref<1x8x320x320xf32, #tpu.memory_space<hbm>>
    %dma_start3A_43 = tpu.memref_squeeze %dma_start3A_42 : memref<1x8x320x320xf32, #tpu.memory_space<hbm>> -> memref<8x320x320xf32, #tpu.memory_space<hbm>>
    tpu.enqueue_dma source(%dma_start3A_43 : memref<8x320x320xf32, #tpu.memory_space<hbm>>) target(%dma_start3A_38 : memref<8x320x320xf32, #tpu.memory_space<vmem>>) target_semaphore(%dma_start3A_33 : memref<!tpu.dma_semaphore, #tpu.memory_space<semaphore_mem>>)
    %dma_start3A_44 = arith.constant 0 : i32
    %dma_start3A_45 = arith.constant 3 : i32
    %dma_start3A_46 = arith.constant 3 : i32
    %dma_start3A_47 = tpu.memref_slice %arg3[%dma_start3A_46] : memref<4x!tpu.dma_semaphore, #tpu.memory_space<semaphore_mem>> -> memref<1x!tpu.dma_semaphore, #tpu.memory_space<semaphore_mem>>
    %dma_start3A_48 = tpu.memref_squeeze %dma_start3A_47 : memref<1x!tpu.dma_semaphore, #tpu.memory_space<semaphore_mem>> -> memref<!tpu.dma_semaphore, #tpu.memory_space<semaphore_mem>>
    %dma_start3A_49 = arith.constant 0 : i32
    %dma_start3A_50 = arith.constant 0 : i32
    %dma_start3A_51 = arith.constant 0 : i32
    %dma_start3A_52 = tpu.memref_slice %arg2[%dma_start3A_45, %dma_start3A_49, %dma_start3A_50, %dma_start3A_51] : memref<4x8x320x320xf32, #tpu.memory_space<vmem>> -> memref<1x8x320x320xf32, #tpu.memory_space<vmem>>
    %dma_start3A_53 = tpu.memref_squeeze %dma_start3A_52 : memref<1x8x320x320xf32, #tpu.memory_space<vmem>> -> memref<8x320x320xf32, #tpu.memory_space<vmem>>
    %dma_start3A_54 = arith.constant 24 : i32
    %dma_start3A_55 = arith.constant 0 : i32
    %dma_start3A_56 = arith.constant 0 : i32
    %dma_start3A_57 = tpu.memref_slice %arg0[%dma_start3A_44, %dma_start3A_54, %dma_start3A_55, %dma_start3A_56] : memref<3x64x320x320xf32, #tpu.memory_space<hbm>> -> memref<1x8x320x320xf32, #tpu.memory_space<hbm>>
    %dma_start3A_58 = tpu.memref_squeeze %dma_start3A_57 : memref<1x8x320x320xf32, #tpu.memory_space<hbm>> -> memref<8x320x320xf32, #tpu.memory_space<hbm>>
    tpu.enqueue_dma source(%dma_start3A_58 : memref<8x320x320xf32, #tpu.memory_space<hbm>>) target(%dma_start3A_53 : memref<8x320x320xf32, #tpu.memory_space<vmem>>) target_semaphore(%dma_start3A_48 : memref<!tpu.dma_semaphore, #tpu.memory_space<semaphore_mem>>)
    %dma_wait3A = arith.constant 0 : i32
    %dma_wait3A_59 = arith.constant 0 : i32
    %dma_wait3A_60 = arith.constant 0 : i32
    %dma_wait3A_61 = tpu.memref_slice %arg3[%dma_wait3A_60] : memref<4x!tpu.dma_semaphore, #tpu.memory_space<semaphore_mem>> -> memref<1x!tpu.dma_semaphore, #tpu.memory_space<semaphore_mem>>
    %dma_wait3A_62 = tpu.memref_squeeze %dma_wait3A_61 : memref<1x!tpu.dma_semaphore, #tpu.memory_space<semaphore_mem>> -> memref<!tpu.dma_semaphore, #tpu.memory_space<semaphore_mem>>
    %dma_wait3A_63 = arith.constant 0 : i32
    %dma_wait3A_64 = arith.constant 0 : i32
    %dma_wait3A_65 = arith.constant 0 : i32
    %dma_wait3A_66 = tpu.memref_slice %arg2[%dma_wait3A_59, %dma_wait3A_63, %dma_wait3A_64, %dma_wait3A_65] : memref<4x8x320x320xf32, #tpu.memory_space<vmem>> -> memref<1x8x320x320xf32, #tpu.memory_space<vmem>>
    %dma_wait3A_67 = tpu.memref_squeeze %dma_wait3A_66 : memref<1x8x320x320xf32, #tpu.memory_space<vmem>> -> memref<8x320x320xf32, #tpu.memory_space<vmem>>
    %dma_wait3A_68 = arith.constant 0 : i32
    %dma_wait3A_69 = arith.constant 0 : i32
    %dma_wait3A_70 = arith.constant 0 : i32
    %dma_wait3A_71 = tpu.memref_slice %arg0[%dma_wait3A, %dma_wait3A_68, %dma_wait3A_69, %dma_wait3A_70] : memref<3x64x320x320xf32, #tpu.memory_space<hbm>> -> memref<1x8x320x320xf32, #tpu.memory_space<hbm>>
    %dma_wait3A_72 = tpu.memref_squeeze %dma_wait3A_71 : memref<1x8x320x320xf32, #tpu.memory_space<hbm>> -> memref<8x320x320xf32, #tpu.memory_space<hbm>>
    tpu.wait_dma2 semaphore(%dma_wait3A_62 : memref<!tpu.dma_semaphore, #tpu.memory_space<semaphore_mem>>) src(%dma_wait3A_72 : memref<8x320x320xf32, #tpu.memory_space<hbm>>) dst(%dma_wait3A_67 : memref<8x320x320xf32, #tpu.memory_space<vmem>>)
    %dma_start3A_73 = arith.constant 0 : i32
    %dma_start3A_74 = arith.constant 0 : i32
    %dma_start3A_75 = arith.constant 0 : i32
    %dma_start3A_76 = tpu.memref_slice %arg4[%dma_start3A_75] : memref<4x!tpu.dma_semaphore, #tpu.memory_space<semaphore_mem>> -> memref<1x!tpu.dma_semaphore, #tpu.memory_space<semaphore_mem>>
    %dma_start3A_77 = tpu.memref_squeeze %dma_start3A_76 : memref<1x!tpu.dma_semaphore, #tpu.memory_space<semaphore_mem>> -> memref<!tpu.dma_semaphore, #tpu.memory_space<semaphore_mem>>
    %dma_start3A_78 = arith.constant 0 : i32
    %dma_start3A_79 = arith.constant 0 : i32
    %dma_start3A_80 = arith.constant 0 : i32
    %dma_start3A_81 = tpu.memref_slice %arg1[%dma_start3A_74, %dma_start3A_78, %dma_start3A_79, %dma_start3A_80] : memref<3x64x320x320xf32, #tpu.memory_space<hbm>> -> memref<1x8x320x320xf32, #tpu.memory_space<hbm>>
    %dma_start3A_82 = tpu.memref_squeeze %dma_start3A_81 : memref<1x8x320x320xf32, #tpu.memory_space<hbm>> -> memref<8x320x320xf32, #tpu.memory_space<hbm>>
    %dma_start3A_83 = arith.constant 0 : i32
    %dma_start3A_84 = arith.constant 0 : i32
    %dma_start3A_85 = arith.constant 0 : i32
    %dma_start3A_86 = tpu.memref_slice %arg2[%dma_start3A_73, %dma_start3A_83, %dma_start3A_84, %dma_start3A_85] : memref<4x8x320x320xf32, #tpu.memory_space<vmem>> -> memref<1x8x320x320xf32, #tpu.memory_space<vmem>>
    %dma_start3A_87 = tpu.memref_squeeze %dma_start3A_86 : memref<1x8x320x320xf32, #tpu.memory_space<vmem>> -> memref<8x320x320xf32, #tpu.memory_space<vmem>>
    tpu.enqueue_dma source(%dma_start3A_87 : memref<8x320x320xf32, #tpu.memory_space<vmem>>) target(%dma_start3A_82 : memref<8x320x320xf32, #tpu.memory_space<hbm>>) target_semaphore(%dma_start3A_77 : memref<!tpu.dma_semaphore, #tpu.memory_space<semaphore_mem>>)
    %dma_wait3A_88 = arith.constant 0 : i32
    %dma_wait3A_89 = arith.constant 0 : i32
    %dma_wait3A_90 = arith.constant 0 : i32
    %dma_wait3A_91 = tpu.memref_slice %arg4[%dma_wait3A_90] : memref<4x!tpu.dma_semaphore, #tpu.memory_space<semaphore_mem>> -> memref<1x!tpu.dma_semaphore, #tpu.memory_space<semaphore_mem>>
    %dma_wait3A_92 = tpu.memref_squeeze %dma_wait3A_91 : memref<1x!tpu.dma_semaphore, #tpu.memory_space<semaphore_mem>> -> memref<!tpu.dma_semaphore, #tpu.memory_space<semaphore_mem>>
    %dma_wait3A_93 = arith.constant 0 : i32
    %dma_wait3A_94 = arith.constant 0 : i32
    %dma_wait3A_95 = arith.constant 0 : i32
    %dma_wait3A_96 = tpu.memref_slice %arg1[%dma_wait3A_89, %dma_wait3A_93, %dma_wait3A_94, %dma_wait3A_95] : memref<3x64x320x320xf32, #tpu.memory_space<hbm>> -> memref<1x8x320x320xf32, #tpu.memory_space<hbm>>
    %dma_wait3A_97 = tpu.memref_squeeze %dma_wait3A_96 : memref<1x8x320x320xf32, #tpu.memory_space<hbm>> -> memref<8x320x320xf32, #tpu.memory_space<hbm>>
    %dma_wait3A_98 = arith.constant 0 : i32
    %dma_wait3A_99 = arith.constant 0 : i32
    %dma_wait3A_100 = arith.constant 0 : i32
    %dma_wait3A_101 = tpu.memref_slice %arg2[%dma_wait3A_88, %dma_wait3A_98, %dma_wait3A_99, %dma_wait3A_100] : memref<4x8x320x320xf32, #tpu.memory_space<vmem>> -> memref<1x8x320x320xf32, #tpu.memory_space<vmem>>
    %dma_wait3A_102 = tpu.memref_squeeze %dma_wait3A_101 : memref<1x8x320x320xf32, #tpu.memory_space<vmem>> -> memref<8x320x320xf32, #tpu.memory_space<vmem>>
    tpu.wait_dma2 semaphore(%dma_wait3A_92 : memref<!tpu.dma_semaphore, #tpu.memory_space<semaphore_mem>>) src(%dma_wait3A_102 : memref<8x320x320xf32, #tpu.memory_space<vmem>>) dst(%dma_wait3A_97 : memref<8x320x320xf32, #tpu.memory_space<hbm>>)
    %dma_start3A_103 = arith.constant 0 : i32
    %dma_start3A_104 = arith.constant 0 : i32
    %dma_start3A_105 = arith.constant 0 : i32
    %dma_start3A_106 = tpu.memref_slice %arg3[%dma_start3A_105] : memref<4x!tpu.dma_semaphore, #tpu.memory_space<semaphore_mem>> -> memref<1x!tpu.dma_semaphore, #tpu.memory_space<semaphore_mem>>
    %dma_start3A_107 = tpu.memref_squeeze %dma_start3A_106 : memref<1x!tpu.dma_semaphore, #tpu.memory_space<semaphore_mem>> -> memref<!tpu.dma_semaphore, #tpu.memory_space<semaphore_mem>>
    %dma_start3A_108 = arith.constant 0 : i32
    %dma_start3A_109 = arith.constant 0 : i32
    %dma_start3A_110 = arith.constant 0 : i32
    %dma_start3A_111 = tpu.memref_slice %arg2[%dma_start3A_104, %dma_start3A_108, %dma_start3A_109, %dma_start3A_110] : memref<4x8x320x320xf32, #tpu.memory_space<vmem>> -> memref<1x8x320x320xf32, #tpu.memory_space<vmem>>
    %dma_start3A_112 = tpu.memref_squeeze %dma_start3A_111 : memref<1x8x320x320xf32, #tpu.memory_space<vmem>> -> memref<8x320x320xf32, #tpu.memory_space<vmem>>
    %dma_start3A_113 = arith.constant 32 : i32
    %dma_start3A_114 = arith.constant 0 : i32
    %dma_start3A_115 = arith.constant 0 : i32
    %dma_start3A_116 = tpu.memref_slice %arg0[%dma_start3A_103, %dma_start3A_113, %dma_start3A_114, %dma_start3A_115] : memref<3x64x320x320xf32, #tpu.memory_space<hbm>> -> memref<1x8x320x320xf32, #tpu.memory_space<hbm>>
    %dma_start3A_117 = tpu.memref_squeeze %dma_start3A_116 : memref<1x8x320x320xf32, #tpu.memory_space<hbm>> -> memref<8x320x320xf32, #tpu.memory_space<hbm>>
    tpu.enqueue_dma source(%dma_start3A_117 : memref<8x320x320xf32, #tpu.memory_space<hbm>>) target(%dma_start3A_112 : memref<8x320x320xf32, #tpu.memory_space<vmem>>) target_semaphore(%dma_start3A_107 : memref<!tpu.dma_semaphore, #tpu.memory_space<semaphore_mem>>)
    %dma_wait3A_118 = arith.constant 0 : i32
    %dma_wait3A_119 = arith.constant 1 : i32
    %dma_wait3A_120 = arith.constant 1 : i32
    %dma_wait3A_121 = tpu.memref_slice %arg3[%dma_wait3A_120] : memref<4x!tpu.dma_semaphore, #tpu.memory_space<semaphore_mem>> -> memref<1x!tpu.dma_semaphore, #tpu.memory_space<semaphore_mem>>
    %dma_wait3A_122 = tpu.memref_squeeze %dma_wait3A_121 : memref<1x!tpu.dma_semaphore, #tpu.memory_space<semaphore_mem>> -> memref<!tpu.dma_semaphore, #tpu.memory_space<semaphore_mem>>
    %dma_wait3A_123 = arith.constant 0 : i32
    %dma_wait3A_124 = arith.constant 0 : i32
    %dma_wait3A_125 = arith.constant 0 : i32
    %dma_wait3A_126 = tpu.memref_slice %arg2[%dma_wait3A_119, %dma_wait3A_123, %dma_wait3A_124, %dma_wait3A_125] : memref<4x8x320x320xf32, #tpu.memory_space<vmem>> -> memref<1x8x320x320xf32, #tpu.memory_space<vmem>>
    %dma_wait3A_127 = tpu.memref_squeeze %dma_wait3A_126 : memref<1x8x320x320xf32, #tpu.memory_space<vmem>> -> memref<8x320x320xf32, #tpu.memory_space<vmem>>
    %dma_wait3A_128 = arith.constant 8 : i32
    %dma_wait3A_129 = arith.constant 0 : i32
    %dma_wait3A_130 = arith.constant 0 : i32
    %dma_wait3A_131 = tpu.memref_slice %arg0[%dma_wait3A_118, %dma_wait3A_128, %dma_wait3A_129, %dma_wait3A_130] : memref<3x64x320x320xf32, #tpu.memory_space<hbm>> -> memref<1x8x320x320xf32, #tpu.memory_space<hbm>>
    %dma_wait3A_132 = tpu.memref_squeeze %dma_wait3A_131 : memref<1x8x320x320xf32, #tpu.memory_space<hbm>> -> memref<8x320x320xf32, #tpu.memory_space<hbm>>
    tpu.wait_dma2 semaphore(%dma_wait3A_122 : memref<!tpu.dma_semaphore, #tpu.memory_space<semaphore_mem>>) src(%dma_wait3A_132 : memref<8x320x320xf32, #tpu.memory_space<hbm>>) dst(%dma_wait3A_127 : memref<8x320x320xf32, #tpu.memory_space<vmem>>)
    %dma_start3A_133 = arith.constant 1 : i32
    %dma_start3A_134 = arith.constant 0 : i32
    %dma_start3A_135 = arith.constant 1 : i32
    %dma_start3A_136 = tpu.memref_slice %arg4[%dma_start3A_135] : memref<4x!tpu.dma_semaphore, #tpu.memory_space<semaphore_mem>> -> memref<1x!tpu.dma_semaphore, #tpu.memory_space<semaphore_mem>>
    %dma_start3A_137 = tpu.memref_squeeze %dma_start3A_136 : memref<1x!tpu.dma_semaphore, #tpu.memory_space<semaphore_mem>> -> memref<!tpu.dma_semaphore, #tpu.memory_space<semaphore_mem>>
    %dma_start3A_138 = arith.constant 8 : i32
    %dma_start3A_139 = arith.constant 0 : i32
    %dma_start3A_140 = arith.constant 0 : i32
    %dma_start3A_141 = tpu.memref_slice %arg1[%dma_start3A_134, %dma_start3A_138, %dma_start3A_139, %dma_start3A_140] : memref<3x64x320x320xf32, #tpu.memory_space<hbm>> -> memref<1x8x320x320xf32, #tpu.memory_space<hbm>>
    %dma_start3A_142 = tpu.memref_squeeze %dma_start3A_141 : memref<1x8x320x320xf32, #tpu.memory_space<hbm>> -> memref<8x320x320xf32, #tpu.memory_space<hbm>>
    %dma_start3A_143 = arith.constant 0 : i32
    %dma_start3A_144 = arith.constant 0 : i32
    %dma_start3A_145 = arith.constant 0 : i32
    %dma_start3A_146 = tpu.memref_slice %arg2[%dma_start3A_133, %dma_start3A_143, %dma_start3A_144, %dma_start3A_145] : memref<4x8x320x320xf32, #tpu.memory_space<vmem>> -> memref<1x8x320x320xf32, #tpu.memory_space<vmem>>
    %dma_start3A_147 = tpu.memref_squeeze %dma_start3A_146 : memref<1x8x320x320xf32, #tpu.memory_space<vmem>> -> memref<8x320x320xf32, #tpu.memory_space<vmem>>
    tpu.enqueue_dma source(%dma_start3A_147 : memref<8x320x320xf32, #tpu.memory_space<vmem>>) target(%dma_start3A_142 : memref<8x320x320xf32, #tpu.memory_space<hbm>>) target_semaphore(%dma_start3A_137 : memref<!tpu.dma_semaphore, #tpu.memory_space<semaphore_mem>>)
    %dma_wait3A_148 = arith.constant 1 : i32
    %dma_wait3A_149 = arith.constant 0 : i32
    %dma_wait3A_150 = arith.constant 1 : i32
    %dma_wait3A_151 = tpu.memref_slice %arg4[%dma_wait3A_150] : memref<4x!tpu.dma_semaphore, #tpu.memory_space<semaphore_mem>> -> memref<1x!tpu.dma_semaphore, #tpu.memory_space<semaphore_mem>>
    %dma_wait3A_152 = tpu.memref_squeeze %dma_wait3A_151 : memref<1x!tpu.dma_semaphore, #tpu.memory_space<semaphore_mem>> -> memref<!tpu.dma_semaphore, #tpu.memory_space<semaphore_mem>>
    %dma_wait3A_153 = arith.constant 8 : i32
    %dma_wait3A_154 = arith.constant 0 : i32
    %dma_wait3A_155 = arith.constant 0 : i32
    %dma_wait3A_156 = tpu.memref_slice %arg1[%dma_wait3A_149, %dma_wait3A_153, %dma_wait3A_154, %dma_wait3A_155] : memref<3x64x320x320xf32, #tpu.memory_space<hbm>> -> memref<1x8x320x320xf32, #tpu.memory_space<hbm>>
    %dma_wait3A_157 = tpu.memref_squeeze %dma_wait3A_156 : memref<1x8x320x320xf32, #tpu.memory_space<hbm>> -> memref<8x320x320xf32, #tpu.memory_space<hbm>>
    %dma_wait3A_158 = arith.constant 0 : i32
    %dma_wait3A_159 = arith.constant 0 : i32
    %dma_wait3A_160 = arith.constant 0 : i32
    %dma_wait3A_161 = tpu.memref_slice %arg2[%dma_wait3A_148, %dma_wait3A_158, %dma_wait3A_159, %dma_wait3A_160] : memref<4x8x320x320xf32, #tpu.memory_space<vmem>> -> memref<1x8x320x320xf32, #tpu.memory_space<vmem>>
    %dma_wait3A_162 = tpu.memref_squeeze %dma_wait3A_161 : memref<1x8x320x320xf32, #tpu.memory_space<vmem>> -> memref<8x320x320xf32, #tpu.memory_space<vmem>>
    tpu.wait_dma2 semaphore(%dma_wait3A_152 : memref<!tpu.dma_semaphore, #tpu.memory_space<semaphore_mem>>) src(%dma_wait3A_162 : memref<8x320x320xf32, #tpu.memory_space<vmem>>) dst(%dma_wait3A_157 : memref<8x320x320xf32, #tpu.memory_space<hbm>>)
    %dma_start3A_163 = arith.constant 0 : i32
    %dma_start3A_164 = arith.constant 1 : i32
    %dma_start3A_165 = arith.constant 1 : i32
    %dma_start3A_166 = tpu.memref_slice %arg3[%dma_start3A_165] : memref<4x!tpu.dma_semaphore, #tpu.memory_space<semaphore_mem>> -> memref<1x!tpu.dma_semaphore, #tpu.memory_space<semaphore_mem>>
    %dma_start3A_167 = tpu.memref_squeeze %dma_start3A_166 : memref<1x!tpu.dma_semaphore, #tpu.memory_space<semaphore_mem>> -> memref<!tpu.dma_semaphore, #tpu.memory_space<semaphore_mem>>
    %dma_start3A_168 = arith.constant 0 : i32
    %dma_start3A_169 = arith.constant 0 : i32
    %dma_start3A_170 = arith.constant 0 : i32
    %dma_start3A_171 = tpu.memref_slice %arg2[%dma_start3A_164, %dma_start3A_168, %dma_start3A_169, %dma_start3A_170] : memref<4x8x320x320xf32, #tpu.memory_space<vmem>> -> memref<1x8x320x320xf32, #tpu.memory_space<vmem>>
    %dma_start3A_172 = tpu.memref_squeeze %dma_start3A_171 : memref<1x8x320x320xf32, #tpu.memory_space<vmem>> -> memref<8x320x320xf32, #tpu.memory_space<vmem>>
    %dma_start3A_173 = arith.constant 40 : i32
    %dma_start3A_174 = arith.constant 0 : i32
    %dma_start3A_175 = arith.constant 0 : i32
    %dma_start3A_176 = tpu.memref_slice %arg0[%dma_start3A_163, %dma_start3A_173, %dma_start3A_174, %dma_start3A_175] : memref<3x64x320x320xf32, #tpu.memory_space<hbm>> -> memref<1x8x320x320xf32, #tpu.memory_space<hbm>>
    %dma_start3A_177 = tpu.memref_squeeze %dma_start3A_176 : memref<1x8x320x320xf32, #tpu.memory_space<hbm>> -> memref<8x320x320xf32, #tpu.memory_space<hbm>>
    tpu.enqueue_dma source(%dma_start3A_177 : memref<8x320x320xf32, #tpu.memory_space<hbm>>) target(%dma_start3A_172 : memref<8x320x320xf32, #tpu.memory_space<vmem>>) target_semaphore(%dma_start3A_167 : memref<!tpu.dma_semaphore, #tpu.memory_space<semaphore_mem>>)
    %dma_wait3A_178 = arith.constant 0 : i32
    %dma_wait3A_179 = arith.constant 2 : i32
    %dma_wait3A_180 = arith.constant 2 : i32
    %dma_wait3A_181 = tpu.memref_slice %arg3[%dma_wait3A_180] : memref<4x!tpu.dma_semaphore, #tpu.memory_space<semaphore_mem>> -> memref<1x!tpu.dma_semaphore, #tpu.memory_space<semaphore_mem>>
    %dma_wait3A_182 = tpu.memref_squeeze %dma_wait3A_181 : memref<1x!tpu.dma_semaphore, #tpu.memory_space<semaphore_mem>> -> memref<!tpu.dma_semaphore, #tpu.memory_space<semaphore_mem>>
    %dma_wait3A_183 = arith.constant 0 : i32
    %dma_wait3A_184 = arith.constant 0 : i32
    %dma_wait3A_185 = arith.constant 0 : i32
    %dma_wait3A_186 = tpu.memref_slice %arg2[%dma_wait3A_179, %dma_wait3A_183, %dma_wait3A_184, %dma_wait3A_185] : memref<4x8x320x320xf32, #tpu.memory_space<vmem>> -> memref<1x8x320x320xf32, #tpu.memory_space<vmem>>
    %dma_wait3A_187 = tpu.memref_squeeze %dma_wait3A_186 : memref<1x8x320x320xf32, #tpu.memory_space<vmem>> -> memref<8x320x320xf32, #tpu.memory_space<vmem>>
    %dma_wait3A_188 = arith.constant 16 : i32
    %dma_wait3A_189 = arith.constant 0 : i32
    %dma_wait3A_190 = arith.constant 0 : i32
    %dma_wait3A_191 = tpu.memref_slice %arg0[%dma_wait3A_178, %dma_wait3A_188, %dma_wait3A_189, %dma_wait3A_190] : memref<3x64x320x320xf32, #tpu.memory_space<hbm>> -> memref<1x8x320x320xf32, #tpu.memory_space<hbm>>
    %dma_wait3A_192 = tpu.memref_squeeze %dma_wait3A_191 : memref<1x8x320x320xf32, #tpu.memory_space<hbm>> -> memref<8x320x320xf32, #tpu.memory_space<hbm>>
    tpu.wait_dma2 semaphore(%dma_wait3A_182 : memref<!tpu.dma_semaphore, #tpu.memory_space<semaphore_mem>>) src(%dma_wait3A_192 : memref<8x320x320xf32, #tpu.memory_space<hbm>>) dst(%dma_wait3A_187 : memref<8x320x320xf32, #tpu.memory_space<vmem>>)
    %dma_start3A_193 = arith.constant 2 : i32
    %dma_start3A_194 = arith.constant 0 : i32
    %dma_start3A_195 = arith.constant 2 : i32
    %dma_start3A_196 = tpu.memref_slice %arg4[%dma_start3A_195] : memref<4x!tpu.dma_semaphore, #tpu.memory_space<semaphore_mem>> -> memref<1x!tpu.dma_semaphore, #tpu.memory_space<semaphore_mem>>
    %dma_start3A_197 = tpu.memref_squeeze %dma_start3A_196 : memref<1x!tpu.dma_semaphore, #tpu.memory_space<semaphore_mem>> -> memref<!tpu.dma_semaphore, #tpu.memory_space<semaphore_mem>>
    %dma_start3A_198 = arith.constant 16 : i32
    %dma_start3A_199 = arith.constant 0 : i32
    %dma_start3A_200 = arith.constant 0 : i32
    %dma_start3A_201 = tpu.memref_slice %arg1[%dma_start3A_194, %dma_start3A_198, %dma_start3A_199, %dma_start3A_200] : memref<3x64x320x320xf32, #tpu.memory_space<hbm>> -> memref<1x8x320x320xf32, #tpu.memory_space<hbm>>
    %dma_start3A_202 = tpu.memref_squeeze %dma_start3A_201 : memref<1x8x320x320xf32, #tpu.memory_space<hbm>> -> memref<8x320x320xf32, #tpu.memory_space<hbm>>
    %dma_start3A_203 = arith.constant 0 : i32
    %dma_start3A_204 = arith.constant 0 : i32
    %dma_start3A_205 = arith.constant 0 : i32
    %dma_start3A_206 = tpu.memref_slice %arg2[%dma_start3A_193, %dma_start3A_203, %dma_start3A_204, %dma_start3A_205] : memref<4x8x320x320xf32, #tpu.memory_space<vmem>> -> memref<1x8x320x320xf32, #tpu.memory_space<vmem>>
    %dma_start3A_207 = tpu.memref_squeeze %dma_start3A_206 : memref<1x8x320x320xf32, #tpu.memory_space<vmem>> -> memref<8x320x320xf32, #tpu.memory_space<vmem>>
    tpu.enqueue_dma source(%dma_start3A_207 : memref<8x320x320xf32, #tpu.memory_space<vmem>>) target(%dma_start3A_202 : memref<8x320x320xf32, #tpu.memory_space<hbm>>) target_semaphore(%dma_start3A_197 : memref<!tpu.dma_semaphore, #tpu.memory_space<semaphore_mem>>)
    %dma_wait3A_208 = arith.constant 2 : i32
    %dma_wait3A_209 = arith.constant 0 : i32
    %dma_wait3A_210 = arith.constant 2 : i32
    %dma_wait3A_211 = tpu.memref_slice %arg4[%dma_wait3A_210] : memref<4x!tpu.dma_semaphore, #tpu.memory_space<semaphore_mem>> -> memref<1x!tpu.dma_semaphore, #tpu.memory_space<semaphore_mem>>
    %dma_wait3A_212 = tpu.memref_squeeze %dma_wait3A_211 : memref<1x!tpu.dma_semaphore, #tpu.memory_space<semaphore_mem>> -> memref<!tpu.dma_semaphore, #tpu.memory_space<semaphore_mem>>
    %dma_wait3A_213 = arith.constant 16 : i32
    %dma_wait3A_214 = arith.constant 0 : i32
    %dma_wait3A_215 = arith.constant 0 : i32
    %dma_wait3A_216 = tpu.memref_slice %arg1[%dma_wait3A_209, %dma_wait3A_213, %dma_wait3A_214, %dma_wait3A_215] : memref<3x64x320x320xf32, #tpu.memory_space<hbm>> -> memref<1x8x320x320xf32, #tpu.memory_space<hbm>>
    %dma_wait3A_217 = tpu.memref_squeeze %dma_wait3A_216 : memref<1x8x320x320xf32, #tpu.memory_space<hbm>> -> memref<8x320x320xf32, #tpu.memory_space<hbm>>
    %dma_wait3A_218 = arith.constant 0 : i32
    %dma_wait3A_219 = arith.constant 0 : i32
    %dma_wait3A_220 = arith.constant 0 : i32
    %dma_wait3A_221 = tpu.memref_slice %arg2[%dma_wait3A_208, %dma_wait3A_218, %dma_wait3A_219, %dma_wait3A_220] : memref<4x8x320x320xf32, #tpu.memory_space<vmem>> -> memref<1x8x320x320xf32, #tpu.memory_space<vmem>>
    %dma_wait3A_222 = tpu.memref_squeeze %dma_wait3A_221 : memref<1x8x320x320xf32, #tpu.memory_space<vmem>> -> memref<8x320x320xf32, #tpu.memory_space<vmem>>
    tpu.wait_dma2 semaphore(%dma_wait3A_212 : memref<!tpu.dma_semaphore, #tpu.memory_space<semaphore_mem>>) src(%dma_wait3A_222 : memref<8x320x320xf32, #tpu.memory_space<vmem>>) dst(%dma_wait3A_217 : memref<8x320x320xf32, #tpu.memory_space<hbm>>)
    %dma_start3A_223 = arith.constant 0 : i32
    %dma_start3A_224 = arith.constant 2 : i32
    %dma_start3A_225 = arith.constant 2 : i32
    %dma_start3A_226 = tpu.memref_slice %arg3[%dma_start3A_225] : memref<4x!tpu.dma_semaphore, #tpu.memory_space<semaphore_mem>> -> memref<1x!tpu.dma_semaphore, #tpu.memory_space<semaphore_mem>>
    %dma_start3A_227 = tpu.memref_squeeze %dma_start3A_226 : memref<1x!tpu.dma_semaphore, #tpu.memory_space<semaphore_mem>> -> memref<!tpu.dma_semaphore, #tpu.memory_space<semaphore_mem>>
    %dma_start3A_228 = arith.constant 0 : i32
    %dma_start3A_229 = arith.constant 0 : i32
    %dma_start3A_230 = arith.constant 0 : i32
    %dma_start3A_231 = tpu.memref_slice %arg2[%dma_start3A_224, %dma_start3A_228, %dma_start3A_229, %dma_start3A_230] : memref<4x8x320x320xf32, #tpu.memory_space<vmem>> -> memref<1x8x320x320xf32, #tpu.memory_space<vmem>>
    %dma_start3A_232 = tpu.memref_squeeze %dma_start3A_231 : memref<1x8x320x320xf32, #tpu.memory_space<vmem>> -> memref<8x320x320xf32, #tpu.memory_space<vmem>>
    %dma_start3A_233 = arith.constant 48 : i32
    %dma_start3A_234 = arith.constant 0 : i32
    %dma_start3A_235 = arith.constant 0 : i32
    %dma_start3A_236 = tpu.memref_slice %arg0[%dma_start3A_223, %dma_start3A_233, %dma_start3A_234, %dma_start3A_235] : memref<3x64x320x320xf32, #tpu.memory_space<hbm>> -> memref<1x8x320x320xf32, #tpu.memory_space<hbm>>
    %dma_start3A_237 = tpu.memref_squeeze %dma_start3A_236 : memref<1x8x320x320xf32, #tpu.memory_space<hbm>> -> memref<8x320x320xf32, #tpu.memory_space<hbm>>
    tpu.enqueue_dma source(%dma_start3A_237 : memref<8x320x320xf32, #tpu.memory_space<hbm>>) target(%dma_start3A_232 : memref<8x320x320xf32, #tpu.memory_space<vmem>>) target_semaphore(%dma_start3A_227 : memref<!tpu.dma_semaphore, #tpu.memory_space<semaphore_mem>>)
    %dma_wait3A_238 = arith.constant 0 : i32
    %dma_wait3A_239 = arith.constant 3 : i32
    %dma_wait3A_240 = arith.constant 3 : i32
    %dma_wait3A_241 = tpu.memref_slice %arg3[%dma_wait3A_240] : memref<4x!tpu.dma_semaphore, #tpu.memory_space<semaphore_mem>> -> memref<1x!tpu.dma_semaphore, #tpu.memory_space<semaphore_mem>>
    %dma_wait3A_242 = tpu.memref_squeeze %dma_wait3A_241 : memref<1x!tpu.dma_semaphore, #tpu.memory_space<semaphore_mem>> -> memref<!tpu.dma_semaphore, #tpu.memory_space<semaphore_mem>>
    %dma_wait3A_243 = arith.constant 0 : i32
    %dma_wait3A_244 = arith.constant 0 : i32
    %dma_wait3A_245 = arith.constant 0 : i32
    %dma_wait3A_246 = tpu.memref_slice %arg2[%dma_wait3A_239, %dma_wait3A_243, %dma_wait3A_244, %dma_wait3A_245] : memref<4x8x320x320xf32, #tpu.memory_space<vmem>> -> memref<1x8x320x320xf32, #tpu.memory_space<vmem>>
    %dma_wait3A_247 = tpu.memref_squeeze %dma_wait3A_246 : memref<1x8x320x320xf32, #tpu.memory_space<vmem>> -> memref<8x320x320xf32, #tpu.memory_space<vmem>>
    %dma_wait3A_248 = arith.constant 24 : i32
    %dma_wait3A_249 = arith.constant 0 : i32
    %dma_wait3A_250 = arith.constant 0 : i32
    %dma_wait3A_251 = tpu.memref_slice %arg0[%dma_wait3A_238, %dma_wait3A_248, %dma_wait3A_249, %dma_wait3A_250] : memref<3x64x320x320xf32, #tpu.memory_space<hbm>> -> memref<1x8x320x320xf32, #tpu.memory_space<hbm>>
    %dma_wait3A_252 = tpu.memref_squeeze %dma_wait3A_251 : memref<1x8x320x320xf32, #tpu.memory_space<hbm>> -> memref<8x320x320xf32, #tpu.memory_space<hbm>>
    tpu.wait_dma2 semaphore(%dma_wait3A_242 : memref<!tpu.dma_semaphore, #tpu.memory_space<semaphore_mem>>) src(%dma_wait3A_252 : memref<8x320x320xf32, #tpu.memory_space<hbm>>) dst(%dma_wait3A_247 : memref<8x320x320xf32, #tpu.memory_space<vmem>>)
    %dma_start3A_253 = arith.constant 3 : i32
    %dma_start3A_254 = arith.constant 0 : i32
    %dma_start3A_255 = arith.constant 3 : i32
    %dma_start3A_256 = tpu.memref_slice %arg4[%dma_start3A_255] : memref<4x!tpu.dma_semaphore, #tpu.memory_space<semaphore_mem>> -> memref<1x!tpu.dma_semaphore, #tpu.memory_space<semaphore_mem>>
    %dma_start3A_257 = tpu.memref_squeeze %dma_start3A_256 : memref<1x!tpu.dma_semaphore, #tpu.memory_space<semaphore_mem>> -> memref<!tpu.dma_semaphore, #tpu.memory_space<semaphore_mem>>
    %dma_start3A_258 = arith.constant 24 : i32
    %dma_start3A_259 = arith.constant 0 : i32
    %dma_start3A_260 = arith.constant 0 : i32
    %dma_start3A_261 = tpu.memref_slice %arg1[%dma_start3A_254, %dma_start3A_258, %dma_start3A_259, %dma_start3A_260] : memref<3x64x320x320xf32, #tpu.memory_space<hbm>> -> memref<1x8x320x320xf32, #tpu.memory_space<hbm>>
    %dma_start3A_262 = tpu.memref_squeeze %dma_start3A_261 : memref<1x8x320x320xf32, #tpu.memory_space<hbm>> -> memref<8x320x320xf32, #tpu.memory_space<hbm>>
    %dma_start3A_263 = arith.constant 0 : i32
    %dma_start3A_264 = arith.constant 0 : i32
    %dma_start3A_265 = arith.constant 0 : i32
    %dma_start3A_266 = tpu.memref_slice %arg2[%dma_start3A_253, %dma_start3A_263, %dma_start3A_264, %dma_start3A_265] : memref<4x8x320x320xf32, #tpu.memory_space<vmem>> -> memref<1x8x320x320xf32, #tpu.memory_space<vmem>>
    %dma_start3A_267 = tpu.memref_squeeze %dma_start3A_266 : memref<1x8x320x320xf32, #tpu.memory_space<vmem>> -> memref<8x320x320xf32, #tpu.memory_space<vmem>>
    tpu.enqueue_dma source(%dma_start3A_267 : memref<8x320x320xf32, #tpu.memory_space<vmem>>) target(%dma_start3A_262 : memref<8x320x320xf32, #tpu.memory_space<hbm>>) target_semaphore(%dma_start3A_257 : memref<!tpu.dma_semaphore, #tpu.memory_space<semaphore_mem>>)
    %dma_wait3A_268 = arith.constant 3 : i32
    %dma_wait3A_269 = arith.constant 0 : i32
    %dma_wait3A_270 = arith.constant 3 : i32
    %dma_wait3A_271 = tpu.memref_slice %arg4[%dma_wait3A_270] : memref<4x!tpu.dma_semaphore, #tpu.memory_space<semaphore_mem>> -> memref<1x!tpu.dma_semaphore, #tpu.memory_space<semaphore_mem>>
    %dma_wait3A_272 = tpu.memref_squeeze %dma_wait3A_271 : memref<1x!tpu.dma_semaphore, #tpu.memory_space<semaphore_mem>> -> memref<!tpu.dma_semaphore, #tpu.memory_space<semaphore_mem>>
    %dma_wait3A_273 = arith.constant 24 : i32
    %dma_wait3A_274 = arith.constant 0 : i32
    %dma_wait3A_275 = arith.constant 0 : i32
    %dma_wait3A_276 = tpu.memref_slice %arg1[%dma_wait3A_269, %dma_wait3A_273, %dma_wait3A_274, %dma_wait3A_275] : memref<3x64x320x320xf32, #tpu.memory_space<hbm>> -> memref<1x8x320x320xf32, #tpu.memory_space<hbm>>
    %dma_wait3A_277 = tpu.memref_squeeze %dma_wait3A_276 : memref<1x8x320x320xf32, #tpu.memory_space<hbm>> -> memref<8x320x320xf32, #tpu.memory_space<hbm>>
    %dma_wait3A_278 = arith.constant 0 : i32
    %dma_wait3A_279 = arith.constant 0 : i32
    %dma_wait3A_280 = arith.constant 0 : i32
    %dma_wait3A_281 = tpu.memref_slice %arg2[%dma_wait3A_268, %dma_wait3A_278, %dma_wait3A_279, %dma_wait3A_280] : memref<4x8x320x320xf32, #tpu.memory_space<vmem>> -> memref<1x8x320x320xf32, #tpu.memory_space<vmem>>
    %dma_wait3A_282 = tpu.memref_squeeze %dma_wait3A_281 : memref<1x8x320x320xf32, #tpu.memory_space<vmem>> -> memref<8x320x320xf32, #tpu.memory_space<vmem>>
    tpu.wait_dma2 semaphore(%dma_wait3A_272 : memref<!tpu.dma_semaphore, #tpu.memory_space<semaphore_mem>>) src(%dma_wait3A_282 : memref<8x320x320xf32, #tpu.memory_space<vmem>>) dst(%dma_wait3A_277 : memref<8x320x320xf32, #tpu.memory_space<hbm>>)
    %dma_start3A_283 = arith.constant 0 : i32
    %dma_start3A_284 = arith.constant 3 : i32
    %dma_start3A_285 = arith.constant 3 : i32
    %dma_start3A_286 = tpu.memref_slice %arg3[%dma_start3A_285] : memref<4x!tpu.dma_semaphore, #tpu.memory_space<semaphore_mem>> -> memref<1x!tpu.dma_semaphore, #tpu.memory_space<semaphore_mem>>
    %dma_start3A_287 = tpu.memref_squeeze %dma_start3A_286 : memref<1x!tpu.dma_semaphore, #tpu.memory_space<semaphore_mem>> -> memref<!tpu.dma_semaphore, #tpu.memory_space<semaphore_mem>>
    %dma_start3A_288 = arith.constant 0 : i32
    %dma_start3A_289 = arith.constant 0 : i32
    %dma_start3A_290 = arith.constant 0 : i32
    %dma_start3A_291 = tpu.memref_slice %arg2[%dma_start3A_284, %dma_start3A_288, %dma_start3A_289, %dma_start3A_290] : memref<4x8x320x320xf32, #tpu.memory_space<vmem>> -> memref<1x8x320x320xf32, #tpu.memory_space<vmem>>
    %dma_start3A_292 = tpu.memref_squeeze %dma_start3A_291 : memref<1x8x320x320xf32, #tpu.memory_space<vmem>> -> memref<8x320x320xf32, #tpu.memory_space<vmem>>
    %dma_start3A_293 = arith.constant 56 : i32
    %dma_start3A_294 = arith.constant 0 : i32
    %dma_start3A_295 = arith.constant 0 : i32
    %dma_start3A_296 = tpu.memref_slice %arg0[%dma_start3A_283, %dma_start3A_293, %dma_start3A_294, %dma_start3A_295] : memref<3x64x320x320xf32, #tpu.memory_space<hbm>> -> memref<1x8x320x320xf32, #tpu.memory_space<hbm>>
    %dma_start3A_297 = tpu.memref_squeeze %dma_start3A_296 : memref<1x8x320x320xf32, #tpu.memory_space<hbm>> -> memref<8x320x320xf32, #tpu.memory_space<hbm>>
    tpu.enqueue_dma source(%dma_start3A_297 : memref<8x320x320xf32, #tpu.memory_space<hbm>>) target(%dma_start3A_292 : memref<8x320x320xf32, #tpu.memory_space<vmem>>) target_semaphore(%dma_start3A_287 : memref<!tpu.dma_semaphore, #tpu.memory_space<semaphore_mem>>)
    %dma_wait3A_298 = arith.constant 0 : i32
    %dma_wait3A_299 = arith.constant 0 : i32
    %dma_wait3A_300 = arith.constant 0 : i32
    %dma_wait3A_301 = tpu.memref_slice %arg3[%dma_wait3A_300] : memref<4x!tpu.dma_semaphore, #tpu.memory_space<semaphore_mem>> -> memref<1x!tpu.dma_semaphore, #tpu.memory_space<semaphore_mem>>
    %dma_wait3A_302 = tpu.memref_squeeze %dma_wait3A_301 : memref<1x!tpu.dma_semaphore, #tpu.memory_space<semaphore_mem>> -> memref<!tpu.dma_semaphore, #tpu.memory_space<semaphore_mem>>
    %dma_wait3A_303 = arith.constant 0 : i32
    %dma_wait3A_304 = arith.constant 0 : i32
    %dma_wait3A_305 = arith.constant 0 : i32
    %dma_wait3A_306 = tpu.memref_slice %arg2[%dma_wait3A_299, %dma_wait3A_303, %dma_wait3A_304, %dma_wait3A_305] : memref<4x8x320x320xf32, #tpu.memory_space<vmem>> -> memref<1x8x320x320xf32, #tpu.memory_space<vmem>>
    %dma_wait3A_307 = tpu.memref_squeeze %dma_wait3A_306 : memref<1x8x320x320xf32, #tpu.memory_space<vmem>> -> memref<8x320x320xf32, #tpu.memory_space<vmem>>
    %dma_wait3A_308 = arith.constant 32 : i32
    %dma_wait3A_309 = arith.constant 0 : i32
    %dma_wait3A_310 = arith.constant 0 : i32
    %dma_wait3A_311 = tpu.memref_slice %arg0[%dma_wait3A_298, %dma_wait3A_308, %dma_wait3A_309, %dma_wait3A_310] : memref<3x64x320x320xf32, #tpu.memory_space<hbm>> -> memref<1x8x320x320xf32, #tpu.memory_space<hbm>>
    %dma_wait3A_312 = tpu.memref_squeeze %dma_wait3A_311 : memref<1x8x320x320xf32, #tpu.memory_space<hbm>> -> memref<8x320x320xf32, #tpu.memory_space<hbm>>
    tpu.wait_dma2 semaphore(%dma_wait3A_302 : memref<!tpu.dma_semaphore, #tpu.memory_space<semaphore_mem>>) src(%dma_wait3A_312 : memref<8x320x320xf32, #tpu.memory_space<hbm>>) dst(%dma_wait3A_307 : memref<8x320x320xf32, #tpu.memory_space<vmem>>)
    %dma_start3A_313 = arith.constant 0 : i32
    %dma_start3A_314 = arith.constant 0 : i32
    %dma_start3A_315 = arith.constant 0 : i32
    %dma_start3A_316 = tpu.memref_slice %arg4[%dma_start3A_315] : memref<4x!tpu.dma_semaphore, #tpu.memory_space<semaphore_mem>> -> memref<1x!tpu.dma_semaphore, #tpu.memory_space<semaphore_mem>>
    %dma_start3A_317 = tpu.memref_squeeze %dma_start3A_316 : memref<1x!tpu.dma_semaphore, #tpu.memory_space<semaphore_mem>> -> memref<!tpu.dma_semaphore, #tpu.memory_space<semaphore_mem>>
    %dma_start3A_318 = arith.constant 32 : i32
    %dma_start3A_319 = arith.constant 0 : i32
    %dma_start3A_320 = arith.constant 0 : i32
    %dma_start3A_321 = tpu.memref_slice %arg1[%dma_start3A_314, %dma_start3A_318, %dma_start3A_319, %dma_start3A_320] : memref<3x64x320x320xf32, #tpu.memory_space<hbm>> -> memref<1x8x320x320xf32, #tpu.memory_space<hbm>>
    %dma_start3A_322 = tpu.memref_squeeze %dma_start3A_321 : memref<1x8x320x320xf32, #tpu.memory_space<hbm>> -> memref<8x320x320xf32, #tpu.memory_space<hbm>>
    %dma_start3A_323 = arith.constant 0 : i32
    %dma_start3A_324 = arith.constant 0 : i32
    %dma_start3A_325 = arith.constant 0 : i32
    %dma_start3A_326 = tpu.memref_slice %arg2[%dma_start3A_313, %dma_start3A_323, %dma_start3A_324, %dma_start3A_325] : memref<4x8x320x320xf32, #tpu.memory_space<vmem>> -> memref<1x8x320x320xf32, #tpu.memory_space<vmem>>
    %dma_start3A_327 = tpu.memref_squeeze %dma_start3A_326 : memref<1x8x320x320xf32, #tpu.memory_space<vmem>> -> memref<8x320x320xf32, #tpu.memory_space<vmem>>
    tpu.enqueue_dma source(%dma_start3A_327 : memref<8x320x320xf32, #tpu.memory_space<vmem>>) target(%dma_start3A_322 : memref<8x320x320xf32, #tpu.memory_space<hbm>>) target_semaphore(%dma_start3A_317 : memref<!tpu.dma_semaphore, #tpu.memory_space<semaphore_mem>>)
    %dma_wait3A_328 = arith.constant 0 : i32
    %dma_wait3A_329 = arith.constant 0 : i32
    %dma_wait3A_330 = arith.constant 0 : i32
    %dma_wait3A_331 = tpu.memref_slice %arg4[%dma_wait3A_330] : memref<4x!tpu.dma_semaphore, #tpu.memory_space<semaphore_mem>> -> memref<1x!tpu.dma_semaphore, #tpu.memory_space<semaphore_mem>>
    %dma_wait3A_332 = tpu.memref_squeeze %dma_wait3A_331 : memref<1x!tpu.dma_semaphore, #tpu.memory_space<semaphore_mem>> -> memref<!tpu.dma_semaphore, #tpu.memory_space<semaphore_mem>>
    %dma_wait3A_333 = arith.constant 32 : i32
    %dma_wait3A_334 = arith.constant 0 : i32
    %dma_wait3A_335 = arith.constant 0 : i32
    %dma_wait3A_336 = tpu.memref_slice %arg1[%dma_wait3A_329, %dma_wait3A_333, %dma_wait3A_334, %dma_wait3A_335] : memref<3x64x320x320xf32, #tpu.memory_space<hbm>> -> memref<1x8x320x320xf32, #tpu.memory_space<hbm>>
    %dma_wait3A_337 = tpu.memref_squeeze %dma_wait3A_336 : memref<1x8x320x320xf32, #tpu.memory_space<hbm>> -> memref<8x320x320xf32, #tpu.memory_space<hbm>>
    %dma_wait3A_338 = arith.constant 0 : i32
    %dma_wait3A_339 = arith.constant 0 : i32
    %dma_wait3A_340 = arith.constant 0 : i32
    %dma_wait3A_341 = tpu.memref_slice %arg2[%dma_wait3A_328, %dma_wait3A_338, %dma_wait3A_339, %dma_wait3A_340] : memref<4x8x320x320xf32, #tpu.memory_space<vmem>> -> memref<1x8x320x320xf32, #tpu.memory_space<vmem>>
    %dma_wait3A_342 = tpu.memref_squeeze %dma_wait3A_341 : memref<1x8x320x320xf32, #tpu.memory_space<vmem>> -> memref<8x320x320xf32, #tpu.memory_space<vmem>>
    tpu.wait_dma2 semaphore(%dma_wait3A_332 : memref<!tpu.dma_semaphore, #tpu.memory_space<semaphore_mem>>) src(%dma_wait3A_342 : memref<8x320x320xf32, #tpu.memory_space<vmem>>) dst(%dma_wait3A_337 : memref<8x320x320xf32, #tpu.memory_space<hbm>>)
    %dma_start3A_343 = arith.constant 1 : i32
    %dma_start3A_344 = arith.constant 0 : i32
    %dma_start3A_345 = arith.constant 0 : i32
    %dma_start3A_346 = tpu.memref_slice %arg3[%dma_start3A_345] : memref<4x!tpu.dma_semaphore, #tpu.memory_space<semaphore_mem>> -> memref<1x!tpu.dma_semaphore, #tpu.memory_space<semaphore_mem>>
    %dma_start3A_347 = tpu.memref_squeeze %dma_start3A_346 : memref<1x!tpu.dma_semaphore, #tpu.memory_space<semaphore_mem>> -> memref<!tpu.dma_semaphore, #tpu.memory_space<semaphore_mem>>
    %dma_start3A_348 = arith.constant 0 : i32
    %dma_start3A_349 = arith.constant 0 : i32
    %dma_start3A_350 = arith.constant 0 : i32
    %dma_start3A_351 = tpu.memref_slice %arg2[%dma_start3A_344, %dma_start3A_348, %dma_start3A_349, %dma_start3A_350] : memref<4x8x320x320xf32, #tpu.memory_space<vmem>> -> memref<1x8x320x320xf32, #tpu.memory_space<vmem>>
    %dma_start3A_352 = tpu.memref_squeeze %dma_start3A_351 : memref<1x8x320x320xf32, #tpu.memory_space<vmem>> -> memref<8x320x320xf32, #tpu.memory_space<vmem>>
    %dma_start3A_353 = arith.constant 0 : i32
    %dma_start3A_354 = arith.constant 0 : i32
    %dma_start3A_355 = arith.constant 0 : i32
    %dma_start3A_356 = tpu.memref_slice %arg0[%dma_start3A_343, %dma_start3A_353, %dma_start3A_354, %dma_start3A_355] : memref<3x64x320x320xf32, #tpu.memory_space<hbm>> -> memref<1x8x320x320xf32, #tpu.memory_space<hbm>>
    %dma_start3A_357 = tpu.memref_squeeze %dma_start3A_356 : memref<1x8x320x320xf32, #tpu.memory_space<hbm>> -> memref<8x320x320xf32, #tpu.memory_space<hbm>>
    tpu.enqueue_dma source(%dma_start3A_357 : memref<8x320x320xf32, #tpu.memory_space<hbm>>) target(%dma_start3A_352 : memref<8x320x320xf32, #tpu.memory_space<vmem>>) target_semaphore(%dma_start3A_347 : memref<!tpu.dma_semaphore, #tpu.memory_space<semaphore_mem>>)
    %dma_wait3A_358 = arith.constant 0 : i32
    %dma_wait3A_359 = arith.constant 1 : i32
    %dma_wait3A_360 = arith.constant 1 : i32
    %dma_wait3A_361 = tpu.memref_slice %arg3[%dma_wait3A_360] : memref<4x!tpu.dma_semaphore, #tpu.memory_space<semaphore_mem>> -> memref<1x!tpu.dma_semaphore, #tpu.memory_space<semaphore_mem>>
    %dma_wait3A_362 = tpu.memref_squeeze %dma_wait3A_361 : memref<1x!tpu.dma_semaphore, #tpu.memory_space<semaphore_mem>> -> memref<!tpu.dma_semaphore, #tpu.memory_space<semaphore_mem>>
    %dma_wait3A_363 = arith.constant 0 : i32
    %dma_wait3A_364 = arith.constant 0 : i32
    %dma_wait3A_365 = arith.constant 0 : i32
    %dma_wait3A_366 = tpu.memref_slice %arg2[%dma_wait3A_359, %dma_wait3A_363, %dma_wait3A_364, %dma_wait3A_365] : memref<4x8x320x320xf32, #tpu.memory_space<vmem>> -> memref<1x8x320x320xf32, #tpu.memory_space<vmem>>
    %dma_wait3A_367 = tpu.memref_squeeze %dma_wait3A_366 : memref<1x8x320x320xf32, #tpu.memory_space<vmem>> -> memref<8x320x320xf32, #tpu.memory_space<vmem>>
    %dma_wait3A_368 = arith.constant 40 : i32
    %dma_wait3A_369 = arith.constant 0 : i32
    %dma_wait3A_370 = arith.constant 0 : i32
    %dma_wait3A_371 = tpu.memref_slice %arg0[%dma_wait3A_358, %dma_wait3A_368, %dma_wait3A_369, %dma_wait3A_370] : memref<3x64x320x320xf32, #tpu.memory_space<hbm>> -> memref<1x8x320x320xf32, #tpu.memory_space<hbm>>
    %dma_wait3A_372 = tpu.memref_squeeze %dma_wait3A_371 : memref<1x8x320x320xf32, #tpu.memory_space<hbm>> -> memref<8x320x320xf32, #tpu.memory_space<hbm>>
    tpu.wait_dma2 semaphore(%dma_wait3A_362 : memref<!tpu.dma_semaphore, #tpu.memory_space<semaphore_mem>>) src(%dma_wait3A_372 : memref<8x320x320xf32, #tpu.memory_space<hbm>>) dst(%dma_wait3A_367 : memref<8x320x320xf32, #tpu.memory_space<vmem>>)
    %dma_start3A_373 = arith.constant 1 : i32
    %dma_start3A_374 = arith.constant 0 : i32
    %dma_start3A_375 = arith.constant 1 : i32
    %dma_start3A_376 = tpu.memref_slice %arg4[%dma_start3A_375] : memref<4x!tpu.dma_semaphore, #tpu.memory_space<semaphore_mem>> -> memref<1x!tpu.dma_semaphore, #tpu.memory_space<semaphore_mem>>
    %dma_start3A_377 = tpu.memref_squeeze %dma_start3A_376 : memref<1x!tpu.dma_semaphore, #tpu.memory_space<semaphore_mem>> -> memref<!tpu.dma_semaphore, #tpu.memory_space<semaphore_mem>>
    %dma_start3A_378 = arith.constant 40 : i32
    %dma_start3A_379 = arith.constant 0 : i32
    %dma_start3A_380 = arith.constant 0 : i32
    %dma_start3A_381 = tpu.memref_slice %arg1[%dma_start3A_374, %dma_start3A_378, %dma_start3A_379, %dma_start3A_380] : memref<3x64x320x320xf32, #tpu.memory_space<hbm>> -> memref<1x8x320x320xf32, #tpu.memory_space<hbm>>
    %dma_start3A_382 = tpu.memref_squeeze %dma_start3A_381 : memref<1x8x320x320xf32, #tpu.memory_space<hbm>> -> memref<8x320x320xf32, #tpu.memory_space<hbm>>
    %dma_start3A_383 = arith.constant 0 : i32
    %dma_start3A_384 = arith.constant 0 : i32
    %dma_start3A_385 = arith.constant 0 : i32
    %dma_start3A_386 = tpu.memref_slice %arg2[%dma_start3A_373, %dma_start3A_383, %dma_start3A_384, %dma_start3A_385] : memref<4x8x320x320xf32, #tpu.memory_space<vmem>> -> memref<1x8x320x320xf32, #tpu.memory_space<vmem>>
    %dma_start3A_387 = tpu.memref_squeeze %dma_start3A_386 : memref<1x8x320x320xf32, #tpu.memory_space<vmem>> -> memref<8x320x320xf32, #tpu.memory_space<vmem>>
    tpu.enqueue_dma source(%dma_start3A_387 : memref<8x320x320xf32, #tpu.memory_space<vmem>>) target(%dma_start3A_382 : memref<8x320x320xf32, #tpu.memory_space<hbm>>) target_semaphore(%dma_start3A_377 : memref<!tpu.dma_semaphore, #tpu.memory_space<semaphore_mem>>)
    %dma_wait3A_388 = arith.constant 1 : i32
    %dma_wait3A_389 = arith.constant 0 : i32
    %dma_wait3A_390 = arith.constant 1 : i32
    %dma_wait3A_391 = tpu.memref_slice %arg4[%dma_wait3A_390] : memref<4x!tpu.dma_semaphore, #tpu.memory_space<semaphore_mem>> -> memref<1x!tpu.dma_semaphore, #tpu.memory_space<semaphore_mem>>
    %dma_wait3A_392 = tpu.memref_squeeze %dma_wait3A_391 : memref<1x!tpu.dma_semaphore, #tpu.memory_space<semaphore_mem>> -> memref<!tpu.dma_semaphore, #tpu.memory_space<semaphore_mem>>
    %dma_wait3A_393 = arith.constant 40 : i32
    %dma_wait3A_394 = arith.constant 0 : i32
    %dma_wait3A_395 = arith.constant 0 : i32
    %dma_wait3A_396 = tpu.memref_slice %arg1[%dma_wait3A_389, %dma_wait3A_393, %dma_wait3A_394, %dma_wait3A_395] : memref<3x64x320x320xf32, #tpu.memory_space<hbm>> -> memref<1x8x320x320xf32, #tpu.memory_space<hbm>>
    %dma_wait3A_397 = tpu.memref_squeeze %dma_wait3A_396 : memref<1x8x320x320xf32, #tpu.memory_space<hbm>> -> memref<8x320x320xf32, #tpu.memory_space<hbm>>
    %dma_wait3A_398 = arith.constant 0 : i32
    %dma_wait3A_399 = arith.constant 0 : i32
    %dma_wait3A_400 = arith.constant 0 : i32
    %dma_wait3A_401 = tpu.memref_slice %arg2[%dma_wait3A_388, %dma_wait3A_398, %dma_wait3A_399, %dma_wait3A_400] : memref<4x8x320x320xf32, #tpu.memory_space<vmem>> -> memref<1x8x320x320xf32, #tpu.memory_space<vmem>>
    %dma_wait3A_402 = tpu.memref_squeeze %dma_wait3A_401 : memref<1x8x320x320xf32, #tpu.memory_space<vmem>> -> memref<8x320x320xf32, #tpu.memory_space<vmem>>
    tpu.wait_dma2 semaphore(%dma_wait3A_392 : memref<!tpu.dma_semaphore, #tpu.memory_space<semaphore_mem>>) src(%dma_wait3A_402 : memref<8x320x320xf32, #tpu.memory_space<vmem>>) dst(%dma_wait3A_397 : memref<8x320x320xf32, #tpu.memory_space<hbm>>)
    %dma_start3A_403 = arith.constant 1 : i32
    %dma_start3A_404 = arith.constant 1 : i32
    %dma_start3A_405 = arith.constant 1 : i32
    %dma_start3A_406 = tpu.memref_slice %arg3[%dma_start3A_405] : memref<4x!tpu.dma_semaphore, #tpu.memory_space<semaphore_mem>> -> memref<1x!tpu.dma_semaphore, #tpu.memory_space<semaphore_mem>>
    %dma_start3A_407 = tpu.memref_squeeze %dma_start3A_406 : memref<1x!tpu.dma_semaphore, #tpu.memory_space<semaphore_mem>> -> memref<!tpu.dma_semaphore, #tpu.memory_space<semaphore_mem>>
    %dma_start3A_408 = arith.constant 0 : i32
    %dma_start3A_409 = arith.constant 0 : i32
    %dma_start3A_410 = arith.constant 0 : i32
    %dma_start3A_411 = tpu.memref_slice %arg2[%dma_start3A_404, %dma_start3A_408, %dma_start3A_409, %dma_start3A_410] : memref<4x8x320x320xf32, #tpu.memory_space<vmem>> -> memref<1x8x320x320xf32, #tpu.memory_space<vmem>>
    %dma_start3A_412 = tpu.memref_squeeze %dma_start3A_411 : memref<1x8x320x320xf32, #tpu.memory_space<vmem>> -> memref<8x320x320xf32, #tpu.memory_space<vmem>>
    %dma_start3A_413 = arith.constant 8 : i32
    %dma_start3A_414 = arith.constant 0 : i32
    %dma_start3A_415 = arith.constant 0 : i32
    %dma_start3A_416 = tpu.memref_slice %arg0[%dma_start3A_403, %dma_start3A_413, %dma_start3A_414, %dma_start3A_415] : memref<3x64x320x320xf32, #tpu.memory_space<hbm>> -> memref<1x8x320x320xf32, #tpu.memory_space<hbm>>
    %dma_start3A_417 = tpu.memref_squeeze %dma_start3A_416 : memref<1x8x320x320xf32, #tpu.memory_space<hbm>> -> memref<8x320x320xf32, #tpu.memory_space<hbm>>
    tpu.enqueue_dma source(%dma_start3A_417 : memref<8x320x320xf32, #tpu.memory_space<hbm>>) target(%dma_start3A_412 : memref<8x320x320xf32, #tpu.memory_space<vmem>>) target_semaphore(%dma_start3A_407 : memref<!tpu.dma_semaphore, #tpu.memory_space<semaphore_mem>>)
    %dma_wait3A_418 = arith.constant 0 : i32
    %dma_wait3A_419 = arith.constant 2 : i32
    %dma_wait3A_420 = arith.constant 2 : i32
    %dma_wait3A_421 = tpu.memref_slice %arg3[%dma_wait3A_420] : memref<4x!tpu.dma_semaphore, #tpu.memory_space<semaphore_mem>> -> memref<1x!tpu.dma_semaphore, #tpu.memory_space<semaphore_mem>>
    %dma_wait3A_422 = tpu.memref_squeeze %dma_wait3A_421 : memref<1x!tpu.dma_semaphore, #tpu.memory_space<semaphore_mem>> -> memref<!tpu.dma_semaphore, #tpu.memory_space<semaphore_mem>>
    %dma_wait3A_423 = arith.constant 0 : i32
    %dma_wait3A_424 = arith.constant 0 : i32
    %dma_wait3A_425 = arith.constant 0 : i32
    %dma_wait3A_426 = tpu.memref_slice %arg2[%dma_wait3A_419, %dma_wait3A_423, %dma_wait3A_424, %dma_wait3A_425] : memref<4x8x320x320xf32, #tpu.memory_space<vmem>> -> memref<1x8x320x320xf32, #tpu.memory_space<vmem>>
    %dma_wait3A_427 = tpu.memref_squeeze %dma_wait3A_426 : memref<1x8x320x320xf32, #tpu.memory_space<vmem>> -> memref<8x320x320xf32, #tpu.memory_space<vmem>>
    %dma_wait3A_428 = arith.constant 48 : i32
    %dma_wait3A_429 = arith.constant 0 : i32
    %dma_wait3A_430 = arith.constant 0 : i32
    %dma_wait3A_431 = tpu.memref_slice %arg0[%dma_wait3A_418, %dma_wait3A_428, %dma_wait3A_429, %dma_wait3A_430] : memref<3x64x320x320xf32, #tpu.memory_space<hbm>> -> memref<1x8x320x320xf32, #tpu.memory_space<hbm>>
    %dma_wait3A_432 = tpu.memref_squeeze %dma_wait3A_431 : memref<1x8x320x320xf32, #tpu.memory_space<hbm>> -> memref<8x320x320xf32, #tpu.memory_space<hbm>>
    tpu.wait_dma2 semaphore(%dma_wait3A_422 : memref<!tpu.dma_semaphore, #tpu.memory_space<semaphore_mem>>) src(%dma_wait3A_432 : memref<8x320x320xf32, #tpu.memory_space<hbm>>) dst(%dma_wait3A_427 : memref<8x320x320xf32, #tpu.memory_space<vmem>>)
    %dma_start3A_433 = arith.constant 2 : i32
    %dma_start3A_434 = arith.constant 0 : i32
    %dma_start3A_435 = arith.constant 2 : i32
    %dma_start3A_436 = tpu.memref_slice %arg4[%dma_start3A_435] : memref<4x!tpu.dma_semaphore, #tpu.memory_space<semaphore_mem>> -> memref<1x!tpu.dma_semaphore, #tpu.memory_space<semaphore_mem>>
    %dma_start3A_437 = tpu.memref_squeeze %dma_start3A_436 : memref<1x!tpu.dma_semaphore, #tpu.memory_space<semaphore_mem>> -> memref<!tpu.dma_semaphore, #tpu.memory_space<semaphore_mem>>
    %dma_start3A_438 = arith.constant 48 : i32
    %dma_start3A_439 = arith.constant 0 : i32
    %dma_start3A_440 = arith.constant 0 : i32
    %dma_start3A_441 = tpu.memref_slice %arg1[%dma_start3A_434, %dma_start3A_438, %dma_start3A_439, %dma_start3A_440] : memref<3x64x320x320xf32, #tpu.memory_space<hbm>> -> memref<1x8x320x320xf32, #tpu.memory_space<hbm>>
    %dma_start3A_442 = tpu.memref_squeeze %dma_start3A_441 : memref<1x8x320x320xf32, #tpu.memory_space<hbm>> -> memref<8x320x320xf32, #tpu.memory_space<hbm>>
    %dma_start3A_443 = arith.constant 0 : i32
    %dma_start3A_444 = arith.constant 0 : i32
    %dma_start3A_445 = arith.constant 0 : i32
    %dma_start3A_446 = tpu.memref_slice %arg2[%dma_start3A_433, %dma_start3A_443, %dma_start3A_444, %dma_start3A_445] : memref<4x8x320x320xf32, #tpu.memory_space<vmem>> -> memref<1x8x320x320xf32, #tpu.memory_space<vmem>>
    %dma_start3A_447 = tpu.memref_squeeze %dma_start3A_446 : memref<1x8x320x320xf32, #tpu.memory_space<vmem>> -> memref<8x320x320xf32, #tpu.memory_space<vmem>>
    tpu.enqueue_dma source(%dma_start3A_447 : memref<8x320x320xf32, #tpu.memory_space<vmem>>) target(%dma_start3A_442 : memref<8x320x320xf32, #tpu.memory_space<hbm>>) target_semaphore(%dma_start3A_437 : memref<!tpu.dma_semaphore, #tpu.memory_space<semaphore_mem>>)
    %dma_wait3A_448 = arith.constant 2 : i32
    %dma_wait3A_449 = arith.constant 0 : i32
    %dma_wait3A_450 = arith.constant 2 : i32
    %dma_wait3A_451 = tpu.memref_slice %arg4[%dma_wait3A_450] : memref<4x!tpu.dma_semaphore, #tpu.memory_space<semaphore_mem>> -> memref<1x!tpu.dma_semaphore, #tpu.memory_space<semaphore_mem>>
    %dma_wait3A_452 = tpu.memref_squeeze %dma_wait3A_451 : memref<1x!tpu.dma_semaphore, #tpu.memory_space<semaphore_mem>> -> memref<!tpu.dma_semaphore, #tpu.memory_space<semaphore_mem>>
    %dma_wait3A_453 = arith.constant 48 : i32
    %dma_wait3A_454 = arith.constant 0 : i32
    %dma_wait3A_455 = arith.constant 0 : i32
    %dma_wait3A_456 = tpu.memref_slice %arg1[%dma_wait3A_449, %dma_wait3A_453, %dma_wait3A_454, %dma_wait3A_455] : memref<3x64x320x320xf32, #tpu.memory_space<hbm>> -> memref<1x8x320x320xf32, #tpu.memory_space<hbm>>
    %dma_wait3A_457 = tpu.memref_squeeze %dma_wait3A_456 : memref<1x8x320x320xf32, #tpu.memory_space<hbm>> -> memref<8x320x320xf32, #tpu.memory_space<hbm>>
    %dma_wait3A_458 = arith.constant 0 : i32
    %dma_wait3A_459 = arith.constant 0 : i32
    %dma_wait3A_460 = arith.constant 0 : i32
    %dma_wait3A_461 = tpu.memref_slice %arg2[%dma_wait3A_448, %dma_wait3A_458, %dma_wait3A_459, %dma_wait3A_460] : memref<4x8x320x320xf32, #tpu.memory_space<vmem>> -> memref<1x8x320x320xf32, #tpu.memory_space<vmem>>
    %dma_wait3A_462 = tpu.memref_squeeze %dma_wait3A_461 : memref<1x8x320x320xf32, #tpu.memory_space<vmem>> -> memref<8x320x320xf32, #tpu.memory_space<vmem>>
    tpu.wait_dma2 semaphore(%dma_wait3A_452 : memref<!tpu.dma_semaphore, #tpu.memory_space<semaphore_mem>>) src(%dma_wait3A_462 : memref<8x320x320xf32, #tpu.memory_space<vmem>>) dst(%dma_wait3A_457 : memref<8x320x320xf32, #tpu.memory_space<hbm>>)
    %dma_start3A_463 = arith.constant 1 : i32
    %dma_start3A_464 = arith.constant 2 : i32
    %dma_start3A_465 = arith.constant 2 : i32
    %dma_start3A_466 = tpu.memref_slice %arg3[%dma_start3A_465] : memref<4x!tpu.dma_semaphore, #tpu.memory_space<semaphore_mem>> -> memref<1x!tpu.dma_semaphore, #tpu.memory_space<semaphore_mem>>
    %dma_start3A_467 = tpu.memref_squeeze %dma_start3A_466 : memref<1x!tpu.dma_semaphore, #tpu.memory_space<semaphore_mem>> -> memref<!tpu.dma_semaphore, #tpu.memory_space<semaphore_mem>>
    %dma_start3A_468 = arith.constant 0 : i32
    %dma_start3A_469 = arith.constant 0 : i32
    %dma_start3A_470 = arith.constant 0 : i32
    %dma_start3A_471 = tpu.memref_slice %arg2[%dma_start3A_464, %dma_start3A_468, %dma_start3A_469, %dma_start3A_470] : memref<4x8x320x320xf32, #tpu.memory_space<vmem>> -> memref<1x8x320x320xf32, #tpu.memory_space<vmem>>
    %dma_start3A_472 = tpu.memref_squeeze %dma_start3A_471 : memref<1x8x320x320xf32, #tpu.memory_space<vmem>> -> memref<8x320x320xf32, #tpu.memory_space<vmem>>
    %dma_start3A_473 = arith.constant 16 : i32
    %dma_start3A_474 = arith.constant 0 : i32
    %dma_start3A_475 = arith.constant 0 : i32
    %dma_start3A_476 = tpu.memref_slice %arg0[%dma_start3A_463, %dma_start3A_473, %dma_start3A_474, %dma_start3A_475] : memref<3x64x320x320xf32, #tpu.memory_space<hbm>> -> memref<1x8x320x320xf32, #tpu.memory_space<hbm>>
    %dma_start3A_477 = tpu.memref_squeeze %dma_start3A_476 : memref<1x8x320x320xf32, #tpu.memory_space<hbm>> -> memref<8x320x320xf32, #tpu.memory_space<hbm>>
    tpu.enqueue_dma source(%dma_start3A_477 : memref<8x320x320xf32, #tpu.memory_space<hbm>>) target(%dma_start3A_472 : memref<8x320x320xf32, #tpu.memory_space<vmem>>) target_semaphore(%dma_start3A_467 : memref<!tpu.dma_semaphore, #tpu.memory_space<semaphore_mem>>)
    %dma_wait3A_478 = arith.constant 0 : i32
    %dma_wait3A_479 = arith.constant 3 : i32
    %dma_wait3A_480 = arith.constant 3 : i32
    %dma_wait3A_481 = tpu.memref_slice %arg3[%dma_wait3A_480] : memref<4x!tpu.dma_semaphore, #tpu.memory_space<semaphore_mem>> -> memref<1x!tpu.dma_semaphore, #tpu.memory_space<semaphore_mem>>
    %dma_wait3A_482 = tpu.memref_squeeze %dma_wait3A_481 : memref<1x!tpu.dma_semaphore, #tpu.memory_space<semaphore_mem>> -> memref<!tpu.dma_semaphore, #tpu.memory_space<semaphore_mem>>
    %dma_wait3A_483 = arith.constant 0 : i32
    %dma_wait3A_484 = arith.constant 0 : i32
    %dma_wait3A_485 = arith.constant 0 : i32
    %dma_wait3A_486 = tpu.memref_slice %arg2[%dma_wait3A_479, %dma_wait3A_483, %dma_wait3A_484, %dma_wait3A_485] : memref<4x8x320x320xf32, #tpu.memory_space<vmem>> -> memref<1x8x320x320xf32, #tpu.memory_space<vmem>>
    %dma_wait3A_487 = tpu.memref_squeeze %dma_wait3A_486 : memref<1x8x320x320xf32, #tpu.memory_space<vmem>> -> memref<8x320x320xf32, #tpu.memory_space<vmem>>
    %dma_wait3A_488 = arith.constant 56 : i32
    %dma_wait3A_489 = arith.constant 0 : i32
    %dma_wait3A_490 = arith.constant 0 : i32
    %dma_wait3A_491 = tpu.memref_slice %arg0[%dma_wait3A_478, %dma_wait3A_488, %dma_wait3A_489, %dma_wait3A_490] : memref<3x64x320x320xf32, #tpu.memory_space<hbm>> -> memref<1x8x320x320xf32, #tpu.memory_space<hbm>>
    %dma_wait3A_492 = tpu.memref_squeeze %dma_wait3A_491 : memref<1x8x320x320xf32, #tpu.memory_space<hbm>> -> memref<8x320x320xf32, #tpu.memory_space<hbm>>
    tpu.wait_dma2 semaphore(%dma_wait3A_482 : memref<!tpu.dma_semaphore, #tpu.memory_space<semaphore_mem>>) src(%dma_wait3A_492 : memref<8x320x320xf32, #tpu.memory_space<hbm>>) dst(%dma_wait3A_487 : memref<8x320x320xf32, #tpu.memory_space<vmem>>)
    %dma_start3A_493 = arith.constant 3 : i32
    %dma_start3A_494 = arith.constant 0 : i32
    %dma_start3A_495 = arith.constant 3 : i32
    %dma_start3A_496 = tpu.memref_slice %arg4[%dma_start3A_495] : memref<4x!tpu.dma_semaphore, #tpu.memory_space<semaphore_mem>> -> memref<1x!tpu.dma_semaphore, #tpu.memory_space<semaphore_mem>>
    %dma_start3A_497 = tpu.memref_squeeze %dma_start3A_496 : memref<1x!tpu.dma_semaphore, #tpu.memory_space<semaphore_mem>> -> memref<!tpu.dma_semaphore, #tpu.memory_space<semaphore_mem>>
    %dma_start3A_498 = arith.constant 56 : i32
    %dma_start3A_499 = arith.constant 0 : i32
    %dma_start3A_500 = arith.constant 0 : i32
    %dma_start3A_501 = tpu.memref_slice %arg1[%dma_start3A_494, %dma_start3A_498, %dma_start3A_499, %dma_start3A_500] : memref<3x64x320x320xf32, #tpu.memory_space<hbm>> -> memref<1x8x320x320xf32, #tpu.memory_space<hbm>>
    %dma_start3A_502 = tpu.memref_squeeze %dma_start3A_501 : memref<1x8x320x320xf32, #tpu.memory_space<hbm>> -> memref<8x320x320xf32, #tpu.memory_space<hbm>>
    %dma_start3A_503 = arith.constant 0 : i32
    %dma_start3A_504 = arith.constant 0 : i32
    %dma_start3A_505 = arith.constant 0 : i32
    %dma_start3A_506 = tpu.memref_slice %arg2[%dma_start3A_493, %dma_start3A_503, %dma_start3A_504, %dma_start3A_505] : memref<4x8x320x320xf32, #tpu.memory_space<vmem>> -> memref<1x8x320x320xf32, #tpu.memory_space<vmem>>
    %dma_start3A_507 = tpu.memref_squeeze %dma_start3A_506 : memref<1x8x320x320xf32, #tpu.memory_space<vmem>> -> memref<8x320x320xf32, #tpu.memory_space<vmem>>
    tpu.enqueue_dma source(%dma_start3A_507 : memref<8x320x320xf32, #tpu.memory_space<vmem>>) target(%dma_start3A_502 : memref<8x320x320xf32, #tpu.memory_space<hbm>>) target_semaphore(%dma_start3A_497 : memref<!tpu.dma_semaphore, #tpu.memory_space<semaphore_mem>>)
    %dma_wait3A_508 = arith.constant 3 : i32
    %dma_wait3A_509 = arith.constant 0 : i32
    %dma_wait3A_510 = arith.constant 3 : i32
    %dma_wait3A_511 = tpu.memref_slice %arg4[%dma_wait3A_510] : memref<4x!tpu.dma_semaphore, #tpu.memory_space<semaphore_mem>> -> memref<1x!tpu.dma_semaphore, #tpu.memory_space<semaphore_mem>>
    %dma_wait3A_512 = tpu.memref_squeeze %dma_wait3A_511 : memref<1x!tpu.dma_semaphore, #tpu.memory_space<semaphore_mem>> -> memref<!tpu.dma_semaphore, #tpu.memory_space<semaphore_mem>>
    %dma_wait3A_513 = arith.constant 56 : i32
    %dma_wait3A_514 = arith.constant 0 : i32
    %dma_wait3A_515 = arith.constant 0 : i32
    %dma_wait3A_516 = tpu.memref_slice %arg1[%dma_wait3A_509, %dma_wait3A_513, %dma_wait3A_514, %dma_wait3A_515] : memref<3x64x320x320xf32, #tpu.memory_space<hbm>> -> memref<1x8x320x320xf32, #tpu.memory_space<hbm>>
    %dma_wait3A_517 = tpu.memref_squeeze %dma_wait3A_516 : memref<1x8x320x320xf32, #tpu.memory_space<hbm>> -> memref<8x320x320xf32, #tpu.memory_space<hbm>>
    %dma_wait3A_518 = arith.constant 0 : i32
    %dma_wait3A_519 = arith.constant 0 : i32
    %dma_wait3A_520 = arith.constant 0 : i32
    %dma_wait3A_521 = tpu.memref_slice %arg2[%dma_wait3A_508, %dma_wait3A_518, %dma_wait3A_519, %dma_wait3A_520] : memref<4x8x320x320xf32, #tpu.memory_space<vmem>> -> memref<1x8x320x320xf32, #tpu.memory_space<vmem>>
    %dma_wait3A_522 = tpu.memref_squeeze %dma_wait3A_521 : memref<1x8x320x320xf32, #tpu.memory_space<vmem>> -> memref<8x320x320xf32, #tpu.memory_space<vmem>>
    tpu.wait_dma2 semaphore(%dma_wait3A_512 : memref<!tpu.dma_semaphore, #tpu.memory_space<semaphore_mem>>) src(%dma_wait3A_522 : memref<8x320x320xf32, #tpu.memory_space<vmem>>) dst(%dma_wait3A_517 : memref<8x320x320xf32, #tpu.memory_space<hbm>>)
    %dma_start3A_523 = arith.constant 1 : i32
    %dma_start3A_524 = arith.constant 3 : i32
    %dma_start3A_525 = arith.constant 3 : i32
    %dma_start3A_526 = tpu.memref_slice %arg3[%dma_start3A_525] : memref<4x!tpu.dma_semaphore, #tpu.memory_space<semaphore_mem>> -> memref<1x!tpu.dma_semaphore, #tpu.memory_space<semaphore_mem>>
    %dma_start3A_527 = tpu.memref_squeeze %dma_start3A_526 : memref<1x!tpu.dma_semaphore, #tpu.memory_space<semaphore_mem>> -> memref<!tpu.dma_semaphore, #tpu.memory_space<semaphore_mem>>
    %dma_start3A_528 = arith.constant 0 : i32
    %dma_start3A_529 = arith.constant 0 : i32
    %dma_start3A_530 = arith.constant 0 : i32
    %dma_start3A_531 = tpu.memref_slice %arg2[%dma_start3A_524, %dma_start3A_528, %dma_start3A_529, %dma_start3A_530] : memref<4x8x320x320xf32, #tpu.memory_space<vmem>> -> memref<1x8x320x320xf32, #tpu.memory_space<vmem>>
    %dma_start3A_532 = tpu.memref_squeeze %dma_start3A_531 : memref<1x8x320x320xf32, #tpu.memory_space<vmem>> -> memref<8x320x320xf32, #tpu.memory_space<vmem>>
    %dma_start3A_533 = arith.constant 24 : i32
    %dma_start3A_534 = arith.constant 0 : i32
    %dma_start3A_535 = arith.constant 0 : i32
    %dma_start3A_536 = tpu.memref_slice %arg0[%dma_start3A_523, %dma_start3A_533, %dma_start3A_534, %dma_start3A_535] : memref<3x64x320x320xf32, #tpu.memory_space<hbm>> -> memref<1x8x320x320xf32, #tpu.memory_space<hbm>>
    %dma_start3A_537 = tpu.memref_squeeze %dma_start3A_536 : memref<1x8x320x320xf32, #tpu.memory_space<hbm>> -> memref<8x320x320xf32, #tpu.memory_space<hbm>>
    tpu.enqueue_dma source(%dma_start3A_537 : memref<8x320x320xf32, #tpu.memory_space<hbm>>) target(%dma_start3A_532 : memref<8x320x320xf32, #tpu.memory_space<vmem>>) target_semaphore(%dma_start3A_527 : memref<!tpu.dma_semaphore, #tpu.memory_space<semaphore_mem>>)
    %dma_wait3A_538 = arith.constant 1 : i32
    %dma_wait3A_539 = arith.constant 0 : i32
    %dma_wait3A_540 = arith.constant 0 : i32
    %dma_wait3A_541 = tpu.memref_slice %arg3[%dma_wait3A_540] : memref<4x!tpu.dma_semaphore, #tpu.memory_space<semaphore_mem>> -> memref<1x!tpu.dma_semaphore, #tpu.memory_space<semaphore_mem>>
    %dma_wait3A_542 = tpu.memref_squeeze %dma_wait3A_541 : memref<1x!tpu.dma_semaphore, #tpu.memory_space<semaphore_mem>> -> memref<!tpu.dma_semaphore, #tpu.memory_space<semaphore_mem>>
    %dma_wait3A_543 = arith.constant 0 : i32
    %dma_wait3A_544 = arith.constant 0 : i32
    %dma_wait3A_545 = arith.constant 0 : i32
    %dma_wait3A_546 = tpu.memref_slice %arg2[%dma_wait3A_539, %dma_wait3A_543, %dma_wait3A_544, %dma_wait3A_545] : memref<4x8x320x320xf32, #tpu.memory_space<vmem>> -> memref<1x8x320x320xf32, #tpu.memory_space<vmem>>
    %dma_wait3A_547 = tpu.memref_squeeze %dma_wait3A_546 : memref<1x8x320x320xf32, #tpu.memory_space<vmem>> -> memref<8x320x320xf32, #tpu.memory_space<vmem>>
    %dma_wait3A_548 = arith.constant 0 : i32
    %dma_wait3A_549 = arith.constant 0 : i32
    %dma_wait3A_550 = arith.constant 0 : i32
    %dma_wait3A_551 = tpu.memref_slice %arg0[%dma_wait3A_538, %dma_wait3A_548, %dma_wait3A_549, %dma_wait3A_550] : memref<3x64x320x320xf32, #tpu.memory_space<hbm>> -> memref<1x8x320x320xf32, #tpu.memory_space<hbm>>
    %dma_wait3A_552 = tpu.memref_squeeze %dma_wait3A_551 : memref<1x8x320x320xf32, #tpu.memory_space<hbm>> -> memref<8x320x320xf32, #tpu.memory_space<hbm>>
    tpu.wait_dma2 semaphore(%dma_wait3A_542 : memref<!tpu.dma_semaphore, #tpu.memory_space<semaphore_mem>>) src(%dma_wait3A_552 : memref<8x320x320xf32, #tpu.memory_space<hbm>>) dst(%dma_wait3A_547 : memref<8x320x320xf32, #tpu.memory_space<vmem>>)
    %dma_start3A_553 = arith.constant 0 : i32
    %dma_start3A_554 = arith.constant 1 : i32
    %dma_start3A_555 = arith.constant 0 : i32
    %dma_start3A_556 = tpu.memref_slice %arg4[%dma_start3A_555] : memref<4x!tpu.dma_semaphore, #tpu.memory_space<semaphore_mem>> -> memref<1x!tpu.dma_semaphore, #tpu.memory_space<semaphore_mem>>
    %dma_start3A_557 = tpu.memref_squeeze %dma_start3A_556 : memref<1x!tpu.dma_semaphore, #tpu.memory_space<semaphore_mem>> -> memref<!tpu.dma_semaphore, #tpu.memory_space<semaphore_mem>>
    %dma_start3A_558 = arith.constant 0 : i32
    %dma_start3A_559 = arith.constant 0 : i32
    %dma_start3A_560 = arith.constant 0 : i32
    %dma_start3A_561 = tpu.memref_slice %arg1[%dma_start3A_554, %dma_start3A_558, %dma_start3A_559, %dma_start3A_560] : memref<3x64x320x320xf32, #tpu.memory_space<hbm>> -> memref<1x8x320x320xf32, #tpu.memory_space<hbm>>
    %dma_start3A_562 = tpu.memref_squeeze %dma_start3A_561 : memref<1x8x320x320xf32, #tpu.memory_space<hbm>> -> memref<8x320x320xf32, #tpu.memory_space<hbm>>
    %dma_start3A_563 = arith.constant 0 : i32
    %dma_start3A_564 = arith.constant 0 : i32
    %dma_start3A_565 = arith.constant 0 : i32
    %dma_start3A_566 = tpu.memref_slice %arg2[%dma_start3A_553, %dma_start3A_563, %dma_start3A_564, %dma_start3A_565] : memref<4x8x320x320xf32, #tpu.memory_space<vmem>> -> memref<1x8x320x320xf32, #tpu.memory_space<vmem>>
    %dma_start3A_567 = tpu.memref_squeeze %dma_start3A_566 : memref<1x8x320x320xf32, #tpu.memory_space<vmem>> -> memref<8x320x320xf32, #tpu.memory_space<vmem>>
    tpu.enqueue_dma source(%dma_start3A_567 : memref<8x320x320xf32, #tpu.memory_space<vmem>>) target(%dma_start3A_562 : memref<8x320x320xf32, #tpu.memory_space<hbm>>) target_semaphore(%dma_start3A_557 : memref<!tpu.dma_semaphore, #tpu.memory_space<semaphore_mem>>)
    %dma_wait3A_568 = arith.constant 0 : i32
    %dma_wait3A_569 = arith.constant 1 : i32
    %dma_wait3A_570 = arith.constant 0 : i32
    %dma_wait3A_571 = tpu.memref_slice %arg4[%dma_wait3A_570] : memref<4x!tpu.dma_semaphore, #tpu.memory_space<semaphore_mem>> -> memref<1x!tpu.dma_semaphore, #tpu.memory_space<semaphore_mem>>
    %dma_wait3A_572 = tpu.memref_squeeze %dma_wait3A_571 : memref<1x!tpu.dma_semaphore, #tpu.memory_space<semaphore_mem>> -> memref<!tpu.dma_semaphore, #tpu.memory_space<semaphore_mem>>
    %dma_wait3A_573 = arith.constant 0 : i32
    %dma_wait3A_574 = arith.constant 0 : i32
    %dma_wait3A_575 = arith.constant 0 : i32
    %dma_wait3A_576 = tpu.memref_slice %arg1[%dma_wait3A_569, %dma_wait3A_573, %dma_wait3A_574, %dma_wait3A_575] : memref<3x64x320x320xf32, #tpu.memory_space<hbm>> -> memref<1x8x320x320xf32, #tpu.memory_space<hbm>>
    %dma_wait3A_577 = tpu.memref_squeeze %dma_wait3A_576 : memref<1x8x320x320xf32, #tpu.memory_space<hbm>> -> memref<8x320x320xf32, #tpu.memory_space<hbm>>
    %dma_wait3A_578 = arith.constant 0 : i32
    %dma_wait3A_579 = arith.constant 0 : i32
    %dma_wait3A_580 = arith.constant 0 : i32
    %dma_wait3A_581 = tpu.memref_slice %arg2[%dma_wait3A_568, %dma_wait3A_578, %dma_wait3A_579, %dma_wait3A_580] : memref<4x8x320x320xf32, #tpu.memory_space<vmem>> -> memref<1x8x320x320xf32, #tpu.memory_space<vmem>>
    %dma_wait3A_582 = tpu.memref_squeeze %dma_wait3A_581 : memref<1x8x320x320xf32, #tpu.memory_space<vmem>> -> memref<8x320x320xf32, #tpu.memory_space<vmem>>
    tpu.wait_dma2 semaphore(%dma_wait3A_572 : memref<!tpu.dma_semaphore, #tpu.memory_space<semaphore_mem>>) src(%dma_wait3A_582 : memref<8x320x320xf32, #tpu.memory_space<vmem>>) dst(%dma_wait3A_577 : memref<8x320x320xf32, #tpu.memory_space<hbm>>)
    %dma_start3A_583 = arith.constant 1 : i32
    %dma_start3A_584 = arith.constant 0 : i32
    %dma_start3A_585 = arith.constant 0 : i32
    %dma_start3A_586 = tpu.memref_slice %arg3[%dma_start3A_585] : memref<4x!tpu.dma_semaphore, #tpu.memory_space<semaphore_mem>> -> memref<1x!tpu.dma_semaphore, #tpu.memory_space<semaphore_mem>>
    %dma_start3A_587 = tpu.memref_squeeze %dma_start3A_586 : memref<1x!tpu.dma_semaphore, #tpu.memory_space<semaphore_mem>> -> memref<!tpu.dma_semaphore, #tpu.memory_space<semaphore_mem>>
    %dma_start3A_588 = arith.constant 0 : i32
    %dma_start3A_589 = arith.constant 0 : i32
    %dma_start3A_590 = arith.constant 0 : i32
    %dma_start3A_591 = tpu.memref_slice %arg2[%dma_start3A_584, %dma_start3A_588, %dma_start3A_589, %dma_start3A_590] : memref<4x8x320x320xf32, #tpu.memory_space<vmem>> -> memref<1x8x320x320xf32, #tpu.memory_space<vmem>>
    %dma_start3A_592 = tpu.memref_squeeze %dma_start3A_591 : memref<1x8x320x320xf32, #tpu.memory_space<vmem>> -> memref<8x320x320xf32, #tpu.memory_space<vmem>>
    %dma_start3A_593 = arith.constant 32 : i32
    %dma_start3A_594 = arith.constant 0 : i32
    %dma_start3A_595 = arith.constant 0 : i32
    %dma_start3A_596 = tpu.memref_slice %arg0[%dma_start3A_583, %dma_start3A_593, %dma_start3A_594, %dma_start3A_595] : memref<3x64x320x320xf32, #tpu.memory_space<hbm>> -> memref<1x8x320x320xf32, #tpu.memory_space<hbm>>
    %dma_start3A_597 = tpu.memref_squeeze %dma_start3A_596 : memref<1x8x320x320xf32, #tpu.memory_space<hbm>> -> memref<8x320x320xf32, #tpu.memory_space<hbm>>
    tpu.enqueue_dma source(%dma_start3A_597 : memref<8x320x320xf32, #tpu.memory_space<hbm>>) target(%dma_start3A_592 : memref<8x320x320xf32, #tpu.memory_space<vmem>>) target_semaphore(%dma_start3A_587 : memref<!tpu.dma_semaphore, #tpu.memory_space<semaphore_mem>>)
    %dma_wait3A_598 = arith.constant 1 : i32
    %dma_wait3A_599 = arith.constant 1 : i32
    %dma_wait3A_600 = arith.constant 1 : i32
    %dma_wait3A_601 = tpu.memref_slice %arg3[%dma_wait3A_600] : memref<4x!tpu.dma_semaphore, #tpu.memory_space<semaphore_mem>> -> memref<1x!tpu.dma_semaphore, #tpu.memory_space<semaphore_mem>>
    %dma_wait3A_602 = tpu.memref_squeeze %dma_wait3A_601 : memref<1x!tpu.dma_semaphore, #tpu.memory_space<semaphore_mem>> -> memref<!tpu.dma_semaphore, #tpu.memory_space<semaphore_mem>>
    %dma_wait3A_603 = arith.constant 0 : i32
    %dma_wait3A_604 = arith.constant 0 : i32
    %dma_wait3A_605 = arith.constant 0 : i32
    %dma_wait3A_606 = tpu.memref_slice %arg2[%dma_wait3A_599, %dma_wait3A_603, %dma_wait3A_604, %dma_wait3A_605] : memref<4x8x320x320xf32, #tpu.memory_space<vmem>> -> memref<1x8x320x320xf32, #tpu.memory_space<vmem>>
    %dma_wait3A_607 = tpu.memref_squeeze %dma_wait3A_606 : memref<1x8x320x320xf32, #tpu.memory_space<vmem>> -> memref<8x320x320xf32, #tpu.memory_space<vmem>>
    %dma_wait3A_608 = arith.constant 8 : i32
    %dma_wait3A_609 = arith.constant 0 : i32
    %dma_wait3A_610 = arith.constant 0 : i32
    %dma_wait3A_611 = tpu.memref_slice %arg0[%dma_wait3A_598, %dma_wait3A_608, %dma_wait3A_609, %dma_wait3A_610] : memref<3x64x320x320xf32, #tpu.memory_space<hbm>> -> memref<1x8x320x320xf32, #tpu.memory_space<hbm>>
    %dma_wait3A_612 = tpu.memref_squeeze %dma_wait3A_611 : memref<1x8x320x320xf32, #tpu.memory_space<hbm>> -> memref<8x320x320xf32, #tpu.memory_space<hbm>>
    tpu.wait_dma2 semaphore(%dma_wait3A_602 : memref<!tpu.dma_semaphore, #tpu.memory_space<semaphore_mem>>) src(%dma_wait3A_612 : memref<8x320x320xf32, #tpu.memory_space<hbm>>) dst(%dma_wait3A_607 : memref<8x320x320xf32, #tpu.memory_space<vmem>>)
    %dma_start3A_613 = arith.constant 1 : i32
    %dma_start3A_614 = arith.constant 1 : i32
    %dma_start3A_615 = arith.constant 1 : i32
    %dma_start3A_616 = tpu.memref_slice %arg4[%dma_start3A_615] : memref<4x!tpu.dma_semaphore, #tpu.memory_space<semaphore_mem>> -> memref<1x!tpu.dma_semaphore, #tpu.memory_space<semaphore_mem>>
    %dma_start3A_617 = tpu.memref_squeeze %dma_start3A_616 : memref<1x!tpu.dma_semaphore, #tpu.memory_space<semaphore_mem>> -> memref<!tpu.dma_semaphore, #tpu.memory_space<semaphore_mem>>
    %dma_start3A_618 = arith.constant 8 : i32
    %dma_start3A_619 = arith.constant 0 : i32
    %dma_start3A_620 = arith.constant 0 : i32
    %dma_start3A_621 = tpu.memref_slice %arg1[%dma_start3A_614, %dma_start3A_618, %dma_start3A_619, %dma_start3A_620] : memref<3x64x320x320xf32, #tpu.memory_space<hbm>> -> memref<1x8x320x320xf32, #tpu.memory_space<hbm>>
    %dma_start3A_622 = tpu.memref_squeeze %dma_start3A_621 : memref<1x8x320x320xf32, #tpu.memory_space<hbm>> -> memref<8x320x320xf32, #tpu.memory_space<hbm>>
    %dma_start3A_623 = arith.constant 0 : i32
    %dma_start3A_624 = arith.constant 0 : i32
    %dma_start3A_625 = arith.constant 0 : i32
    %dma_start3A_626 = tpu.memref_slice %arg2[%dma_start3A_613, %dma_start3A_623, %dma_start3A_624, %dma_start3A_625] : memref<4x8x320x320xf32, #tpu.memory_space<vmem>> -> memref<1x8x320x320xf32, #tpu.memory_space<vmem>>
    %dma_start3A_627 = tpu.memref_squeeze %dma_start3A_626 : memref<1x8x320x320xf32, #tpu.memory_space<vmem>> -> memref<8x320x320xf32, #tpu.memory_space<vmem>>
    tpu.enqueue_dma source(%dma_start3A_627 : memref<8x320x320xf32, #tpu.memory_space<vmem>>) target(%dma_start3A_622 : memref<8x320x320xf32, #tpu.memory_space<hbm>>) target_semaphore(%dma_start3A_617 : memref<!tpu.dma_semaphore, #tpu.memory_space<semaphore_mem>>)
    %dma_wait3A_628 = arith.constant 1 : i32
    %dma_wait3A_629 = arith.constant 1 : i32
    %dma_wait3A_630 = arith.constant 1 : i32
    %dma_wait3A_631 = tpu.memref_slice %arg4[%dma_wait3A_630] : memref<4x!tpu.dma_semaphore, #tpu.memory_space<semaphore_mem>> -> memref<1x!tpu.dma_semaphore, #tpu.memory_space<semaphore_mem>>
    %dma_wait3A_632 = tpu.memref_squeeze %dma_wait3A_631 : memref<1x!tpu.dma_semaphore, #tpu.memory_space<semaphore_mem>> -> memref<!tpu.dma_semaphore, #tpu.memory_space<semaphore_mem>>
    %dma_wait3A_633 = arith.constant 8 : i32
    %dma_wait3A_634 = arith.constant 0 : i32
    %dma_wait3A_635 = arith.constant 0 : i32
    %dma_wait3A_636 = tpu.memref_slice %arg1[%dma_wait3A_629, %dma_wait3A_633, %dma_wait3A_634, %dma_wait3A_635] : memref<3x64x320x320xf32, #tpu.memory_space<hbm>> -> memref<1x8x320x320xf32, #tpu.memory_space<hbm>>
    %dma_wait3A_637 = tpu.memref_squeeze %dma_wait3A_636 : memref<1x8x320x320xf32, #tpu.memory_space<hbm>> -> memref<8x320x320xf32, #tpu.memory_space<hbm>>
    %dma_wait3A_638 = arith.constant 0 : i32
    %dma_wait3A_639 = arith.constant 0 : i32
    %dma_wait3A_640 = arith.constant 0 : i32
    %dma_wait3A_641 = tpu.memref_slice %arg2[%dma_wait3A_628, %dma_wait3A_638, %dma_wait3A_639, %dma_wait3A_640] : memref<4x8x320x320xf32, #tpu.memory_space<vmem>> -> memref<1x8x320x320xf32, #tpu.memory_space<vmem>>
    %dma_wait3A_642 = tpu.memref_squeeze %dma_wait3A_641 : memref<1x8x320x320xf32, #tpu.memory_space<vmem>> -> memref<8x320x320xf32, #tpu.memory_space<vmem>>
    tpu.wait_dma2 semaphore(%dma_wait3A_632 : memref<!tpu.dma_semaphore, #tpu.memory_space<semaphore_mem>>) src(%dma_wait3A_642 : memref<8x320x320xf32, #tpu.memory_space<vmem>>) dst(%dma_wait3A_637 : memref<8x320x320xf32, #tpu.memory_space<hbm>>)
    %dma_start3A_643 = arith.constant 1 : i32
    %dma_start3A_644 = arith.constant 1 : i32
    %dma_start3A_645 = arith.constant 1 : i32
    %dma_start3A_646 = tpu.memref_slice %arg3[%dma_start3A_645] : memref<4x!tpu.dma_semaphore, #tpu.memory_space<semaphore_mem>> -> memref<1x!tpu.dma_semaphore, #tpu.memory_space<semaphore_mem>>
    %dma_start3A_647 = tpu.memref_squeeze %dma_start3A_646 : memref<1x!tpu.dma_semaphore, #tpu.memory_space<semaphore_mem>> -> memref<!tpu.dma_semaphore, #tpu.memory_space<semaphore_mem>>
    %dma_start3A_648 = arith.constant 0 : i32
    %dma_start3A_649 = arith.constant 0 : i32
    %dma_start3A_650 = arith.constant 0 : i32
    %dma_start3A_651 = tpu.memref_slice %arg2[%dma_start3A_644, %dma_start3A_648, %dma_start3A_649, %dma_start3A_650] : memref<4x8x320x320xf32, #tpu.memory_space<vmem>> -> memref<1x8x320x320xf32, #tpu.memory_space<vmem>>
    %dma_start3A_652 = tpu.memref_squeeze %dma_start3A_651 : memref<1x8x320x320xf32, #tpu.memory_space<vmem>> -> memref<8x320x320xf32, #tpu.memory_space<vmem>>
    %dma_start3A_653 = arith.constant 40 : i32
    %dma_start3A_654 = arith.constant 0 : i32
    %dma_start3A_655 = arith.constant 0 : i32
    %dma_start3A_656 = tpu.memref_slice %arg0[%dma_start3A_643, %dma_start3A_653, %dma_start3A_654, %dma_start3A_655] : memref<3x64x320x320xf32, #tpu.memory_space<hbm>> -> memref<1x8x320x320xf32, #tpu.memory_space<hbm>>
    %dma_start3A_657 = tpu.memref_squeeze %dma_start3A_656 : memref<1x8x320x320xf32, #tpu.memory_space<hbm>> -> memref<8x320x320xf32, #tpu.memory_space<hbm>>
    tpu.enqueue_dma source(%dma_start3A_657 : memref<8x320x320xf32, #tpu.memory_space<hbm>>) target(%dma_start3A_652 : memref<8x320x320xf32, #tpu.memory_space<vmem>>) target_semaphore(%dma_start3A_647 : memref<!tpu.dma_semaphore, #tpu.memory_space<semaphore_mem>>)
    %dma_wait3A_658 = arith.constant 1 : i32
    %dma_wait3A_659 = arith.constant 2 : i32
    %dma_wait3A_660 = arith.constant 2 : i32
    %dma_wait3A_661 = tpu.memref_slice %arg3[%dma_wait3A_660] : memref<4x!tpu.dma_semaphore, #tpu.memory_space<semaphore_mem>> -> memref<1x!tpu.dma_semaphore, #tpu.memory_space<semaphore_mem>>
    %dma_wait3A_662 = tpu.memref_squeeze %dma_wait3A_661 : memref<1x!tpu.dma_semaphore, #tpu.memory_space<semaphore_mem>> -> memref<!tpu.dma_semaphore, #tpu.memory_space<semaphore_mem>>
    %dma_wait3A_663 = arith.constant 0 : i32
    %dma_wait3A_664 = arith.constant 0 : i32
    %dma_wait3A_665 = arith.constant 0 : i32
    %dma_wait3A_666 = tpu.memref_slice %arg2[%dma_wait3A_659, %dma_wait3A_663, %dma_wait3A_664, %dma_wait3A_665] : memref<4x8x320x320xf32, #tpu.memory_space<vmem>> -> memref<1x8x320x320xf32, #tpu.memory_space<vmem>>
    %dma_wait3A_667 = tpu.memref_squeeze %dma_wait3A_666 : memref<1x8x320x320xf32, #tpu.memory_space<vmem>> -> memref<8x320x320xf32, #tpu.memory_space<vmem>>
    %dma_wait3A_668 = arith.constant 16 : i32
    %dma_wait3A_669 = arith.constant 0 : i32
    %dma_wait3A_670 = arith.constant 0 : i32
    %dma_wait3A_671 = tpu.memref_slice %arg0[%dma_wait3A_658, %dma_wait3A_668, %dma_wait3A_669, %dma_wait3A_670] : memref<3x64x320x320xf32, #tpu.memory_space<hbm>> -> memref<1x8x320x320xf32, #tpu.memory_space<hbm>>
    %dma_wait3A_672 = tpu.memref_squeeze %dma_wait3A_671 : memref<1x8x320x320xf32, #tpu.memory_space<hbm>> -> memref<8x320x320xf32, #tpu.memory_space<hbm>>
    tpu.wait_dma2 semaphore(%dma_wait3A_662 : memref<!tpu.dma_semaphore, #tpu.memory_space<semaphore_mem>>) src(%dma_wait3A_672 : memref<8x320x320xf32, #tpu.memory_space<hbm>>) dst(%dma_wait3A_667 : memref<8x320x320xf32, #tpu.memory_space<vmem>>)
    %dma_start3A_673 = arith.constant 2 : i32
    %dma_start3A_674 = arith.constant 1 : i32
    %dma_start3A_675 = arith.constant 2 : i32
    %dma_start3A_676 = tpu.memref_slice %arg4[%dma_start3A_675] : memref<4x!tpu.dma_semaphore, #tpu.memory_space<semaphore_mem>> -> memref<1x!tpu.dma_semaphore, #tpu.memory_space<semaphore_mem>>
    %dma_start3A_677 = tpu.memref_squeeze %dma_start3A_676 : memref<1x!tpu.dma_semaphore, #tpu.memory_space<semaphore_mem>> -> memref<!tpu.dma_semaphore, #tpu.memory_space<semaphore_mem>>
    %dma_start3A_678 = arith.constant 16 : i32
    %dma_start3A_679 = arith.constant 0 : i32
    %dma_start3A_680 = arith.constant 0 : i32
    %dma_start3A_681 = tpu.memref_slice %arg1[%dma_start3A_674, %dma_start3A_678, %dma_start3A_679, %dma_start3A_680] : memref<3x64x320x320xf32, #tpu.memory_space<hbm>> -> memref<1x8x320x320xf32, #tpu.memory_space<hbm>>
    %dma_start3A_682 = tpu.memref_squeeze %dma_start3A_681 : memref<1x8x320x320xf32, #tpu.memory_space<hbm>> -> memref<8x320x320xf32, #tpu.memory_space<hbm>>
    %dma_start3A_683 = arith.constant 0 : i32
    %dma_start3A_684 = arith.constant 0 : i32
    %dma_start3A_685 = arith.constant 0 : i32
    %dma_start3A_686 = tpu.memref_slice %arg2[%dma_start3A_673, %dma_start3A_683, %dma_start3A_684, %dma_start3A_685] : memref<4x8x320x320xf32, #tpu.memory_space<vmem>> -> memref<1x8x320x320xf32, #tpu.memory_space<vmem>>
    %dma_start3A_687 = tpu.memref_squeeze %dma_start3A_686 : memref<1x8x320x320xf32, #tpu.memory_space<vmem>> -> memref<8x320x320xf32, #tpu.memory_space<vmem>>
    tpu.enqueue_dma source(%dma_start3A_687 : memref<8x320x320xf32, #tpu.memory_space<vmem>>) target(%dma_start3A_682 : memref<8x320x320xf32, #tpu.memory_space<hbm>>) target_semaphore(%dma_start3A_677 : memref<!tpu.dma_semaphore, #tpu.memory_space<semaphore_mem>>)
    %dma_wait3A_688 = arith.constant 2 : i32
    %dma_wait3A_689 = arith.constant 1 : i32
    %dma_wait3A_690 = arith.constant 2 : i32
    %dma_wait3A_691 = tpu.memref_slice %arg4[%dma_wait3A_690] : memref<4x!tpu.dma_semaphore, #tpu.memory_space<semaphore_mem>> -> memref<1x!tpu.dma_semaphore, #tpu.memory_space<semaphore_mem>>
    %dma_wait3A_692 = tpu.memref_squeeze %dma_wait3A_691 : memref<1x!tpu.dma_semaphore, #tpu.memory_space<semaphore_mem>> -> memref<!tpu.dma_semaphore, #tpu.memory_space<semaphore_mem>>
    %dma_wait3A_693 = arith.constant 16 : i32
    %dma_wait3A_694 = arith.constant 0 : i32
    %dma_wait3A_695 = arith.constant 0 : i32
    %dma_wait3A_696 = tpu.memref_slice %arg1[%dma_wait3A_689, %dma_wait3A_693, %dma_wait3A_694, %dma_wait3A_695] : memref<3x64x320x320xf32, #tpu.memory_space<hbm>> -> memref<1x8x320x320xf32, #tpu.memory_space<hbm>>
    %dma_wait3A_697 = tpu.memref_squeeze %dma_wait3A_696 : memref<1x8x320x320xf32, #tpu.memory_space<hbm>> -> memref<8x320x320xf32, #tpu.memory_space<hbm>>
    %dma_wait3A_698 = arith.constant 0 : i32
    %dma_wait3A_699 = arith.constant 0 : i32
    %dma_wait3A_700 = arith.constant 0 : i32
    %dma_wait3A_701 = tpu.memref_slice %arg2[%dma_wait3A_688, %dma_wait3A_698, %dma_wait3A_699, %dma_wait3A_700] : memref<4x8x320x320xf32, #tpu.memory_space<vmem>> -> memref<1x8x320x320xf32, #tpu.memory_space<vmem>>
    %dma_wait3A_702 = tpu.memref_squeeze %dma_wait3A_701 : memref<1x8x320x320xf32, #tpu.memory_space<vmem>> -> memref<8x320x320xf32, #tpu.memory_space<vmem>>
    tpu.wait_dma2 semaphore(%dma_wait3A_692 : memref<!tpu.dma_semaphore, #tpu.memory_space<semaphore_mem>>) src(%dma_wait3A_702 : memref<8x320x320xf32, #tpu.memory_space<vmem>>) dst(%dma_wait3A_697 : memref<8x320x320xf32, #tpu.memory_space<hbm>>)
    %dma_start3A_703 = arith.constant 1 : i32
    %dma_start3A_704 = arith.constant 2 : i32
    %dma_start3A_705 = arith.constant 2 : i32
    %dma_start3A_706 = tpu.memref_slice %arg3[%dma_start3A_705] : memref<4x!tpu.dma_semaphore, #tpu.memory_space<semaphore_mem>> -> memref<1x!tpu.dma_semaphore, #tpu.memory_space<semaphore_mem>>
    %dma_start3A_707 = tpu.memref_squeeze %dma_start3A_706 : memref<1x!tpu.dma_semaphore, #tpu.memory_space<semaphore_mem>> -> memref<!tpu.dma_semaphore, #tpu.memory_space<semaphore_mem>>
    %dma_start3A_708 = arith.constant 0 : i32
    %dma_start3A_709 = arith.constant 0 : i32
    %dma_start3A_710 = arith.constant 0 : i32
    %dma_start3A_711 = tpu.memref_slice %arg2[%dma_start3A_704, %dma_start3A_708, %dma_start3A_709, %dma_start3A_710] : memref<4x8x320x320xf32, #tpu.memory_space<vmem>> -> memref<1x8x320x320xf32, #tpu.memory_space<vmem>>
    %dma_start3A_712 = tpu.memref_squeeze %dma_start3A_711 : memref<1x8x320x320xf32, #tpu.memory_space<vmem>> -> memref<8x320x320xf32, #tpu.memory_space<vmem>>
    %dma_start3A_713 = arith.constant 48 : i32
    %dma_start3A_714 = arith.constant 0 : i32
    %dma_start3A_715 = arith.constant 0 : i32
    %dma_start3A_716 = tpu.memref_slice %arg0[%dma_start3A_703, %dma_start3A_713, %dma_start3A_714, %dma_start3A_715] : memref<3x64x320x320xf32, #tpu.memory_space<hbm>> -> memref<1x8x320x320xf32, #tpu.memory_space<hbm>>
    %dma_start3A_717 = tpu.memref_squeeze %dma_start3A_716 : memref<1x8x320x320xf32, #tpu.memory_space<hbm>> -> memref<8x320x320xf32, #tpu.memory_space<hbm>>
    tpu.enqueue_dma source(%dma_start3A_717 : memref<8x320x320xf32, #tpu.memory_space<hbm>>) target(%dma_start3A_712 : memref<8x320x320xf32, #tpu.memory_space<vmem>>) target_semaphore(%dma_start3A_707 : memref<!tpu.dma_semaphore, #tpu.memory_space<semaphore_mem>>)
    %dma_wait3A_718 = arith.constant 1 : i32
    %dma_wait3A_719 = arith.constant 3 : i32
    %dma_wait3A_720 = arith.constant 3 : i32
    %dma_wait3A_721 = tpu.memref_slice %arg3[%dma_wait3A_720] : memref<4x!tpu.dma_semaphore, #tpu.memory_space<semaphore_mem>> -> memref<1x!tpu.dma_semaphore, #tpu.memory_space<semaphore_mem>>
    %dma_wait3A_722 = tpu.memref_squeeze %dma_wait3A_721 : memref<1x!tpu.dma_semaphore, #tpu.memory_space<semaphore_mem>> -> memref<!tpu.dma_semaphore, #tpu.memory_space<semaphore_mem>>
    %dma_wait3A_723 = arith.constant 0 : i32
    %dma_wait3A_724 = arith.constant 0 : i32
    %dma_wait3A_725 = arith.constant 0 : i32
    %dma_wait3A_726 = tpu.memref_slice %arg2[%dma_wait3A_719, %dma_wait3A_723, %dma_wait3A_724, %dma_wait3A_725] : memref<4x8x320x320xf32, #tpu.memory_space<vmem>> -> memref<1x8x320x320xf32, #tpu.memory_space<vmem>>
    %dma_wait3A_727 = tpu.memref_squeeze %dma_wait3A_726 : memref<1x8x320x320xf32, #tpu.memory_space<vmem>> -> memref<8x320x320xf32, #tpu.memory_space<vmem>>
    %dma_wait3A_728 = arith.constant 24 : i32
    %dma_wait3A_729 = arith.constant 0 : i32
    %dma_wait3A_730 = arith.constant 0 : i32
    %dma_wait3A_731 = tpu.memref_slice %arg0[%dma_wait3A_718, %dma_wait3A_728, %dma_wait3A_729, %dma_wait3A_730] : memref<3x64x320x320xf32, #tpu.memory_space<hbm>> -> memref<1x8x320x320xf32, #tpu.memory_space<hbm>>
    %dma_wait3A_732 = tpu.memref_squeeze %dma_wait3A_731 : memref<1x8x320x320xf32, #tpu.memory_space<hbm>> -> memref<8x320x320xf32, #tpu.memory_space<hbm>>
    tpu.wait_dma2 semaphore(%dma_wait3A_722 : memref<!tpu.dma_semaphore, #tpu.memory_space<semaphore_mem>>) src(%dma_wait3A_732 : memref<8x320x320xf32, #tpu.memory_space<hbm>>) dst(%dma_wait3A_727 : memref<8x320x320xf32, #tpu.memory_space<vmem>>)
    %dma_start3A_733 = arith.constant 3 : i32
    %dma_start3A_734 = arith.constant 1 : i32
    %dma_start3A_735 = arith.constant 3 : i32
    %dma_start3A_736 = tpu.memref_slice %arg4[%dma_start3A_735] : memref<4x!tpu.dma_semaphore, #tpu.memory_space<semaphore_mem>> -> memref<1x!tpu.dma_semaphore, #tpu.memory_space<semaphore_mem>>
    %dma_start3A_737 = tpu.memref_squeeze %dma_start3A_736 : memref<1x!tpu.dma_semaphore, #tpu.memory_space<semaphore_mem>> -> memref<!tpu.dma_semaphore, #tpu.memory_space<semaphore_mem>>
    %dma_start3A_738 = arith.constant 24 : i32
    %dma_start3A_739 = arith.constant 0 : i32
    %dma_start3A_740 = arith.constant 0 : i32
    %dma_start3A_741 = tpu.memref_slice %arg1[%dma_start3A_734, %dma_start3A_738, %dma_start3A_739, %dma_start3A_740] : memref<3x64x320x320xf32, #tpu.memory_space<hbm>> -> memref<1x8x320x320xf32, #tpu.memory_space<hbm>>
    %dma_start3A_742 = tpu.memref_squeeze %dma_start3A_741 : memref<1x8x320x320xf32, #tpu.memory_space<hbm>> -> memref<8x320x320xf32, #tpu.memory_space<hbm>>
    %dma_start3A_743 = arith.constant 0 : i32
    %dma_start3A_744 = arith.constant 0 : i32
    %dma_start3A_745 = arith.constant 0 : i32
    %dma_start3A_746 = tpu.memref_slice %arg2[%dma_start3A_733, %dma_start3A_743, %dma_start3A_744, %dma_start3A_745] : memref<4x8x320x320xf32, #tpu.memory_space<vmem>> -> memref<1x8x320x320xf32, #tpu.memory_space<vmem>>
    %dma_start3A_747 = tpu.memref_squeeze %dma_start3A_746 : memref<1x8x320x320xf32, #tpu.memory_space<vmem>> -> memref<8x320x320xf32, #tpu.memory_space<vmem>>
    tpu.enqueue_dma source(%dma_start3A_747 : memref<8x320x320xf32, #tpu.memory_space<vmem>>) target(%dma_start3A_742 : memref<8x320x320xf32, #tpu.memory_space<hbm>>) target_semaphore(%dma_start3A_737 : memref<!tpu.dma_semaphore, #tpu.memory_space<semaphore_mem>>)
    %dma_wait3A_748 = arith.constant 3 : i32
    %dma_wait3A_749 = arith.constant 1 : i32
    %dma_wait3A_750 = arith.constant 3 : i32
    %dma_wait3A_751 = tpu.memref_slice %arg4[%dma_wait3A_750] : memref<4x!tpu.dma_semaphore, #tpu.memory_space<semaphore_mem>> -> memref<1x!tpu.dma_semaphore, #tpu.memory_space<semaphore_mem>>
    %dma_wait3A_752 = tpu.memref_squeeze %dma_wait3A_751 : memref<1x!tpu.dma_semaphore, #tpu.memory_space<semaphore_mem>> -> memref<!tpu.dma_semaphore, #tpu.memory_space<semaphore_mem>>
    %dma_wait3A_753 = arith.constant 24 : i32
    %dma_wait3A_754 = arith.constant 0 : i32
    %dma_wait3A_755 = arith.constant 0 : i32
    %dma_wait3A_756 = tpu.memref_slice %arg1[%dma_wait3A_749, %dma_wait3A_753, %dma_wait3A_754, %dma_wait3A_755] : memref<3x64x320x320xf32, #tpu.memory_space<hbm>> -> memref<1x8x320x320xf32, #tpu.memory_space<hbm>>
    %dma_wait3A_757 = tpu.memref_squeeze %dma_wait3A_756 : memref<1x8x320x320xf32, #tpu.memory_space<hbm>> -> memref<8x320x320xf32, #tpu.memory_space<hbm>>
    %dma_wait3A_758 = arith.constant 0 : i32
    %dma_wait3A_759 = arith.constant 0 : i32
    %dma_wait3A_760 = arith.constant 0 : i32
    %dma_wait3A_761 = tpu.memref_slice %arg2[%dma_wait3A_748, %dma_wait3A_758, %dma_wait3A_759, %dma_wait3A_760] : memref<4x8x320x320xf32, #tpu.memory_space<vmem>> -> memref<1x8x320x320xf32, #tpu.memory_space<vmem>>
    %dma_wait3A_762 = tpu.memref_squeeze %dma_wait3A_761 : memref<1x8x320x320xf32, #tpu.memory_space<vmem>> -> memref<8x320x320xf32, #tpu.memory_space<vmem>>
    tpu.wait_dma2 semaphore(%dma_wait3A_752 : memref<!tpu.dma_semaphore, #tpu.memory_space<semaphore_mem>>) src(%dma_wait3A_762 : memref<8x320x320xf32, #tpu.memory_space<vmem>>) dst(%dma_wait3A_757 : memref<8x320x320xf32, #tpu.memory_space<hbm>>)
    %dma_start3A_763 = arith.constant 1 : i32
    %dma_start3A_764 = arith.constant 3 : i32
    %dma_start3A_765 = arith.constant 3 : i32
    %dma_start3A_766 = tpu.memref_slice %arg3[%dma_start3A_765] : memref<4x!tpu.dma_semaphore, #tpu.memory_space<semaphore_mem>> -> memref<1x!tpu.dma_semaphore, #tpu.memory_space<semaphore_mem>>
    %dma_start3A_767 = tpu.memref_squeeze %dma_start3A_766 : memref<1x!tpu.dma_semaphore, #tpu.memory_space<semaphore_mem>> -> memref<!tpu.dma_semaphore, #tpu.memory_space<semaphore_mem>>
    %dma_start3A_768 = arith.constant 0 : i32
    %dma_start3A_769 = arith.constant 0 : i32
    %dma_start3A_770 = arith.constant 0 : i32
    %dma_start3A_771 = tpu.memref_slice %arg2[%dma_start3A_764, %dma_start3A_768, %dma_start3A_769, %dma_start3A_770] : memref<4x8x320x320xf32, #tpu.memory_space<vmem>> -> memref<1x8x320x320xf32, #tpu.memory_space<vmem>>
    %dma_start3A_772 = tpu.memref_squeeze %dma_start3A_771 : memref<1x8x320x320xf32, #tpu.memory_space<vmem>> -> memref<8x320x320xf32, #tpu.memory_space<vmem>>
    %dma_start3A_773 = arith.constant 56 : i32
    %dma_start3A_774 = arith.constant 0 : i32
    %dma_start3A_775 = arith.constant 0 : i32
    %dma_start3A_776 = tpu.memref_slice %arg0[%dma_start3A_763, %dma_start3A_773, %dma_start3A_774, %dma_start3A_775] : memref<3x64x320x320xf32, #tpu.memory_space<hbm>> -> memref<1x8x320x320xf32, #tpu.memory_space<hbm>>
    %dma_start3A_777 = tpu.memref_squeeze %dma_start3A_776 : memref<1x8x320x320xf32, #tpu.memory_space<hbm>> -> memref<8x320x320xf32, #tpu.memory_space<hbm>>
    tpu.enqueue_dma source(%dma_start3A_777 : memref<8x320x320xf32, #tpu.memory_space<hbm>>) target(%dma_start3A_772 : memref<8x320x320xf32, #tpu.memory_space<vmem>>) target_semaphore(%dma_start3A_767 : memref<!tpu.dma_semaphore, #tpu.memory_space<semaphore_mem>>)
    %dma_wait3A_778 = arith.constant 1 : i32
    %dma_wait3A_779 = arith.constant 0 : i32
    %dma_wait3A_780 = arith.constant 0 : i32
    %dma_wait3A_781 = tpu.memref_slice %arg3[%dma_wait3A_780] : memref<4x!tpu.dma_semaphore, #tpu.memory_space<semaphore_mem>> -> memref<1x!tpu.dma_semaphore, #tpu.memory_space<semaphore_mem>>
    %dma_wait3A_782 = tpu.memref_squeeze %dma_wait3A_781 : memref<1x!tpu.dma_semaphore, #tpu.memory_space<semaphore_mem>> -> memref<!tpu.dma_semaphore, #tpu.memory_space<semaphore_mem>>
    %dma_wait3A_783 = arith.constant 0 : i32
    %dma_wait3A_784 = arith.constant 0 : i32
    %dma_wait3A_785 = arith.constant 0 : i32
    %dma_wait3A_786 = tpu.memref_slice %arg2[%dma_wait3A_779, %dma_wait3A_783, %dma_wait3A_784, %dma_wait3A_785] : memref<4x8x320x320xf32, #tpu.memory_space<vmem>> -> memref<1x8x320x320xf32, #tpu.memory_space<vmem>>
    %dma_wait3A_787 = tpu.memref_squeeze %dma_wait3A_786 : memref<1x8x320x320xf32, #tpu.memory_space<vmem>> -> memref<8x320x320xf32, #tpu.memory_space<vmem>>
    %dma_wait3A_788 = arith.constant 32 : i32
    %dma_wait3A_789 = arith.constant 0 : i32
    %dma_wait3A_790 = arith.constant 0 : i32
    %dma_wait3A_791 = tpu.memref_slice %arg0[%dma_wait3A_778, %dma_wait3A_788, %dma_wait3A_789, %dma_wait3A_790] : memref<3x64x320x320xf32, #tpu.memory_space<hbm>> -> memref<1x8x320x320xf32, #tpu.memory_space<hbm>>
    %dma_wait3A_792 = tpu.memref_squeeze %dma_wait3A_791 : memref<1x8x320x320xf32, #tpu.memory_space<hbm>> -> memref<8x320x320xf32, #tpu.memory_space<hbm>>
    tpu.wait_dma2 semaphore(%dma_wait3A_782 : memref<!tpu.dma_semaphore, #tpu.memory_space<semaphore_mem>>) src(%dma_wait3A_792 : memref<8x320x320xf32, #tpu.memory_space<hbm>>) dst(%dma_wait3A_787 : memref<8x320x320xf32, #tpu.memory_space<vmem>>)
    %dma_start3A_793 = arith.constant 0 : i32
    %dma_start3A_794 = arith.constant 1 : i32
    %dma_start3A_795 = arith.constant 0 : i32
    %dma_start3A_796 = tpu.memref_slice %arg4[%dma_start3A_795] : memref<4x!tpu.dma_semaphore, #tpu.memory_space<semaphore_mem>> -> memref<1x!tpu.dma_semaphore, #tpu.memory_space<semaphore_mem>>
    %dma_start3A_797 = tpu.memref_squeeze %dma_start3A_796 : memref<1x!tpu.dma_semaphore, #tpu.memory_space<semaphore_mem>> -> memref<!tpu.dma_semaphore, #tpu.memory_space<semaphore_mem>>
    %dma_start3A_798 = arith.constant 32 : i32
    %dma_start3A_799 = arith.constant 0 : i32
    %dma_start3A_800 = arith.constant 0 : i32
    %dma_start3A_801 = tpu.memref_slice %arg1[%dma_start3A_794, %dma_start3A_798, %dma_start3A_799, %dma_start3A_800] : memref<3x64x320x320xf32, #tpu.memory_space<hbm>> -> memref<1x8x320x320xf32, #tpu.memory_space<hbm>>
    %dma_start3A_802 = tpu.memref_squeeze %dma_start3A_801 : memref<1x8x320x320xf32, #tpu.memory_space<hbm>> -> memref<8x320x320xf32, #tpu.memory_space<hbm>>
    %dma_start3A_803 = arith.constant 0 : i32
    %dma_start3A_804 = arith.constant 0 : i32
    %dma_start3A_805 = arith.constant 0 : i32
    %dma_start3A_806 = tpu.memref_slice %arg2[%dma_start3A_793, %dma_start3A_803, %dma_start3A_804, %dma_start3A_805] : memref<4x8x320x320xf32, #tpu.memory_space<vmem>> -> memref<1x8x320x320xf32, #tpu.memory_space<vmem>>
    %dma_start3A_807 = tpu.memref_squeeze %dma_start3A_806 : memref<1x8x320x320xf32, #tpu.memory_space<vmem>> -> memref<8x320x320xf32, #tpu.memory_space<vmem>>
    tpu.enqueue_dma source(%dma_start3A_807 : memref<8x320x320xf32, #tpu.memory_space<vmem>>) target(%dma_start3A_802 : memref<8x320x320xf32, #tpu.memory_space<hbm>>) target_semaphore(%dma_start3A_797 : memref<!tpu.dma_semaphore, #tpu.memory_space<semaphore_mem>>)
    %dma_wait3A_808 = arith.constant 0 : i32
    %dma_wait3A_809 = arith.constant 1 : i32
    %dma_wait3A_810 = arith.constant 0 : i32
    %dma_wait3A_811 = tpu.memref_slice %arg4[%dma_wait3A_810] : memref<4x!tpu.dma_semaphore, #tpu.memory_space<semaphore_mem>> -> memref<1x!tpu.dma_semaphore, #tpu.memory_space<semaphore_mem>>
    %dma_wait3A_812 = tpu.memref_squeeze %dma_wait3A_811 : memref<1x!tpu.dma_semaphore, #tpu.memory_space<semaphore_mem>> -> memref<!tpu.dma_semaphore, #tpu.memory_space<semaphore_mem>>
    %dma_wait3A_813 = arith.constant 32 : i32
    %dma_wait3A_814 = arith.constant 0 : i32
    %dma_wait3A_815 = arith.constant 0 : i32
    %dma_wait3A_816 = tpu.memref_slice %arg1[%dma_wait3A_809, %dma_wait3A_813, %dma_wait3A_814, %dma_wait3A_815] : memref<3x64x320x320xf32, #tpu.memory_space<hbm>> -> memref<1x8x320x320xf32, #tpu.memory_space<hbm>>
    %dma_wait3A_817 = tpu.memref_squeeze %dma_wait3A_816 : memref<1x8x320x320xf32, #tpu.memory_space<hbm>> -> memref<8x320x320xf32, #tpu.memory_space<hbm>>
    %dma_wait3A_818 = arith.constant 0 : i32
    %dma_wait3A_819 = arith.constant 0 : i32
    %dma_wait3A_820 = arith.constant 0 : i32
    %dma_wait3A_821 = tpu.memref_slice %arg2[%dma_wait3A_808, %dma_wait3A_818, %dma_wait3A_819, %dma_wait3A_820] : memref<4x8x320x320xf32, #tpu.memory_space<vmem>> -> memref<1x8x320x320xf32, #tpu.memory_space<vmem>>
    %dma_wait3A_822 = tpu.memref_squeeze %dma_wait3A_821 : memref<1x8x320x320xf32, #tpu.memory_space<vmem>> -> memref<8x320x320xf32, #tpu.memory_space<vmem>>
    tpu.wait_dma2 semaphore(%dma_wait3A_812 : memref<!tpu.dma_semaphore, #tpu.memory_space<semaphore_mem>>) src(%dma_wait3A_822 : memref<8x320x320xf32, #tpu.memory_space<vmem>>) dst(%dma_wait3A_817 : memref<8x320x320xf32, #tpu.memory_space<hbm>>)
    %dma_start3A_823 = arith.constant 2 : i32
    %dma_start3A_824 = arith.constant 0 : i32
    %dma_start3A_825 = arith.constant 0 : i32
    %dma_start3A_826 = tpu.memref_slice %arg3[%dma_start3A_825] : memref<4x!tpu.dma_semaphore, #tpu.memory_space<semaphore_mem>> -> memref<1x!tpu.dma_semaphore, #tpu.memory_space<semaphore_mem>>
    %dma_start3A_827 = tpu.memref_squeeze %dma_start3A_826 : memref<1x!tpu.dma_semaphore, #tpu.memory_space<semaphore_mem>> -> memref<!tpu.dma_semaphore, #tpu.memory_space<semaphore_mem>>
    %dma_start3A_828 = arith.constant 0 : i32
    %dma_start3A_829 = arith.constant 0 : i32
    %dma_start3A_830 = arith.constant 0 : i32
    %dma_start3A_831 = tpu.memref_slice %arg2[%dma_start3A_824, %dma_start3A_828, %dma_start3A_829, %dma_start3A_830] : memref<4x8x320x320xf32, #tpu.memory_space<vmem>> -> memref<1x8x320x320xf32, #tpu.memory_space<vmem>>
    %dma_start3A_832 = tpu.memref_squeeze %dma_start3A_831 : memref<1x8x320x320xf32, #tpu.memory_space<vmem>> -> memref<8x320x320xf32, #tpu.memory_space<vmem>>
    %dma_start3A_833 = arith.constant 0 : i32
    %dma_start3A_834 = arith.constant 0 : i32
    %dma_start3A_835 = arith.constant 0 : i32
    %dma_start3A_836 = tpu.memref_slice %arg0[%dma_start3A_823, %dma_start3A_833, %dma_start3A_834, %dma_start3A_835] : memref<3x64x320x320xf32, #tpu.memory_space<hbm>> -> memref<1x8x320x320xf32, #tpu.memory_space<hbm>>
    %dma_start3A_837 = tpu.memref_squeeze %dma_start3A_836 : memref<1x8x320x320xf32, #tpu.memory_space<hbm>> -> memref<8x320x320xf32, #tpu.memory_space<hbm>>
    tpu.enqueue_dma source(%dma_start3A_837 : memref<8x320x320xf32, #tpu.memory_space<hbm>>) target(%dma_start3A_832 : memref<8x320x320xf32, #tpu.memory_space<vmem>>) target_semaphore(%dma_start3A_827 : memref<!tpu.dma_semaphore, #tpu.memory_space<semaphore_mem>>)
    %dma_wait3A_838 = arith.constant 1 : i32
    %dma_wait3A_839 = arith.constant 1 : i32
    %dma_wait3A_840 = arith.constant 1 : i32
    %dma_wait3A_841 = tpu.memref_slice %arg3[%dma_wait3A_840] : memref<4x!tpu.dma_semaphore, #tpu.memory_space<semaphore_mem>> -> memref<1x!tpu.dma_semaphore, #tpu.memory_space<semaphore_mem>>
    %dma_wait3A_842 = tpu.memref_squeeze %dma_wait3A_841 : memref<1x!tpu.dma_semaphore, #tpu.memory_space<semaphore_mem>> -> memref<!tpu.dma_semaphore, #tpu.memory_space<semaphore_mem>>
    %dma_wait3A_843 = arith.constant 0 : i32
    %dma_wait3A_844 = arith.constant 0 : i32
    %dma_wait3A_845 = arith.constant 0 : i32
    %dma_wait3A_846 = tpu.memref_slice %arg2[%dma_wait3A_839, %dma_wait3A_843, %dma_wait3A_844, %dma_wait3A_845] : memref<4x8x320x320xf32, #tpu.memory_space<vmem>> -> memref<1x8x320x320xf32, #tpu.memory_space<vmem>>
    %dma_wait3A_847 = tpu.memref_squeeze %dma_wait3A_846 : memref<1x8x320x320xf32, #tpu.memory_space<vmem>> -> memref<8x320x320xf32, #tpu.memory_space<vmem>>
    %dma_wait3A_848 = arith.constant 40 : i32
    %dma_wait3A_849 = arith.constant 0 : i32
    %dma_wait3A_850 = arith.constant 0 : i32
    %dma_wait3A_851 = tpu.memref_slice %arg0[%dma_wait3A_838, %dma_wait3A_848, %dma_wait3A_849, %dma_wait3A_850] : memref<3x64x320x320xf32, #tpu.memory_space<hbm>> -> memref<1x8x320x320xf32, #tpu.memory_space<hbm>>
    %dma_wait3A_852 = tpu.memref_squeeze %dma_wait3A_851 : memref<1x8x320x320xf32, #tpu.memory_space<hbm>> -> memref<8x320x320xf32, #tpu.memory_space<hbm>>
    tpu.wait_dma2 semaphore(%dma_wait3A_842 : memref<!tpu.dma_semaphore, #tpu.memory_space<semaphore_mem>>) src(%dma_wait3A_852 : memref<8x320x320xf32, #tpu.memory_space<hbm>>) dst(%dma_wait3A_847 : memref<8x320x320xf32, #tpu.memory_space<vmem>>)
    %dma_start3A_853 = arith.constant 1 : i32
    %dma_start3A_854 = arith.constant 1 : i32
    %dma_start3A_855 = arith.constant 1 : i32
    %dma_start3A_856 = tpu.memref_slice %arg4[%dma_start3A_855] : memref<4x!tpu.dma_semaphore, #tpu.memory_space<semaphore_mem>> -> memref<1x!tpu.dma_semaphore, #tpu.memory_space<semaphore_mem>>
    %dma_start3A_857 = tpu.memref_squeeze %dma_start3A_856 : memref<1x!tpu.dma_semaphore, #tpu.memory_space<semaphore_mem>> -> memref<!tpu.dma_semaphore, #tpu.memory_space<semaphore_mem>>
    %dma_start3A_858 = arith.constant 40 : i32
    %dma_start3A_859 = arith.constant 0 : i32
    %dma_start3A_860 = arith.constant 0 : i32
    %dma_start3A_861 = tpu.memref_slice %arg1[%dma_start3A_854, %dma_start3A_858, %dma_start3A_859, %dma_start3A_860] : memref<3x64x320x320xf32, #tpu.memory_space<hbm>> -> memref<1x8x320x320xf32, #tpu.memory_space<hbm>>
    %dma_start3A_862 = tpu.memref_squeeze %dma_start3A_861 : memref<1x8x320x320xf32, #tpu.memory_space<hbm>> -> memref<8x320x320xf32, #tpu.memory_space<hbm>>
    %dma_start3A_863 = arith.constant 0 : i32
    %dma_start3A_864 = arith.constant 0 : i32
    %dma_start3A_865 = arith.constant 0 : i32
    %dma_start3A_866 = tpu.memref_slice %arg2[%dma_start3A_853, %dma_start3A_863, %dma_start3A_864, %dma_start3A_865] : memref<4x8x320x320xf32, #tpu.memory_space<vmem>> -> memref<1x8x320x320xf32, #tpu.memory_space<vmem>>
    %dma_start3A_867 = tpu.memref_squeeze %dma_start3A_866 : memref<1x8x320x320xf32, #tpu.memory_space<vmem>> -> memref<8x320x320xf32, #tpu.memory_space<vmem>>
    tpu.enqueue_dma source(%dma_start3A_867 : memref<8x320x320xf32, #tpu.memory_space<vmem>>) target(%dma_start3A_862 : memref<8x320x320xf32, #tpu.memory_space<hbm>>) target_semaphore(%dma_start3A_857 : memref<!tpu.dma_semaphore, #tpu.memory_space<semaphore_mem>>)
    %dma_wait3A_868 = arith.constant 1 : i32
    %dma_wait3A_869 = arith.constant 1 : i32
    %dma_wait3A_870 = arith.constant 1 : i32
    %dma_wait3A_871 = tpu.memref_slice %arg4[%dma_wait3A_870] : memref<4x!tpu.dma_semaphore, #tpu.memory_space<semaphore_mem>> -> memref<1x!tpu.dma_semaphore, #tpu.memory_space<semaphore_mem>>
    %dma_wait3A_872 = tpu.memref_squeeze %dma_wait3A_871 : memref<1x!tpu.dma_semaphore, #tpu.memory_space<semaphore_mem>> -> memref<!tpu.dma_semaphore, #tpu.memory_space<semaphore_mem>>
    %dma_wait3A_873 = arith.constant 40 : i32
    %dma_wait3A_874 = arith.constant 0 : i32
    %dma_wait3A_875 = arith.constant 0 : i32
    %dma_wait3A_876 = tpu.memref_slice %arg1[%dma_wait3A_869, %dma_wait3A_873, %dma_wait3A_874, %dma_wait3A_875] : memref<3x64x320x320xf32, #tpu.memory_space<hbm>> -> memref<1x8x320x320xf32, #tpu.memory_space<hbm>>
    %dma_wait3A_877 = tpu.memref_squeeze %dma_wait3A_876 : memref<1x8x320x320xf32, #tpu.memory_space<hbm>> -> memref<8x320x320xf32, #tpu.memory_space<hbm>>
    %dma_wait3A_878 = arith.constant 0 : i32
    %dma_wait3A_879 = arith.constant 0 : i32
    %dma_wait3A_880 = arith.constant 0 : i32
    %dma_wait3A_881 = tpu.memref_slice %arg2[%dma_wait3A_868, %dma_wait3A_878, %dma_wait3A_879, %dma_wait3A_880] : memref<4x8x320x320xf32, #tpu.memory_space<vmem>> -> memref<1x8x320x320xf32, #tpu.memory_space<vmem>>
    %dma_wait3A_882 = tpu.memref_squeeze %dma_wait3A_881 : memref<1x8x320x320xf32, #tpu.memory_space<vmem>> -> memref<8x320x320xf32, #tpu.memory_space<vmem>>
    tpu.wait_dma2 semaphore(%dma_wait3A_872 : memref<!tpu.dma_semaphore, #tpu.memory_space<semaphore_mem>>) src(%dma_wait3A_882 : memref<8x320x320xf32, #tpu.memory_space<vmem>>) dst(%dma_wait3A_877 : memref<8x320x320xf32, #tpu.memory_space<hbm>>)
    %dma_start3A_883 = arith.constant 2 : i32
    %dma_start3A_884 = arith.constant 1 : i32
    %dma_start3A_885 = arith.constant 1 : i32
    %dma_start3A_886 = tpu.memref_slice %arg3[%dma_start3A_885] : memref<4x!tpu.dma_semaphore, #tpu.memory_space<semaphore_mem>> -> memref<1x!tpu.dma_semaphore, #tpu.memory_space<semaphore_mem>>
    %dma_start3A_887 = tpu.memref_squeeze %dma_start3A_886 : memref<1x!tpu.dma_semaphore, #tpu.memory_space<semaphore_mem>> -> memref<!tpu.dma_semaphore, #tpu.memory_space<semaphore_mem>>
    %dma_start3A_888 = arith.constant 0 : i32
    %dma_start3A_889 = arith.constant 0 : i32
    %dma_start3A_890 = arith.constant 0 : i32
    %dma_start3A_891 = tpu.memref_slice %arg2[%dma_start3A_884, %dma_start3A_888, %dma_start3A_889, %dma_start3A_890] : memref<4x8x320x320xf32, #tpu.memory_space<vmem>> -> memref<1x8x320x320xf32, #tpu.memory_space<vmem>>
    %dma_start3A_892 = tpu.memref_squeeze %dma_start3A_891 : memref<1x8x320x320xf32, #tpu.memory_space<vmem>> -> memref<8x320x320xf32, #tpu.memory_space<vmem>>
    %dma_start3A_893 = arith.constant 8 : i32
    %dma_start3A_894 = arith.constant 0 : i32
    %dma_start3A_895 = arith.constant 0 : i32
    %dma_start3A_896 = tpu.memref_slice %arg0[%dma_start3A_883, %dma_start3A_893, %dma_start3A_894, %dma_start3A_895] : memref<3x64x320x320xf32, #tpu.memory_space<hbm>> -> memref<1x8x320x320xf32, #tpu.memory_space<hbm>>
    %dma_start3A_897 = tpu.memref_squeeze %dma_start3A_896 : memref<1x8x320x320xf32, #tpu.memory_space<hbm>> -> memref<8x320x320xf32, #tpu.memory_space<hbm>>
    tpu.enqueue_dma source(%dma_start3A_897 : memref<8x320x320xf32, #tpu.memory_space<hbm>>) target(%dma_start3A_892 : memref<8x320x320xf32, #tpu.memory_space<vmem>>) target_semaphore(%dma_start3A_887 : memref<!tpu.dma_semaphore, #tpu.memory_space<semaphore_mem>>)
    %dma_wait3A_898 = arith.constant 1 : i32
    %dma_wait3A_899 = arith.constant 2 : i32
    %dma_wait3A_900 = arith.constant 2 : i32
    %dma_wait3A_901 = tpu.memref_slice %arg3[%dma_wait3A_900] : memref<4x!tpu.dma_semaphore, #tpu.memory_space<semaphore_mem>> -> memref<1x!tpu.dma_semaphore, #tpu.memory_space<semaphore_mem>>
    %dma_wait3A_902 = tpu.memref_squeeze %dma_wait3A_901 : memref<1x!tpu.dma_semaphore, #tpu.memory_space<semaphore_mem>> -> memref<!tpu.dma_semaphore, #tpu.memory_space<semaphore_mem>>
    %dma_wait3A_903 = arith.constant 0 : i32
    %dma_wait3A_904 = arith.constant 0 : i32
    %dma_wait3A_905 = arith.constant 0 : i32
    %dma_wait3A_906 = tpu.memref_slice %arg2[%dma_wait3A_899, %dma_wait3A_903, %dma_wait3A_904, %dma_wait3A_905] : memref<4x8x320x320xf32, #tpu.memory_space<vmem>> -> memref<1x8x320x320xf32, #tpu.memory_space<vmem>>
    %dma_wait3A_907 = tpu.memref_squeeze %dma_wait3A_906 : memref<1x8x320x320xf32, #tpu.memory_space<vmem>> -> memref<8x320x320xf32, #tpu.memory_space<vmem>>
    %dma_wait3A_908 = arith.constant 48 : i32
    %dma_wait3A_909 = arith.constant 0 : i32
    %dma_wait3A_910 = arith.constant 0 : i32
    %dma_wait3A_911 = tpu.memref_slice %arg0[%dma_wait3A_898, %dma_wait3A_908, %dma_wait3A_909, %dma_wait3A_910] : memref<3x64x320x320xf32, #tpu.memory_space<hbm>> -> memref<1x8x320x320xf32, #tpu.memory_space<hbm>>
    %dma_wait3A_912 = tpu.memref_squeeze %dma_wait3A_911 : memref<1x8x320x320xf32, #tpu.memory_space<hbm>> -> memref<8x320x320xf32, #tpu.memory_space<hbm>>
    tpu.wait_dma2 semaphore(%dma_wait3A_902 : memref<!tpu.dma_semaphore, #tpu.memory_space<semaphore_mem>>) src(%dma_wait3A_912 : memref<8x320x320xf32, #tpu.memory_space<hbm>>) dst(%dma_wait3A_907 : memref<8x320x320xf32, #tpu.memory_space<vmem>>)
    %dma_start3A_913 = arith.constant 2 : i32
    %dma_start3A_914 = arith.constant 1 : i32
    %dma_start3A_915 = arith.constant 2 : i32
    %dma_start3A_916 = tpu.memref_slice %arg4[%dma_start3A_915] : memref<4x!tpu.dma_semaphore, #tpu.memory_space<semaphore_mem>> -> memref<1x!tpu.dma_semaphore, #tpu.memory_space<semaphore_mem>>
    %dma_start3A_917 = tpu.memref_squeeze %dma_start3A_916 : memref<1x!tpu.dma_semaphore, #tpu.memory_space<semaphore_mem>> -> memref<!tpu.dma_semaphore, #tpu.memory_space<semaphore_mem>>
    %dma_start3A_918 = arith.constant 48 : i32
    %dma_start3A_919 = arith.constant 0 : i32
    %dma_start3A_920 = arith.constant 0 : i32
    %dma_start3A_921 = tpu.memref_slice %arg1[%dma_start3A_914, %dma_start3A_918, %dma_start3A_919, %dma_start3A_920] : memref<3x64x320x320xf32, #tpu.memory_space<hbm>> -> memref<1x8x320x320xf32, #tpu.memory_space<hbm>>
    %dma_start3A_922 = tpu.memref_squeeze %dma_start3A_921 : memref<1x8x320x320xf32, #tpu.memory_space<hbm>> -> memref<8x320x320xf32, #tpu.memory_space<hbm>>
    %dma_start3A_923 = arith.constant 0 : i32
    %dma_start3A_924 = arith.constant 0 : i32
    %dma_start3A_925 = arith.constant 0 : i32
    %dma_start3A_926 = tpu.memref_slice %arg2[%dma_start3A_913, %dma_start3A_923, %dma_start3A_924, %dma_start3A_925] : memref<4x8x320x320xf32, #tpu.memory_space<vmem>> -> memref<1x8x320x320xf32, #tpu.memory_space<vmem>>
    %dma_start3A_927 = tpu.memref_squeeze %dma_start3A_926 : memref<1x8x320x320xf32, #tpu.memory_space<vmem>> -> memref<8x320x320xf32, #tpu.memory_space<vmem>>
    tpu.enqueue_dma source(%dma_start3A_927 : memref<8x320x320xf32, #tpu.memory_space<vmem>>) target(%dma_start3A_922 : memref<8x320x320xf32, #tpu.memory_space<hbm>>) target_semaphore(%dma_start3A_917 : memref<!tpu.dma_semaphore, #tpu.memory_space<semaphore_mem>>)
    %dma_wait3A_928 = arith.constant 2 : i32
    %dma_wait3A_929 = arith.constant 1 : i32
    %dma_wait3A_930 = arith.constant 2 : i32
    %dma_wait3A_931 = tpu.memref_slice %arg4[%dma_wait3A_930] : memref<4x!tpu.dma_semaphore, #tpu.memory_space<semaphore_mem>> -> memref<1x!tpu.dma_semaphore, #tpu.memory_space<semaphore_mem>>
    %dma_wait3A_932 = tpu.memref_squeeze %dma_wait3A_931 : memref<1x!tpu.dma_semaphore, #tpu.memory_space<semaphore_mem>> -> memref<!tpu.dma_semaphore, #tpu.memory_space<semaphore_mem>>
    %dma_wait3A_933 = arith.constant 48 : i32
    %dma_wait3A_934 = arith.constant 0 : i32
    %dma_wait3A_935 = arith.constant 0 : i32
    %dma_wait3A_936 = tpu.memref_slice %arg1[%dma_wait3A_929, %dma_wait3A_933, %dma_wait3A_934, %dma_wait3A_935] : memref<3x64x320x320xf32, #tpu.memory_space<hbm>> -> memref<1x8x320x320xf32, #tpu.memory_space<hbm>>
    %dma_wait3A_937 = tpu.memref_squeeze %dma_wait3A_936 : memref<1x8x320x320xf32, #tpu.memory_space<hbm>> -> memref<8x320x320xf32, #tpu.memory_space<hbm>>
    %dma_wait3A_938 = arith.constant 0 : i32
    %dma_wait3A_939 = arith.constant 0 : i32
    %dma_wait3A_940 = arith.constant 0 : i32
    %dma_wait3A_941 = tpu.memref_slice %arg2[%dma_wait3A_928, %dma_wait3A_938, %dma_wait3A_939, %dma_wait3A_940] : memref<4x8x320x320xf32, #tpu.memory_space<vmem>> -> memref<1x8x320x320xf32, #tpu.memory_space<vmem>>
    %dma_wait3A_942 = tpu.memref_squeeze %dma_wait3A_941 : memref<1x8x320x320xf32, #tpu.memory_space<vmem>> -> memref<8x320x320xf32, #tpu.memory_space<vmem>>
    tpu.wait_dma2 semaphore(%dma_wait3A_932 : memref<!tpu.dma_semaphore, #tpu.memory_space<semaphore_mem>>) src(%dma_wait3A_942 : memref<8x320x320xf32, #tpu.memory_space<vmem>>) dst(%dma_wait3A_937 : memref<8x320x320xf32, #tpu.memory_space<hbm>>)
    %dma_start3A_943 = arith.constant 2 : i32
    %dma_start3A_944 = arith.constant 2 : i32
    %dma_start3A_945 = arith.constant 2 : i32
    %dma_start3A_946 = tpu.memref_slice %arg3[%dma_start3A_945] : memref<4x!tpu.dma_semaphore, #tpu.memory_space<semaphore_mem>> -> memref<1x!tpu.dma_semaphore, #tpu.memory_space<semaphore_mem>>
    %dma_start3A_947 = tpu.memref_squeeze %dma_start3A_946 : memref<1x!tpu.dma_semaphore, #tpu.memory_space<semaphore_mem>> -> memref<!tpu.dma_semaphore, #tpu.memory_space<semaphore_mem>>
    %dma_start3A_948 = arith.constant 0 : i32
    %dma_start3A_949 = arith.constant 0 : i32
    %dma_start3A_950 = arith.constant 0 : i32
    %dma_start3A_951 = tpu.memref_slice %arg2[%dma_start3A_944, %dma_start3A_948, %dma_start3A_949, %dma_start3A_950] : memref<4x8x320x320xf32, #tpu.memory_space<vmem>> -> memref<1x8x320x320xf32, #tpu.memory_space<vmem>>
    %dma_start3A_952 = tpu.memref_squeeze %dma_start3A_951 : memref<1x8x320x320xf32, #tpu.memory_space<vmem>> -> memref<8x320x320xf32, #tpu.memory_space<vmem>>
    %dma_start3A_953 = arith.constant 16 : i32
    %dma_start3A_954 = arith.constant 0 : i32
    %dma_start3A_955 = arith.constant 0 : i32
    %dma_start3A_956 = tpu.memref_slice %arg0[%dma_start3A_943, %dma_start3A_953, %dma_start3A_954, %dma_start3A_955] : memref<3x64x320x320xf32, #tpu.memory_space<hbm>> -> memref<1x8x320x320xf32, #tpu.memory_space<hbm>>
    %dma_start3A_957 = tpu.memref_squeeze %dma_start3A_956 : memref<1x8x320x320xf32, #tpu.memory_space<hbm>> -> memref<8x320x320xf32, #tpu.memory_space<hbm>>
    tpu.enqueue_dma source(%dma_start3A_957 : memref<8x320x320xf32, #tpu.memory_space<hbm>>) target(%dma_start3A_952 : memref<8x320x320xf32, #tpu.memory_space<vmem>>) target_semaphore(%dma_start3A_947 : memref<!tpu.dma_semaphore, #tpu.memory_space<semaphore_mem>>)
    %dma_wait3A_958 = arith.constant 1 : i32
    %dma_wait3A_959 = arith.constant 3 : i32
    %dma_wait3A_960 = arith.constant 3 : i32
    %dma_wait3A_961 = tpu.memref_slice %arg3[%dma_wait3A_960] : memref<4x!tpu.dma_semaphore, #tpu.memory_space<semaphore_mem>> -> memref<1x!tpu.dma_semaphore, #tpu.memory_space<semaphore_mem>>
    %dma_wait3A_962 = tpu.memref_squeeze %dma_wait3A_961 : memref<1x!tpu.dma_semaphore, #tpu.memory_space<semaphore_mem>> -> memref<!tpu.dma_semaphore, #tpu.memory_space<semaphore_mem>>
    %dma_wait3A_963 = arith.constant 0 : i32
    %dma_wait3A_964 = arith.constant 0 : i32
    %dma_wait3A_965 = arith.constant 0 : i32
    %dma_wait3A_966 = tpu.memref_slice %arg2[%dma_wait3A_959, %dma_wait3A_963, %dma_wait3A_964, %dma_wait3A_965] : memref<4x8x320x320xf32, #tpu.memory_space<vmem>> -> memref<1x8x320x320xf32, #tpu.memory_space<vmem>>
    %dma_wait3A_967 = tpu.memref_squeeze %dma_wait3A_966 : memref<1x8x320x320xf32, #tpu.memory_space<vmem>> -> memref<8x320x320xf32, #tpu.memory_space<vmem>>
    %dma_wait3A_968 = arith.constant 56 : i32
    %dma_wait3A_969 = arith.constant 0 : i32
    %dma_wait3A_970 = arith.constant 0 : i32
    %dma_wait3A_971 = tpu.memref_slice %arg0[%dma_wait3A_958, %dma_wait3A_968, %dma_wait3A_969, %dma_wait3A_970] : memref<3x64x320x320xf32, #tpu.memory_space<hbm>> -> memref<1x8x320x320xf32, #tpu.memory_space<hbm>>
    %dma_wait3A_972 = tpu.memref_squeeze %dma_wait3A_971 : memref<1x8x320x320xf32, #tpu.memory_space<hbm>> -> memref<8x320x320xf32, #tpu.memory_space<hbm>>
    tpu.wait_dma2 semaphore(%dma_wait3A_962 : memref<!tpu.dma_semaphore, #tpu.memory_space<semaphore_mem>>) src(%dma_wait3A_972 : memref<8x320x320xf32, #tpu.memory_space<hbm>>) dst(%dma_wait3A_967 : memref<8x320x320xf32, #tpu.memory_space<vmem>>)
    %dma_start3A_973 = arith.constant 3 : i32
    %dma_start3A_974 = arith.constant 1 : i32
    %dma_start3A_975 = arith.constant 3 : i32
    %dma_start3A_976 = tpu.memref_slice %arg4[%dma_start3A_975] : memref<4x!tpu.dma_semaphore, #tpu.memory_space<semaphore_mem>> -> memref<1x!tpu.dma_semaphore, #tpu.memory_space<semaphore_mem>>
    %dma_start3A_977 = tpu.memref_squeeze %dma_start3A_976 : memref<1x!tpu.dma_semaphore, #tpu.memory_space<semaphore_mem>> -> memref<!tpu.dma_semaphore, #tpu.memory_space<semaphore_mem>>
    %dma_start3A_978 = arith.constant 56 : i32
    %dma_start3A_979 = arith.constant 0 : i32
    %dma_start3A_980 = arith.constant 0 : i32
    %dma_start3A_981 = tpu.memref_slice %arg1[%dma_start3A_974, %dma_start3A_978, %dma_start3A_979, %dma_start3A_980] : memref<3x64x320x320xf32, #tpu.memory_space<hbm>> -> memref<1x8x320x320xf32, #tpu.memory_space<hbm>>
    %dma_start3A_982 = tpu.memref_squeeze %dma_start3A_981 : memref<1x8x320x320xf32, #tpu.memory_space<hbm>> -> memref<8x320x320xf32, #tpu.memory_space<hbm>>
    %dma_start3A_983 = arith.constant 0 : i32
    %dma_start3A_984 = arith.constant 0 : i32
    %dma_start3A_985 = arith.constant 0 : i32
    %dma_start3A_986 = tpu.memref_slice %arg2[%dma_start3A_973, %dma_start3A_983, %dma_start3A_984, %dma_start3A_985] : memref<4x8x320x320xf32, #tpu.memory_space<vmem>> -> memref<1x8x320x320xf32, #tpu.memory_space<vmem>>
    %dma_start3A_987 = tpu.memref_squeeze %dma_start3A_986 : memref<1x8x320x320xf32, #tpu.memory_space<vmem>> -> memref<8x320x320xf32, #tpu.memory_space<vmem>>
    tpu.enqueue_dma source(%dma_start3A_987 : memref<8x320x320xf32, #tpu.memory_space<vmem>>) target(%dma_start3A_982 : memref<8x320x320xf32, #tpu.memory_space<hbm>>) target_semaphore(%dma_start3A_977 : memref<!tpu.dma_semaphore, #tpu.memory_space<semaphore_mem>>)
    %dma_wait3A_988 = arith.constant 3 : i32
    %dma_wait3A_989 = arith.constant 1 : i32
    %dma_wait3A_990 = arith.constant 3 : i32
    %dma_wait3A_991 = tpu.memref_slice %arg4[%dma_wait3A_990] : memref<4x!tpu.dma_semaphore, #tpu.memory_space<semaphore_mem>> -> memref<1x!tpu.dma_semaphore, #tpu.memory_space<semaphore_mem>>
    %dma_wait3A_992 = tpu.memref_squeeze %dma_wait3A_991 : memref<1x!tpu.dma_semaphore, #tpu.memory_space<semaphore_mem>> -> memref<!tpu.dma_semaphore, #tpu.memory_space<semaphore_mem>>
    %dma_wait3A_993 = arith.constant 56 : i32
    %dma_wait3A_994 = arith.constant 0 : i32
    %dma_wait3A_995 = arith.constant 0 : i32
    %dma_wait3A_996 = tpu.memref_slice %arg1[%dma_wait3A_989, %dma_wait3A_993, %dma_wait3A_994, %dma_wait3A_995] : memref<3x64x320x320xf32, #tpu.memory_space<hbm>> -> memref<1x8x320x320xf32, #tpu.memory_space<hbm>>
    %dma_wait3A_997 = tpu.memref_squeeze %dma_wait3A_996 : memref<1x8x320x320xf32, #tpu.memory_space<hbm>> -> memref<8x320x320xf32, #tpu.memory_space<hbm>>
    %dma_wait3A_998 = arith.constant 0 : i32
    %dma_wait3A_999 = arith.constant 0 : i32
    %dma_wait3A_1000 = arith.constant 0 : i32
    %dma_wait3A_1001 = tpu.memref_slice %arg2[%dma_wait3A_988, %dma_wait3A_998, %dma_wait3A_999, %dma_wait3A_1000] : memref<4x8x320x320xf32, #tpu.memory_space<vmem>> -> memref<1x8x320x320xf32, #tpu.memory_space<vmem>>
    %dma_wait3A_1002 = tpu.memref_squeeze %dma_wait3A_1001 : memref<1x8x320x320xf32, #tpu.memory_space<vmem>> -> memref<8x320x320xf32, #tpu.memory_space<vmem>>
    tpu.wait_dma2 semaphore(%dma_wait3A_992 : memref<!tpu.dma_semaphore, #tpu.memory_space<semaphore_mem>>) src(%dma_wait3A_1002 : memref<8x320x320xf32, #tpu.memory_space<vmem>>) dst(%dma_wait3A_997 : memref<8x320x320xf32, #tpu.memory_space<hbm>>)
    %dma_start3A_1003 = arith.constant 2 : i32
    %dma_start3A_1004 = arith.constant 3 : i32
    %dma_start3A_1005 = arith.constant 3 : i32
    %dma_start3A_1006 = tpu.memref_slice %arg3[%dma_start3A_1005] : memref<4x!tpu.dma_semaphore, #tpu.memory_space<semaphore_mem>> -> memref<1x!tpu.dma_semaphore, #tpu.memory_space<semaphore_mem>>
    %dma_start3A_1007 = tpu.memref_squeeze %dma_start3A_1006 : memref<1x!tpu.dma_semaphore, #tpu.memory_space<semaphore_mem>> -> memref<!tpu.dma_semaphore, #tpu.memory_space<semaphore_mem>>
    %dma_start3A_1008 = arith.constant 0 : i32
    %dma_start3A_1009 = arith.constant 0 : i32
    %dma_start3A_1010 = arith.constant 0 : i32
    %dma_start3A_1011 = tpu.memref_slice %arg2[%dma_start3A_1004, %dma_start3A_1008, %dma_start3A_1009, %dma_start3A_1010] : memref<4x8x320x320xf32, #tpu.memory_space<vmem>> -> memref<1x8x320x320xf32, #tpu.memory_space<vmem>>
    %dma_start3A_1012 = tpu.memref_squeeze %dma_start3A_1011 : memref<1x8x320x320xf32, #tpu.memory_space<vmem>> -> memref<8x320x320xf32, #tpu.memory_space<vmem>>
    %dma_start3A_1013 = arith.constant 24 : i32
    %dma_start3A_1014 = arith.constant 0 : i32
    %dma_start3A_1015 = arith.constant 0 : i32
    %dma_start3A_1016 = tpu.memref_slice %arg0[%dma_start3A_1003, %dma_start3A_1013, %dma_start3A_1014, %dma_start3A_1015] : memref<3x64x320x320xf32, #tpu.memory_space<hbm>> -> memref<1x8x320x320xf32, #tpu.memory_space<hbm>>
    %dma_start3A_1017 = tpu.memref_squeeze %dma_start3A_1016 : memref<1x8x320x320xf32, #tpu.memory_space<hbm>> -> memref<8x320x320xf32, #tpu.memory_space<hbm>>
    tpu.enqueue_dma source(%dma_start3A_1017 : memref<8x320x320xf32, #tpu.memory_space<hbm>>) target(%dma_start3A_1012 : memref<8x320x320xf32, #tpu.memory_space<vmem>>) target_semaphore(%dma_start3A_1007 : memref<!tpu.dma_semaphore, #tpu.memory_space<semaphore_mem>>)
    %dma_wait3A_1018 = arith.constant 2 : i32
    %dma_wait3A_1019 = arith.constant 0 : i32
    %dma_wait3A_1020 = arith.constant 0 : i32
    %dma_wait3A_1021 = tpu.memref_slice %arg3[%dma_wait3A_1020] : memref<4x!tpu.dma_semaphore, #tpu.memory_space<semaphore_mem>> -> memref<1x!tpu.dma_semaphore, #tpu.memory_space<semaphore_mem>>
    %dma_wait3A_1022 = tpu.memref_squeeze %dma_wait3A_1021 : memref<1x!tpu.dma_semaphore, #tpu.memory_space<semaphore_mem>> -> memref<!tpu.dma_semaphore, #tpu.memory_space<semaphore_mem>>
    %dma_wait3A_1023 = arith.constant 0 : i32
    %dma_wait3A_1024 = arith.constant 0 : i32
    %dma_wait3A_1025 = arith.constant 0 : i32
    %dma_wait3A_1026 = tpu.memref_slice %arg2[%dma_wait3A_1019, %dma_wait3A_1023, %dma_wait3A_1024, %dma_wait3A_1025] : memref<4x8x320x320xf32, #tpu.memory_space<vmem>> -> memref<1x8x320x320xf32, #tpu.memory_space<vmem>>
    %dma_wait3A_1027 = tpu.memref_squeeze %dma_wait3A_1026 : memref<1x8x320x320xf32, #tpu.memory_space<vmem>> -> memref<8x320x320xf32, #tpu.memory_space<vmem>>
    %dma_wait3A_1028 = arith.constant 0 : i32
    %dma_wait3A_1029 = arith.constant 0 : i32
    %dma_wait3A_1030 = arith.constant 0 : i32
    %dma_wait3A_1031 = tpu.memref_slice %arg0[%dma_wait3A_1018, %dma_wait3A_1028, %dma_wait3A_1029, %dma_wait3A_1030] : memref<3x64x320x320xf32, #tpu.memory_space<hbm>> -> memref<1x8x320x320xf32, #tpu.memory_space<hbm>>
    %dma_wait3A_1032 = tpu.memref_squeeze %dma_wait3A_1031 : memref<1x8x320x320xf32, #tpu.memory_space<hbm>> -> memref<8x320x320xf32, #tpu.memory_space<hbm>>
    tpu.wait_dma2 semaphore(%dma_wait3A_1022 : memref<!tpu.dma_semaphore, #tpu.memory_space<semaphore_mem>>) src(%dma_wait3A_1032 : memref<8x320x320xf32, #tpu.memory_space<hbm>>) dst(%dma_wait3A_1027 : memref<8x320x320xf32, #tpu.memory_space<vmem>>)
    %dma_start3A_1033 = arith.constant 0 : i32
    %dma_start3A_1034 = arith.constant 2 : i32
    %dma_start3A_1035 = arith.constant 0 : i32
    %dma_start3A_1036 = tpu.memref_slice %arg4[%dma_start3A_1035] : memref<4x!tpu.dma_semaphore, #tpu.memory_space<semaphore_mem>> -> memref<1x!tpu.dma_semaphore, #tpu.memory_space<semaphore_mem>>
    %dma_start3A_1037 = tpu.memref_squeeze %dma_start3A_1036 : memref<1x!tpu.dma_semaphore, #tpu.memory_space<semaphore_mem>> -> memref<!tpu.dma_semaphore, #tpu.memory_space<semaphore_mem>>
    %dma_start3A_1038 = arith.constant 0 : i32
    %dma_start3A_1039 = arith.constant 0 : i32
    %dma_start3A_1040 = arith.constant 0 : i32
    %dma_start3A_1041 = tpu.memref_slice %arg1[%dma_start3A_1034, %dma_start3A_1038, %dma_start3A_1039, %dma_start3A_1040] : memref<3x64x320x320xf32, #tpu.memory_space<hbm>> -> memref<1x8x320x320xf32, #tpu.memory_space<hbm>>
    %dma_start3A_1042 = tpu.memref_squeeze %dma_start3A_1041 : memref<1x8x320x320xf32, #tpu.memory_space<hbm>> -> memref<8x320x320xf32, #tpu.memory_space<hbm>>
    %dma_start3A_1043 = arith.constant 0 : i32
    %dma_start3A_1044 = arith.constant 0 : i32
    %dma_start3A_1045 = arith.constant 0 : i32
    %dma_start3A_1046 = tpu.memref_slice %arg2[%dma_start3A_1033, %dma_start3A_1043, %dma_start3A_1044, %dma_start3A_1045] : memref<4x8x320x320xf32, #tpu.memory_space<vmem>> -> memref<1x8x320x320xf32, #tpu.memory_space<vmem>>
    %dma_start3A_1047 = tpu.memref_squeeze %dma_start3A_1046 : memref<1x8x320x320xf32, #tpu.memory_space<vmem>> -> memref<8x320x320xf32, #tpu.memory_space<vmem>>
    tpu.enqueue_dma source(%dma_start3A_1047 : memref<8x320x320xf32, #tpu.memory_space<vmem>>) target(%dma_start3A_1042 : memref<8x320x320xf32, #tpu.memory_space<hbm>>) target_semaphore(%dma_start3A_1037 : memref<!tpu.dma_semaphore, #tpu.memory_space<semaphore_mem>>)
    %dma_wait3A_1048 = arith.constant 0 : i32
    %dma_wait3A_1049 = arith.constant 2 : i32
    %dma_wait3A_1050 = arith.constant 0 : i32
    %dma_wait3A_1051 = tpu.memref_slice %arg4[%dma_wait3A_1050] : memref<4x!tpu.dma_semaphore, #tpu.memory_space<semaphore_mem>> -> memref<1x!tpu.dma_semaphore, #tpu.memory_space<semaphore_mem>>
    %dma_wait3A_1052 = tpu.memref_squeeze %dma_wait3A_1051 : memref<1x!tpu.dma_semaphore, #tpu.memory_space<semaphore_mem>> -> memref<!tpu.dma_semaphore, #tpu.memory_space<semaphore_mem>>
    %dma_wait3A_1053 = arith.constant 0 : i32
    %dma_wait3A_1054 = arith.constant 0 : i32
    %dma_wait3A_1055 = arith.constant 0 : i32
    %dma_wait3A_1056 = tpu.memref_slice %arg1[%dma_wait3A_1049, %dma_wait3A_1053, %dma_wait3A_1054, %dma_wait3A_1055] : memref<3x64x320x320xf32, #tpu.memory_space<hbm>> -> memref<1x8x320x320xf32, #tpu.memory_space<hbm>>
    %dma_wait3A_1057 = tpu.memref_squeeze %dma_wait3A_1056 : memref<1x8x320x320xf32, #tpu.memory_space<hbm>> -> memref<8x320x320xf32, #tpu.memory_space<hbm>>
    %dma_wait3A_1058 = arith.constant 0 : i32
    %dma_wait3A_1059 = arith.constant 0 : i32
    %dma_wait3A_1060 = arith.constant 0 : i32
    %dma_wait3A_1061 = tpu.memref_slice %arg2[%dma_wait3A_1048, %dma_wait3A_1058, %dma_wait3A_1059, %dma_wait3A_1060] : memref<4x8x320x320xf32, #tpu.memory_space<vmem>> -> memref<1x8x320x320xf32, #tpu.memory_space<vmem>>
    %dma_wait3A_1062 = tpu.memref_squeeze %dma_wait3A_1061 : memref<1x8x320x320xf32, #tpu.memory_space<vmem>> -> memref<8x320x320xf32, #tpu.memory_space<vmem>>
    tpu.wait_dma2 semaphore(%dma_wait3A_1052 : memref<!tpu.dma_semaphore, #tpu.memory_space<semaphore_mem>>) src(%dma_wait3A_1062 : memref<8x320x320xf32, #tpu.memory_space<vmem>>) dst(%dma_wait3A_1057 : memref<8x320x320xf32, #tpu.memory_space<hbm>>)
    %dma_start3A_1063 = arith.constant 2 : i32
    %dma_start3A_1064 = arith.constant 0 : i32
    %dma_start3A_1065 = arith.constant 0 : i32
    %dma_start3A_1066 = tpu.memref_slice %arg3[%dma_start3A_1065] : memref<4x!tpu.dma_semaphore, #tpu.memory_space<semaphore_mem>> -> memref<1x!tpu.dma_semaphore, #tpu.memory_space<semaphore_mem>>
    %dma_start3A_1067 = tpu.memref_squeeze %dma_start3A_1066 : memref<1x!tpu.dma_semaphore, #tpu.memory_space<semaphore_mem>> -> memref<!tpu.dma_semaphore, #tpu.memory_space<semaphore_mem>>
    %dma_start3A_1068 = arith.constant 0 : i32
    %dma_start3A_1069 = arith.constant 0 : i32
    %dma_start3A_1070 = arith.constant 0 : i32
    %dma_start3A_1071 = tpu.memref_slice %arg2[%dma_start3A_1064, %dma_start3A_1068, %dma_start3A_1069, %dma_start3A_1070] : memref<4x8x320x320xf32, #tpu.memory_space<vmem>> -> memref<1x8x320x320xf32, #tpu.memory_space<vmem>>
    %dma_start3A_1072 = tpu.memref_squeeze %dma_start3A_1071 : memref<1x8x320x320xf32, #tpu.memory_space<vmem>> -> memref<8x320x320xf32, #tpu.memory_space<vmem>>
    %dma_start3A_1073 = arith.constant 32 : i32
    %dma_start3A_1074 = arith.constant 0 : i32
    %dma_start3A_1075 = arith.constant 0 : i32
    %dma_start3A_1076 = tpu.memref_slice %arg0[%dma_start3A_1063, %dma_start3A_1073, %dma_start3A_1074, %dma_start3A_1075] : memref<3x64x320x320xf32, #tpu.memory_space<hbm>> -> memref<1x8x320x320xf32, #tpu.memory_space<hbm>>
    %dma_start3A_1077 = tpu.memref_squeeze %dma_start3A_1076 : memref<1x8x320x320xf32, #tpu.memory_space<hbm>> -> memref<8x320x320xf32, #tpu.memory_space<hbm>>
    tpu.enqueue_dma source(%dma_start3A_1077 : memref<8x320x320xf32, #tpu.memory_space<hbm>>) target(%dma_start3A_1072 : memref<8x320x320xf32, #tpu.memory_space<vmem>>) target_semaphore(%dma_start3A_1067 : memref<!tpu.dma_semaphore, #tpu.memory_space<semaphore_mem>>)
    %dma_wait3A_1078 = arith.constant 2 : i32
    %dma_wait3A_1079 = arith.constant 1 : i32
    %dma_wait3A_1080 = arith.constant 1 : i32
    %dma_wait3A_1081 = tpu.memref_slice %arg3[%dma_wait3A_1080] : memref<4x!tpu.dma_semaphore, #tpu.memory_space<semaphore_mem>> -> memref<1x!tpu.dma_semaphore, #tpu.memory_space<semaphore_mem>>
    %dma_wait3A_1082 = tpu.memref_squeeze %dma_wait3A_1081 : memref<1x!tpu.dma_semaphore, #tpu.memory_space<semaphore_mem>> -> memref<!tpu.dma_semaphore, #tpu.memory_space<semaphore_mem>>
    %dma_wait3A_1083 = arith.constant 0 : i32
    %dma_wait3A_1084 = arith.constant 0 : i32
    %dma_wait3A_1085 = arith.constant 0 : i32
    %dma_wait3A_1086 = tpu.memref_slice %arg2[%dma_wait3A_1079, %dma_wait3A_1083, %dma_wait3A_1084, %dma_wait3A_1085] : memref<4x8x320x320xf32, #tpu.memory_space<vmem>> -> memref<1x8x320x320xf32, #tpu.memory_space<vmem>>
    %dma_wait3A_1087 = tpu.memref_squeeze %dma_wait3A_1086 : memref<1x8x320x320xf32, #tpu.memory_space<vmem>> -> memref<8x320x320xf32, #tpu.memory_space<vmem>>
    %dma_wait3A_1088 = arith.constant 8 : i32
    %dma_wait3A_1089 = arith.constant 0 : i32
    %dma_wait3A_1090 = arith.constant 0 : i32
    %dma_wait3A_1091 = tpu.memref_slice %arg0[%dma_wait3A_1078, %dma_wait3A_1088, %dma_wait3A_1089, %dma_wait3A_1090] : memref<3x64x320x320xf32, #tpu.memory_space<hbm>> -> memref<1x8x320x320xf32, #tpu.memory_space<hbm>>
    %dma_wait3A_1092 = tpu.memref_squeeze %dma_wait3A_1091 : memref<1x8x320x320xf32, #tpu.memory_space<hbm>> -> memref<8x320x320xf32, #tpu.memory_space<hbm>>
    tpu.wait_dma2 semaphore(%dma_wait3A_1082 : memref<!tpu.dma_semaphore, #tpu.memory_space<semaphore_mem>>) src(%dma_wait3A_1092 : memref<8x320x320xf32, #tpu.memory_space<hbm>>) dst(%dma_wait3A_1087 : memref<8x320x320xf32, #tpu.memory_space<vmem>>)
    %dma_start3A_1093 = arith.constant 1 : i32
    %dma_start3A_1094 = arith.constant 2 : i32
    %dma_start3A_1095 = arith.constant 1 : i32
    %dma_start3A_1096 = tpu.memref_slice %arg4[%dma_start3A_1095] : memref<4x!tpu.dma_semaphore, #tpu.memory_space<semaphore_mem>> -> memref<1x!tpu.dma_semaphore, #tpu.memory_space<semaphore_mem>>
    %dma_start3A_1097 = tpu.memref_squeeze %dma_start3A_1096 : memref<1x!tpu.dma_semaphore, #tpu.memory_space<semaphore_mem>> -> memref<!tpu.dma_semaphore, #tpu.memory_space<semaphore_mem>>
    %dma_start3A_1098 = arith.constant 8 : i32
    %dma_start3A_1099 = arith.constant 0 : i32
    %dma_start3A_1100 = arith.constant 0 : i32
    %dma_start3A_1101 = tpu.memref_slice %arg1[%dma_start3A_1094, %dma_start3A_1098, %dma_start3A_1099, %dma_start3A_1100] : memref<3x64x320x320xf32, #tpu.memory_space<hbm>> -> memref<1x8x320x320xf32, #tpu.memory_space<hbm>>
    %dma_start3A_1102 = tpu.memref_squeeze %dma_start3A_1101 : memref<1x8x320x320xf32, #tpu.memory_space<hbm>> -> memref<8x320x320xf32, #tpu.memory_space<hbm>>
    %dma_start3A_1103 = arith.constant 0 : i32
    %dma_start3A_1104 = arith.constant 0 : i32
    %dma_start3A_1105 = arith.constant 0 : i32
    %dma_start3A_1106 = tpu.memref_slice %arg2[%dma_start3A_1093, %dma_start3A_1103, %dma_start3A_1104, %dma_start3A_1105] : memref<4x8x320x320xf32, #tpu.memory_space<vmem>> -> memref<1x8x320x320xf32, #tpu.memory_space<vmem>>
    %dma_start3A_1107 = tpu.memref_squeeze %dma_start3A_1106 : memref<1x8x320x320xf32, #tpu.memory_space<vmem>> -> memref<8x320x320xf32, #tpu.memory_space<vmem>>
    tpu.enqueue_dma source(%dma_start3A_1107 : memref<8x320x320xf32, #tpu.memory_space<vmem>>) target(%dma_start3A_1102 : memref<8x320x320xf32, #tpu.memory_space<hbm>>) target_semaphore(%dma_start3A_1097 : memref<!tpu.dma_semaphore, #tpu.memory_space<semaphore_mem>>)
    %dma_wait3A_1108 = arith.constant 1 : i32
    %dma_wait3A_1109 = arith.constant 2 : i32
    %dma_wait3A_1110 = arith.constant 1 : i32
    %dma_wait3A_1111 = tpu.memref_slice %arg4[%dma_wait3A_1110] : memref<4x!tpu.dma_semaphore, #tpu.memory_space<semaphore_mem>> -> memref<1x!tpu.dma_semaphore, #tpu.memory_space<semaphore_mem>>
    %dma_wait3A_1112 = tpu.memref_squeeze %dma_wait3A_1111 : memref<1x!tpu.dma_semaphore, #tpu.memory_space<semaphore_mem>> -> memref<!tpu.dma_semaphore, #tpu.memory_space<semaphore_mem>>
    %dma_wait3A_1113 = arith.constant 8 : i32
    %dma_wait3A_1114 = arith.constant 0 : i32
    %dma_wait3A_1115 = arith.constant 0 : i32
    %dma_wait3A_1116 = tpu.memref_slice %arg1[%dma_wait3A_1109, %dma_wait3A_1113, %dma_wait3A_1114, %dma_wait3A_1115] : memref<3x64x320x320xf32, #tpu.memory_space<hbm>> -> memref<1x8x320x320xf32, #tpu.memory_space<hbm>>
    %dma_wait3A_1117 = tpu.memref_squeeze %dma_wait3A_1116 : memref<1x8x320x320xf32, #tpu.memory_space<hbm>> -> memref<8x320x320xf32, #tpu.memory_space<hbm>>
    %dma_wait3A_1118 = arith.constant 0 : i32
    %dma_wait3A_1119 = arith.constant 0 : i32
    %dma_wait3A_1120 = arith.constant 0 : i32
    %dma_wait3A_1121 = tpu.memref_slice %arg2[%dma_wait3A_1108, %dma_wait3A_1118, %dma_wait3A_1119, %dma_wait3A_1120] : memref<4x8x320x320xf32, #tpu.memory_space<vmem>> -> memref<1x8x320x320xf32, #tpu.memory_space<vmem>>
    %dma_wait3A_1122 = tpu.memref_squeeze %dma_wait3A_1121 : memref<1x8x320x320xf32, #tpu.memory_space<vmem>> -> memref<8x320x320xf32, #tpu.memory_space<vmem>>
    tpu.wait_dma2 semaphore(%dma_wait3A_1112 : memref<!tpu.dma_semaphore, #tpu.memory_space<semaphore_mem>>) src(%dma_wait3A_1122 : memref<8x320x320xf32, #tpu.memory_space<vmem>>) dst(%dma_wait3A_1117 : memref<8x320x320xf32, #tpu.memory_space<hbm>>)
    %dma_start3A_1123 = arith.constant 2 : i32
    %dma_start3A_1124 = arith.constant 1 : i32
    %dma_start3A_1125 = arith.constant 1 : i32
    %dma_start3A_1126 = tpu.memref_slice %arg3[%dma_start3A_1125] : memref<4x!tpu.dma_semaphore, #tpu.memory_space<semaphore_mem>> -> memref<1x!tpu.dma_semaphore, #tpu.memory_space<semaphore_mem>>
    %dma_start3A_1127 = tpu.memref_squeeze %dma_start3A_1126 : memref<1x!tpu.dma_semaphore, #tpu.memory_space<semaphore_mem>> -> memref<!tpu.dma_semaphore, #tpu.memory_space<semaphore_mem>>
    %dma_start3A_1128 = arith.constant 0 : i32
    %dma_start3A_1129 = arith.constant 0 : i32
    %dma_start3A_1130 = arith.constant 0 : i32
    %dma_start3A_1131 = tpu.memref_slice %arg2[%dma_start3A_1124, %dma_start3A_1128, %dma_start3A_1129, %dma_start3A_1130] : memref<4x8x320x320xf32, #tpu.memory_space<vmem>> -> memref<1x8x320x320xf32, #tpu.memory_space<vmem>>
    %dma_start3A_1132 = tpu.memref_squeeze %dma_start3A_1131 : memref<1x8x320x320xf32, #tpu.memory_space<vmem>> -> memref<8x320x320xf32, #tpu.memory_space<vmem>>
    %dma_start3A_1133 = arith.constant 40 : i32
    %dma_start3A_1134 = arith.constant 0 : i32
    %dma_start3A_1135 = arith.constant 0 : i32
    %dma_start3A_1136 = tpu.memref_slice %arg0[%dma_start3A_1123, %dma_start3A_1133, %dma_start3A_1134, %dma_start3A_1135] : memref<3x64x320x320xf32, #tpu.memory_space<hbm>> -> memref<1x8x320x320xf32, #tpu.memory_space<hbm>>
    %dma_start3A_1137 = tpu.memref_squeeze %dma_start3A_1136 : memref<1x8x320x320xf32, #tpu.memory_space<hbm>> -> memref<8x320x320xf32, #tpu.memory_space<hbm>>
    tpu.enqueue_dma source(%dma_start3A_1137 : memref<8x320x320xf32, #tpu.memory_space<hbm>>) target(%dma_start3A_1132 : memref<8x320x320xf32, #tpu.memory_space<vmem>>) target_semaphore(%dma_start3A_1127 : memref<!tpu.dma_semaphore, #tpu.memory_space<semaphore_mem>>)
    %dma_wait3A_1138 = arith.constant 2 : i32
    %dma_wait3A_1139 = arith.constant 2 : i32
    %dma_wait3A_1140 = arith.constant 2 : i32
    %dma_wait3A_1141 = tpu.memref_slice %arg3[%dma_wait3A_1140] : memref<4x!tpu.dma_semaphore, #tpu.memory_space<semaphore_mem>> -> memref<1x!tpu.dma_semaphore, #tpu.memory_space<semaphore_mem>>
    %dma_wait3A_1142 = tpu.memref_squeeze %dma_wait3A_1141 : memref<1x!tpu.dma_semaphore, #tpu.memory_space<semaphore_mem>> -> memref<!tpu.dma_semaphore, #tpu.memory_space<semaphore_mem>>
    %dma_wait3A_1143 = arith.constant 0 : i32
    %dma_wait3A_1144 = arith.constant 0 : i32
    %dma_wait3A_1145 = arith.constant 0 : i32
    %dma_wait3A_1146 = tpu.memref_slice %arg2[%dma_wait3A_1139, %dma_wait3A_1143, %dma_wait3A_1144, %dma_wait3A_1145] : memref<4x8x320x320xf32, #tpu.memory_space<vmem>> -> memref<1x8x320x320xf32, #tpu.memory_space<vmem>>
    %dma_wait3A_1147 = tpu.memref_squeeze %dma_wait3A_1146 : memref<1x8x320x320xf32, #tpu.memory_space<vmem>> -> memref<8x320x320xf32, #tpu.memory_space<vmem>>
    %dma_wait3A_1148 = arith.constant 16 : i32
    %dma_wait3A_1149 = arith.constant 0 : i32
    %dma_wait3A_1150 = arith.constant 0 : i32
    %dma_wait3A_1151 = tpu.memref_slice %arg0[%dma_wait3A_1138, %dma_wait3A_1148, %dma_wait3A_1149, %dma_wait3A_1150] : memref<3x64x320x320xf32, #tpu.memory_space<hbm>> -> memref<1x8x320x320xf32, #tpu.memory_space<hbm>>
    %dma_wait3A_1152 = tpu.memref_squeeze %dma_wait3A_1151 : memref<1x8x320x320xf32, #tpu.memory_space<hbm>> -> memref<8x320x320xf32, #tpu.memory_space<hbm>>
    tpu.wait_dma2 semaphore(%dma_wait3A_1142 : memref<!tpu.dma_semaphore, #tpu.memory_space<semaphore_mem>>) src(%dma_wait3A_1152 : memref<8x320x320xf32, #tpu.memory_space<hbm>>) dst(%dma_wait3A_1147 : memref<8x320x320xf32, #tpu.memory_space<vmem>>)
    %dma_start3A_1153 = arith.constant 2 : i32
    %dma_start3A_1154 = arith.constant 2 : i32
    %dma_start3A_1155 = arith.constant 2 : i32
    %dma_start3A_1156 = tpu.memref_slice %arg4[%dma_start3A_1155] : memref<4x!tpu.dma_semaphore, #tpu.memory_space<semaphore_mem>> -> memref<1x!tpu.dma_semaphore, #tpu.memory_space<semaphore_mem>>
    %dma_start3A_1157 = tpu.memref_squeeze %dma_start3A_1156 : memref<1x!tpu.dma_semaphore, #tpu.memory_space<semaphore_mem>> -> memref<!tpu.dma_semaphore, #tpu.memory_space<semaphore_mem>>
    %dma_start3A_1158 = arith.constant 16 : i32
    %dma_start3A_1159 = arith.constant 0 : i32
    %dma_start3A_1160 = arith.constant 0 : i32
    %dma_start3A_1161 = tpu.memref_slice %arg1[%dma_start3A_1154, %dma_start3A_1158, %dma_start3A_1159, %dma_start3A_1160] : memref<3x64x320x320xf32, #tpu.memory_space<hbm>> -> memref<1x8x320x320xf32, #tpu.memory_space<hbm>>
    %dma_start3A_1162 = tpu.memref_squeeze %dma_start3A_1161 : memref<1x8x320x320xf32, #tpu.memory_space<hbm>> -> memref<8x320x320xf32, #tpu.memory_space<hbm>>
    %dma_start3A_1163 = arith.constant 0 : i32
    %dma_start3A_1164 = arith.constant 0 : i32
    %dma_start3A_1165 = arith.constant 0 : i32
    %dma_start3A_1166 = tpu.memref_slice %arg2[%dma_start3A_1153, %dma_start3A_1163, %dma_start3A_1164, %dma_start3A_1165] : memref<4x8x320x320xf32, #tpu.memory_space<vmem>> -> memref<1x8x320x320xf32, #tpu.memory_space<vmem>>
    %dma_start3A_1167 = tpu.memref_squeeze %dma_start3A_1166 : memref<1x8x320x320xf32, #tpu.memory_space<vmem>> -> memref<8x320x320xf32, #tpu.memory_space<vmem>>
    tpu.enqueue_dma source(%dma_start3A_1167 : memref<8x320x320xf32, #tpu.memory_space<vmem>>) target(%dma_start3A_1162 : memref<8x320x320xf32, #tpu.memory_space<hbm>>) target_semaphore(%dma_start3A_1157 : memref<!tpu.dma_semaphore, #tpu.memory_space<semaphore_mem>>)
    %dma_wait3A_1168 = arith.constant 2 : i32
    %dma_wait3A_1169 = arith.constant 2 : i32
    %dma_wait3A_1170 = arith.constant 2 : i32
    %dma_wait3A_1171 = tpu.memref_slice %arg4[%dma_wait3A_1170] : memref<4x!tpu.dma_semaphore, #tpu.memory_space<semaphore_mem>> -> memref<1x!tpu.dma_semaphore, #tpu.memory_space<semaphore_mem>>
    %dma_wait3A_1172 = tpu.memref_squeeze %dma_wait3A_1171 : memref<1x!tpu.dma_semaphore, #tpu.memory_space<semaphore_mem>> -> memref<!tpu.dma_semaphore, #tpu.memory_space<semaphore_mem>>
    %dma_wait3A_1173 = arith.constant 16 : i32
    %dma_wait3A_1174 = arith.constant 0 : i32
    %dma_wait3A_1175 = arith.constant 0 : i32
    %dma_wait3A_1176 = tpu.memref_slice %arg1[%dma_wait3A_1169, %dma_wait3A_1173, %dma_wait3A_1174, %dma_wait3A_1175] : memref<3x64x320x320xf32, #tpu.memory_space<hbm>> -> memref<1x8x320x320xf32, #tpu.memory_space<hbm>>
    %dma_wait3A_1177 = tpu.memref_squeeze %dma_wait3A_1176 : memref<1x8x320x320xf32, #tpu.memory_space<hbm>> -> memref<8x320x320xf32, #tpu.memory_space<hbm>>
    %dma_wait3A_1178 = arith.constant 0 : i32
    %dma_wait3A_1179 = arith.constant 0 : i32
    %dma_wait3A_1180 = arith.constant 0 : i32
    %dma_wait3A_1181 = tpu.memref_slice %arg2[%dma_wait3A_1168, %dma_wait3A_1178, %dma_wait3A_1179, %dma_wait3A_1180] : memref<4x8x320x320xf32, #tpu.memory_space<vmem>> -> memref<1x8x320x320xf32, #tpu.memory_space<vmem>>
    %dma_wait3A_1182 = tpu.memref_squeeze %dma_wait3A_1181 : memref<1x8x320x320xf32, #tpu.memory_space<vmem>> -> memref<8x320x320xf32, #tpu.memory_space<vmem>>
    tpu.wait_dma2 semaphore(%dma_wait3A_1172 : memref<!tpu.dma_semaphore, #tpu.memory_space<semaphore_mem>>) src(%dma_wait3A_1182 : memref<8x320x320xf32, #tpu.memory_space<vmem>>) dst(%dma_wait3A_1177 : memref<8x320x320xf32, #tpu.memory_space<hbm>>)
    %dma_start3A_1183 = arith.constant 2 : i32
    %dma_start3A_1184 = arith.constant 2 : i32
    %dma_start3A_1185 = arith.constant 2 : i32
    %dma_start3A_1186 = tpu.memref_slice %arg3[%dma_start3A_1185] : memref<4x!tpu.dma_semaphore, #tpu.memory_space<semaphore_mem>> -> memref<1x!tpu.dma_semaphore, #tpu.memory_space<semaphore_mem>>
    %dma_start3A_1187 = tpu.memref_squeeze %dma_start3A_1186 : memref<1x!tpu.dma_semaphore, #tpu.memory_space<semaphore_mem>> -> memref<!tpu.dma_semaphore, #tpu.memory_space<semaphore_mem>>
    %dma_start3A_1188 = arith.constant 0 : i32
    %dma_start3A_1189 = arith.constant 0 : i32
    %dma_start3A_1190 = arith.constant 0 : i32
    %dma_start3A_1191 = tpu.memref_slice %arg2[%dma_start3A_1184, %dma_start3A_1188, %dma_start3A_1189, %dma_start3A_1190] : memref<4x8x320x320xf32, #tpu.memory_space<vmem>> -> memref<1x8x320x320xf32, #tpu.memory_space<vmem>>
    %dma_start3A_1192 = tpu.memref_squeeze %dma_start3A_1191 : memref<1x8x320x320xf32, #tpu.memory_space<vmem>> -> memref<8x320x320xf32, #tpu.memory_space<vmem>>
    %dma_start3A_1193 = arith.constant 48 : i32
    %dma_start3A_1194 = arith.constant 0 : i32
    %dma_start3A_1195 = arith.constant 0 : i32
    %dma_start3A_1196 = tpu.memref_slice %arg0[%dma_start3A_1183, %dma_start3A_1193, %dma_start3A_1194, %dma_start3A_1195] : memref<3x64x320x320xf32, #tpu.memory_space<hbm>> -> memref<1x8x320x320xf32, #tpu.memory_space<hbm>>
    %dma_start3A_1197 = tpu.memref_squeeze %dma_start3A_1196 : memref<1x8x320x320xf32, #tpu.memory_space<hbm>> -> memref<8x320x320xf32, #tpu.memory_space<hbm>>
    tpu.enqueue_dma source(%dma_start3A_1197 : memref<8x320x320xf32, #tpu.memory_space<hbm>>) target(%dma_start3A_1192 : memref<8x320x320xf32, #tpu.memory_space<vmem>>) target_semaphore(%dma_start3A_1187 : memref<!tpu.dma_semaphore, #tpu.memory_space<semaphore_mem>>)
    %dma_wait3A_1198 = arith.constant 2 : i32
    %dma_wait3A_1199 = arith.constant 3 : i32
    %dma_wait3A_1200 = arith.constant 3 : i32
    %dma_wait3A_1201 = tpu.memref_slice %arg3[%dma_wait3A_1200] : memref<4x!tpu.dma_semaphore, #tpu.memory_space<semaphore_mem>> -> memref<1x!tpu.dma_semaphore, #tpu.memory_space<semaphore_mem>>
    %dma_wait3A_1202 = tpu.memref_squeeze %dma_wait3A_1201 : memref<1x!tpu.dma_semaphore, #tpu.memory_space<semaphore_mem>> -> memref<!tpu.dma_semaphore, #tpu.memory_space<semaphore_mem>>
    %dma_wait3A_1203 = arith.constant 0 : i32
    %dma_wait3A_1204 = arith.constant 0 : i32
    %dma_wait3A_1205 = arith.constant 0 : i32
    %dma_wait3A_1206 = tpu.memref_slice %arg2[%dma_wait3A_1199, %dma_wait3A_1203, %dma_wait3A_1204, %dma_wait3A_1205] : memref<4x8x320x320xf32, #tpu.memory_space<vmem>> -> memref<1x8x320x320xf32, #tpu.memory_space<vmem>>
    %dma_wait3A_1207 = tpu.memref_squeeze %dma_wait3A_1206 : memref<1x8x320x320xf32, #tpu.memory_space<vmem>> -> memref<8x320x320xf32, #tpu.memory_space<vmem>>
    %dma_wait3A_1208 = arith.constant 24 : i32
    %dma_wait3A_1209 = arith.constant 0 : i32
    %dma_wait3A_1210 = arith.constant 0 : i32
    %dma_wait3A_1211 = tpu.memref_slice %arg0[%dma_wait3A_1198, %dma_wait3A_1208, %dma_wait3A_1209, %dma_wait3A_1210] : memref<3x64x320x320xf32, #tpu.memory_space<hbm>> -> memref<1x8x320x320xf32, #tpu.memory_space<hbm>>
    %dma_wait3A_1212 = tpu.memref_squeeze %dma_wait3A_1211 : memref<1x8x320x320xf32, #tpu.memory_space<hbm>> -> memref<8x320x320xf32, #tpu.memory_space<hbm>>
    tpu.wait_dma2 semaphore(%dma_wait3A_1202 : memref<!tpu.dma_semaphore, #tpu.memory_space<semaphore_mem>>) src(%dma_wait3A_1212 : memref<8x320x320xf32, #tpu.memory_space<hbm>>) dst(%dma_wait3A_1207 : memref<8x320x320xf32, #tpu.memory_space<vmem>>)
    %dma_start3A_1213 = arith.constant 3 : i32
    %dma_start3A_1214 = arith.constant 2 : i32
    %dma_start3A_1215 = arith.constant 3 : i32
    %dma_start3A_1216 = tpu.memref_slice %arg4[%dma_start3A_1215] : memref<4x!tpu.dma_semaphore, #tpu.memory_space<semaphore_mem>> -> memref<1x!tpu.dma_semaphore, #tpu.memory_space<semaphore_mem>>
    %dma_start3A_1217 = tpu.memref_squeeze %dma_start3A_1216 : memref<1x!tpu.dma_semaphore, #tpu.memory_space<semaphore_mem>> -> memref<!tpu.dma_semaphore, #tpu.memory_space<semaphore_mem>>
    %dma_start3A_1218 = arith.constant 24 : i32
    %dma_start3A_1219 = arith.constant 0 : i32
    %dma_start3A_1220 = arith.constant 0 : i32
    %dma_start3A_1221 = tpu.memref_slice %arg1[%dma_start3A_1214, %dma_start3A_1218, %dma_start3A_1219, %dma_start3A_1220] : memref<3x64x320x320xf32, #tpu.memory_space<hbm>> -> memref<1x8x320x320xf32, #tpu.memory_space<hbm>>
    %dma_start3A_1222 = tpu.memref_squeeze %dma_start3A_1221 : memref<1x8x320x320xf32, #tpu.memory_space<hbm>> -> memref<8x320x320xf32, #tpu.memory_space<hbm>>
    %dma_start3A_1223 = arith.constant 0 : i32
    %dma_start3A_1224 = arith.constant 0 : i32
    %dma_start3A_1225 = arith.constant 0 : i32
    %dma_start3A_1226 = tpu.memref_slice %arg2[%dma_start3A_1213, %dma_start3A_1223, %dma_start3A_1224, %dma_start3A_1225] : memref<4x8x320x320xf32, #tpu.memory_space<vmem>> -> memref<1x8x320x320xf32, #tpu.memory_space<vmem>>
    %dma_start3A_1227 = tpu.memref_squeeze %dma_start3A_1226 : memref<1x8x320x320xf32, #tpu.memory_space<vmem>> -> memref<8x320x320xf32, #tpu.memory_space<vmem>>
    tpu.enqueue_dma source(%dma_start3A_1227 : memref<8x320x320xf32, #tpu.memory_space<vmem>>) target(%dma_start3A_1222 : memref<8x320x320xf32, #tpu.memory_space<hbm>>) target_semaphore(%dma_start3A_1217 : memref<!tpu.dma_semaphore, #tpu.memory_space<semaphore_mem>>)
    %dma_wait3A_1228 = arith.constant 3 : i32
    %dma_wait3A_1229 = arith.constant 2 : i32
    %dma_wait3A_1230 = arith.constant 3 : i32
    %dma_wait3A_1231 = tpu.memref_slice %arg4[%dma_wait3A_1230] : memref<4x!tpu.dma_semaphore, #tpu.memory_space<semaphore_mem>> -> memref<1x!tpu.dma_semaphore, #tpu.memory_space<semaphore_mem>>
    %dma_wait3A_1232 = tpu.memref_squeeze %dma_wait3A_1231 : memref<1x!tpu.dma_semaphore, #tpu.memory_space<semaphore_mem>> -> memref<!tpu.dma_semaphore, #tpu.memory_space<semaphore_mem>>
    %dma_wait3A_1233 = arith.constant 24 : i32
    %dma_wait3A_1234 = arith.constant 0 : i32
    %dma_wait3A_1235 = arith.constant 0 : i32
    %dma_wait3A_1236 = tpu.memref_slice %arg1[%dma_wait3A_1229, %dma_wait3A_1233, %dma_wait3A_1234, %dma_wait3A_1235] : memref<3x64x320x320xf32, #tpu.memory_space<hbm>> -> memref<1x8x320x320xf32, #tpu.memory_space<hbm>>
    %dma_wait3A_1237 = tpu.memref_squeeze %dma_wait3A_1236 : memref<1x8x320x320xf32, #tpu.memory_space<hbm>> -> memref<8x320x320xf32, #tpu.memory_space<hbm>>
    %dma_wait3A_1238 = arith.constant 0 : i32
    %dma_wait3A_1239 = arith.constant 0 : i32
    %dma_wait3A_1240 = arith.constant 0 : i32
    %dma_wait3A_1241 = tpu.memref_slice %arg2[%dma_wait3A_1228, %dma_wait3A_1238, %dma_wait3A_1239, %dma_wait3A_1240] : memref<4x8x320x320xf32, #tpu.memory_space<vmem>> -> memref<1x8x320x320xf32, #tpu.memory_space<vmem>>
    %dma_wait3A_1242 = tpu.memref_squeeze %dma_wait3A_1241 : memref<1x8x320x320xf32, #tpu.memory_space<vmem>> -> memref<8x320x320xf32, #tpu.memory_space<vmem>>
    tpu.wait_dma2 semaphore(%dma_wait3A_1232 : memref<!tpu.dma_semaphore, #tpu.memory_space<semaphore_mem>>) src(%dma_wait3A_1242 : memref<8x320x320xf32, #tpu.memory_space<vmem>>) dst(%dma_wait3A_1237 : memref<8x320x320xf32, #tpu.memory_space<hbm>>)
    %dma_start3A_1243 = arith.constant 2 : i32
    %dma_start3A_1244 = arith.constant 3 : i32
    %dma_start3A_1245 = arith.constant 3 : i32
    %dma_start3A_1246 = tpu.memref_slice %arg3[%dma_start3A_1245] : memref<4x!tpu.dma_semaphore, #tpu.memory_space<semaphore_mem>> -> memref<1x!tpu.dma_semaphore, #tpu.memory_space<semaphore_mem>>
    %dma_start3A_1247 = tpu.memref_squeeze %dma_start3A_1246 : memref<1x!tpu.dma_semaphore, #tpu.memory_space<semaphore_mem>> -> memref<!tpu.dma_semaphore, #tpu.memory_space<semaphore_mem>>
    %dma_start3A_1248 = arith.constant 0 : i32
    %dma_start3A_1249 = arith.constant 0 : i32
    %dma_start3A_1250 = arith.constant 0 : i32
    %dma_start3A_1251 = tpu.memref_slice %arg2[%dma_start3A_1244, %dma_start3A_1248, %dma_start3A_1249, %dma_start3A_1250] : memref<4x8x320x320xf32, #tpu.memory_space<vmem>> -> memref<1x8x320x320xf32, #tpu.memory_space<vmem>>
    %dma_start3A_1252 = tpu.memref_squeeze %dma_start3A_1251 : memref<1x8x320x320xf32, #tpu.memory_space<vmem>> -> memref<8x320x320xf32, #tpu.memory_space<vmem>>
    %dma_start3A_1253 = arith.constant 56 : i32
    %dma_start3A_1254 = arith.constant 0 : i32
    %dma_start3A_1255 = arith.constant 0 : i32
    %dma_start3A_1256 = tpu.memref_slice %arg0[%dma_start3A_1243, %dma_start3A_1253, %dma_start3A_1254, %dma_start3A_1255] : memref<3x64x320x320xf32, #tpu.memory_space<hbm>> -> memref<1x8x320x320xf32, #tpu.memory_space<hbm>>
    %dma_start3A_1257 = tpu.memref_squeeze %dma_start3A_1256 : memref<1x8x320x320xf32, #tpu.memory_space<hbm>> -> memref<8x320x320xf32, #tpu.memory_space<hbm>>
    tpu.enqueue_dma source(%dma_start3A_1257 : memref<8x320x320xf32, #tpu.memory_space<hbm>>) target(%dma_start3A_1252 : memref<8x320x320xf32, #tpu.memory_space<vmem>>) target_semaphore(%dma_start3A_1247 : memref<!tpu.dma_semaphore, #tpu.memory_space<semaphore_mem>>)
    %dma_wait3A_1258 = arith.constant 2 : i32
    %dma_wait3A_1259 = arith.constant 0 : i32
    %dma_wait3A_1260 = arith.constant 0 : i32
    %dma_wait3A_1261 = tpu.memref_slice %arg3[%dma_wait3A_1260] : memref<4x!tpu.dma_semaphore, #tpu.memory_space<semaphore_mem>> -> memref<1x!tpu.dma_semaphore, #tpu.memory_space<semaphore_mem>>
    %dma_wait3A_1262 = tpu.memref_squeeze %dma_wait3A_1261 : memref<1x!tpu.dma_semaphore, #tpu.memory_space<semaphore_mem>> -> memref<!tpu.dma_semaphore, #tpu.memory_space<semaphore_mem>>
    %dma_wait3A_1263 = arith.constant 0 : i32
    %dma_wait3A_1264 = arith.constant 0 : i32
    %dma_wait3A_1265 = arith.constant 0 : i32
    %dma_wait3A_1266 = tpu.memref_slice %arg2[%dma_wait3A_1259, %dma_wait3A_1263, %dma_wait3A_1264, %dma_wait3A_1265] : memref<4x8x320x320xf32, #tpu.memory_space<vmem>> -> memref<1x8x320x320xf32, #tpu.memory_space<vmem>>
    %dma_wait3A_1267 = tpu.memref_squeeze %dma_wait3A_1266 : memref<1x8x320x320xf32, #tpu.memory_space<vmem>> -> memref<8x320x320xf32, #tpu.memory_space<vmem>>
    %dma_wait3A_1268 = arith.constant 32 : i32
    %dma_wait3A_1269 = arith.constant 0 : i32
    %dma_wait3A_1270 = arith.constant 0 : i32
    %dma_wait3A_1271 = tpu.memref_slice %arg0[%dma_wait3A_1258, %dma_wait3A_1268, %dma_wait3A_1269, %dma_wait3A_1270] : memref<3x64x320x320xf32, #tpu.memory_space<hbm>> -> memref<1x8x320x320xf32, #tpu.memory_space<hbm>>
    %dma_wait3A_1272 = tpu.memref_squeeze %dma_wait3A_1271 : memref<1x8x320x320xf32, #tpu.memory_space<hbm>> -> memref<8x320x320xf32, #tpu.memory_space<hbm>>
    tpu.wait_dma2 semaphore(%dma_wait3A_1262 : memref<!tpu.dma_semaphore, #tpu.memory_space<semaphore_mem>>) src(%dma_wait3A_1272 : memref<8x320x320xf32, #tpu.memory_space<hbm>>) dst(%dma_wait3A_1267 : memref<8x320x320xf32, #tpu.memory_space<vmem>>)
    %dma_start3A_1273 = arith.constant 0 : i32
    %dma_start3A_1274 = arith.constant 2 : i32
    %dma_start3A_1275 = arith.constant 0 : i32
    %dma_start3A_1276 = tpu.memref_slice %arg4[%dma_start3A_1275] : memref<4x!tpu.dma_semaphore, #tpu.memory_space<semaphore_mem>> -> memref<1x!tpu.dma_semaphore, #tpu.memory_space<semaphore_mem>>
    %dma_start3A_1277 = tpu.memref_squeeze %dma_start3A_1276 : memref<1x!tpu.dma_semaphore, #tpu.memory_space<semaphore_mem>> -> memref<!tpu.dma_semaphore, #tpu.memory_space<semaphore_mem>>
    %dma_start3A_1278 = arith.constant 32 : i32
    %dma_start3A_1279 = arith.constant 0 : i32
    %dma_start3A_1280 = arith.constant 0 : i32
    %dma_start3A_1281 = tpu.memref_slice %arg1[%dma_start3A_1274, %dma_start3A_1278, %dma_start3A_1279, %dma_start3A_1280] : memref<3x64x320x320xf32, #tpu.memory_space<hbm>> -> memref<1x8x320x320xf32, #tpu.memory_space<hbm>>
    %dma_start3A_1282 = tpu.memref_squeeze %dma_start3A_1281 : memref<1x8x320x320xf32, #tpu.memory_space<hbm>> -> memref<8x320x320xf32, #tpu.memory_space<hbm>>
    %dma_start3A_1283 = arith.constant 0 : i32
    %dma_start3A_1284 = arith.constant 0 : i32
    %dma_start3A_1285 = arith.constant 0 : i32
    %dma_start3A_1286 = tpu.memref_slice %arg2[%dma_start3A_1273, %dma_start3A_1283, %dma_start3A_1284, %dma_start3A_1285] : memref<4x8x320x320xf32, #tpu.memory_space<vmem>> -> memref<1x8x320x320xf32, #tpu.memory_space<vmem>>
    %dma_start3A_1287 = tpu.memref_squeeze %dma_start3A_1286 : memref<1x8x320x320xf32, #tpu.memory_space<vmem>> -> memref<8x320x320xf32, #tpu.memory_space<vmem>>
    tpu.enqueue_dma source(%dma_start3A_1287 : memref<8x320x320xf32, #tpu.memory_space<vmem>>) target(%dma_start3A_1282 : memref<8x320x320xf32, #tpu.memory_space<hbm>>) target_semaphore(%dma_start3A_1277 : memref<!tpu.dma_semaphore, #tpu.memory_space<semaphore_mem>>)
    %dma_wait3A_1288 = arith.constant 2 : i32
    %dma_wait3A_1289 = arith.constant 1 : i32
    %dma_wait3A_1290 = arith.constant 1 : i32
    %dma_wait3A_1291 = tpu.memref_slice %arg3[%dma_wait3A_1290] : memref<4x!tpu.dma_semaphore, #tpu.memory_space<semaphore_mem>> -> memref<1x!tpu.dma_semaphore, #tpu.memory_space<semaphore_mem>>
    %dma_wait3A_1292 = tpu.memref_squeeze %dma_wait3A_1291 : memref<1x!tpu.dma_semaphore, #tpu.memory_space<semaphore_mem>> -> memref<!tpu.dma_semaphore, #tpu.memory_space<semaphore_mem>>
    %dma_wait3A_1293 = arith.constant 0 : i32
    %dma_wait3A_1294 = arith.constant 0 : i32
    %dma_wait3A_1295 = arith.constant 0 : i32
    %dma_wait3A_1296 = tpu.memref_slice %arg2[%dma_wait3A_1289, %dma_wait3A_1293, %dma_wait3A_1294, %dma_wait3A_1295] : memref<4x8x320x320xf32, #tpu.memory_space<vmem>> -> memref<1x8x320x320xf32, #tpu.memory_space<vmem>>
    %dma_wait3A_1297 = tpu.memref_squeeze %dma_wait3A_1296 : memref<1x8x320x320xf32, #tpu.memory_space<vmem>> -> memref<8x320x320xf32, #tpu.memory_space<vmem>>
    %dma_wait3A_1298 = arith.constant 40 : i32
    %dma_wait3A_1299 = arith.constant 0 : i32
    %dma_wait3A_1300 = arith.constant 0 : i32
    %dma_wait3A_1301 = tpu.memref_slice %arg0[%dma_wait3A_1288, %dma_wait3A_1298, %dma_wait3A_1299, %dma_wait3A_1300] : memref<3x64x320x320xf32, #tpu.memory_space<hbm>> -> memref<1x8x320x320xf32, #tpu.memory_space<hbm>>
    %dma_wait3A_1302 = tpu.memref_squeeze %dma_wait3A_1301 : memref<1x8x320x320xf32, #tpu.memory_space<hbm>> -> memref<8x320x320xf32, #tpu.memory_space<hbm>>
    tpu.wait_dma2 semaphore(%dma_wait3A_1292 : memref<!tpu.dma_semaphore, #tpu.memory_space<semaphore_mem>>) src(%dma_wait3A_1302 : memref<8x320x320xf32, #tpu.memory_space<hbm>>) dst(%dma_wait3A_1297 : memref<8x320x320xf32, #tpu.memory_space<vmem>>)
    %dma_start3A_1303 = arith.constant 1 : i32
    %dma_start3A_1304 = arith.constant 2 : i32
    %dma_start3A_1305 = arith.constant 1 : i32
    %dma_start3A_1306 = tpu.memref_slice %arg4[%dma_start3A_1305] : memref<4x!tpu.dma_semaphore, #tpu.memory_space<semaphore_mem>> -> memref<1x!tpu.dma_semaphore, #tpu.memory_space<semaphore_mem>>
    %dma_start3A_1307 = tpu.memref_squeeze %dma_start3A_1306 : memref<1x!tpu.dma_semaphore, #tpu.memory_space<semaphore_mem>> -> memref<!tpu.dma_semaphore, #tpu.memory_space<semaphore_mem>>
    %dma_start3A_1308 = arith.constant 40 : i32
    %dma_start3A_1309 = arith.constant 0 : i32
    %dma_start3A_1310 = arith.constant 0 : i32
    %dma_start3A_1311 = tpu.memref_slice %arg1[%dma_start3A_1304, %dma_start3A_1308, %dma_start3A_1309, %dma_start3A_1310] : memref<3x64x320x320xf32, #tpu.memory_space<hbm>> -> memref<1x8x320x320xf32, #tpu.memory_space<hbm>>
    %dma_start3A_1312 = tpu.memref_squeeze %dma_start3A_1311 : memref<1x8x320x320xf32, #tpu.memory_space<hbm>> -> memref<8x320x320xf32, #tpu.memory_space<hbm>>
    %dma_start3A_1313 = arith.constant 0 : i32
    %dma_start3A_1314 = arith.constant 0 : i32
    %dma_start3A_1315 = arith.constant 0 : i32
    %dma_start3A_1316 = tpu.memref_slice %arg2[%dma_start3A_1303, %dma_start3A_1313, %dma_start3A_1314, %dma_start3A_1315] : memref<4x8x320x320xf32, #tpu.memory_space<vmem>> -> memref<1x8x320x320xf32, #tpu.memory_space<vmem>>
    %dma_start3A_1317 = tpu.memref_squeeze %dma_start3A_1316 : memref<1x8x320x320xf32, #tpu.memory_space<vmem>> -> memref<8x320x320xf32, #tpu.memory_space<vmem>>
    tpu.enqueue_dma source(%dma_start3A_1317 : memref<8x320x320xf32, #tpu.memory_space<vmem>>) target(%dma_start3A_1312 : memref<8x320x320xf32, #tpu.memory_space<hbm>>) target_semaphore(%dma_start3A_1307 : memref<!tpu.dma_semaphore, #tpu.memory_space<semaphore_mem>>)
    %dma_wait3A_1318 = arith.constant 2 : i32
    %dma_wait3A_1319 = arith.constant 2 : i32
    %dma_wait3A_1320 = arith.constant 2 : i32
    %dma_wait3A_1321 = tpu.memref_slice %arg3[%dma_wait3A_1320] : memref<4x!tpu.dma_semaphore, #tpu.memory_space<semaphore_mem>> -> memref<1x!tpu.dma_semaphore, #tpu.memory_space<semaphore_mem>>
    %dma_wait3A_1322 = tpu.memref_squeeze %dma_wait3A_1321 : memref<1x!tpu.dma_semaphore, #tpu.memory_space<semaphore_mem>> -> memref<!tpu.dma_semaphore, #tpu.memory_space<semaphore_mem>>
    %dma_wait3A_1323 = arith.constant 0 : i32
    %dma_wait3A_1324 = arith.constant 0 : i32
    %dma_wait3A_1325 = arith.constant 0 : i32
    %dma_wait3A_1326 = tpu.memref_slice %arg2[%dma_wait3A_1319, %dma_wait3A_1323, %dma_wait3A_1324, %dma_wait3A_1325] : memref<4x8x320x320xf32, #tpu.memory_space<vmem>> -> memref<1x8x320x320xf32, #tpu.memory_space<vmem>>
    %dma_wait3A_1327 = tpu.memref_squeeze %dma_wait3A_1326 : memref<1x8x320x320xf32, #tpu.memory_space<vmem>> -> memref<8x320x320xf32, #tpu.memory_space<vmem>>
    %dma_wait3A_1328 = arith.constant 48 : i32
    %dma_wait3A_1329 = arith.constant 0 : i32
    %dma_wait3A_1330 = arith.constant 0 : i32
    %dma_wait3A_1331 = tpu.memref_slice %arg0[%dma_wait3A_1318, %dma_wait3A_1328, %dma_wait3A_1329, %dma_wait3A_1330] : memref<3x64x320x320xf32, #tpu.memory_space<hbm>> -> memref<1x8x320x320xf32, #tpu.memory_space<hbm>>
    %dma_wait3A_1332 = tpu.memref_squeeze %dma_wait3A_1331 : memref<1x8x320x320xf32, #tpu.memory_space<hbm>> -> memref<8x320x320xf32, #tpu.memory_space<hbm>>
    tpu.wait_dma2 semaphore(%dma_wait3A_1322 : memref<!tpu.dma_semaphore, #tpu.memory_space<semaphore_mem>>) src(%dma_wait3A_1332 : memref<8x320x320xf32, #tpu.memory_space<hbm>>) dst(%dma_wait3A_1327 : memref<8x320x320xf32, #tpu.memory_space<vmem>>)
    %dma_start3A_1333 = arith.constant 2 : i32
    %dma_start3A_1334 = arith.constant 2 : i32
    %dma_start3A_1335 = arith.constant 2 : i32
    %dma_start3A_1336 = tpu.memref_slice %arg4[%dma_start3A_1335] : memref<4x!tpu.dma_semaphore, #tpu.memory_space<semaphore_mem>> -> memref<1x!tpu.dma_semaphore, #tpu.memory_space<semaphore_mem>>
    %dma_start3A_1337 = tpu.memref_squeeze %dma_start3A_1336 : memref<1x!tpu.dma_semaphore, #tpu.memory_space<semaphore_mem>> -> memref<!tpu.dma_semaphore, #tpu.memory_space<semaphore_mem>>
    %dma_start3A_1338 = arith.constant 48 : i32
    %dma_start3A_1339 = arith.constant 0 : i32
    %dma_start3A_1340 = arith.constant 0 : i32
    %dma_start3A_1341 = tpu.memref_slice %arg1[%dma_start3A_1334, %dma_start3A_1338, %dma_start3A_1339, %dma_start3A_1340] : memref<3x64x320x320xf32, #tpu.memory_space<hbm>> -> memref<1x8x320x320xf32, #tpu.memory_space<hbm>>
    %dma_start3A_1342 = tpu.memref_squeeze %dma_start3A_1341 : memref<1x8x320x320xf32, #tpu.memory_space<hbm>> -> memref<8x320x320xf32, #tpu.memory_space<hbm>>
    %dma_start3A_1343 = arith.constant 0 : i32
    %dma_start3A_1344 = arith.constant 0 : i32
    %dma_start3A_1345 = arith.constant 0 : i32
    %dma_start3A_1346 = tpu.memref_slice %arg2[%dma_start3A_1333, %dma_start3A_1343, %dma_start3A_1344, %dma_start3A_1345] : memref<4x8x320x320xf32, #tpu.memory_space<vmem>> -> memref<1x8x320x320xf32, #tpu.memory_space<vmem>>
    %dma_start3A_1347 = tpu.memref_squeeze %dma_start3A_1346 : memref<1x8x320x320xf32, #tpu.memory_space<vmem>> -> memref<8x320x320xf32, #tpu.memory_space<vmem>>
    tpu.enqueue_dma source(%dma_start3A_1347 : memref<8x320x320xf32, #tpu.memory_space<vmem>>) target(%dma_start3A_1342 : memref<8x320x320xf32, #tpu.memory_space<hbm>>) target_semaphore(%dma_start3A_1337 : memref<!tpu.dma_semaphore, #tpu.memory_space<semaphore_mem>>)
    %dma_wait3A_1348 = arith.constant 2 : i32
    %dma_wait3A_1349 = arith.constant 3 : i32
    %dma_wait3A_1350 = arith.constant 3 : i32
    %dma_wait3A_1351 = tpu.memref_slice %arg3[%dma_wait3A_1350] : memref<4x!tpu.dma_semaphore, #tpu.memory_space<semaphore_mem>> -> memref<1x!tpu.dma_semaphore, #tpu.memory_space<semaphore_mem>>
    %dma_wait3A_1352 = tpu.memref_squeeze %dma_wait3A_1351 : memref<1x!tpu.dma_semaphore, #tpu.memory_space<semaphore_mem>> -> memref<!tpu.dma_semaphore, #tpu.memory_space<semaphore_mem>>
    %dma_wait3A_1353 = arith.constant 0 : i32
    %dma_wait3A_1354 = arith.constant 0 : i32
    %dma_wait3A_1355 = arith.constant 0 : i32
    %dma_wait3A_1356 = tpu.memref_slice %arg2[%dma_wait3A_1349, %dma_wait3A_1353, %dma_wait3A_1354, %dma_wait3A_1355] : memref<4x8x320x320xf32, #tpu.memory_space<vmem>> -> memref<1x8x320x320xf32, #tpu.memory_space<vmem>>
    %dma_wait3A_1357 = tpu.memref_squeeze %dma_wait3A_1356 : memref<1x8x320x320xf32, #tpu.memory_space<vmem>> -> memref<8x320x320xf32, #tpu.memory_space<vmem>>
    %dma_wait3A_1358 = arith.constant 56 : i32
    %dma_wait3A_1359 = arith.constant 0 : i32
    %dma_wait3A_1360 = arith.constant 0 : i32
    %dma_wait3A_1361 = tpu.memref_slice %arg0[%dma_wait3A_1348, %dma_wait3A_1358, %dma_wait3A_1359, %dma_wait3A_1360] : memref<3x64x320x320xf32, #tpu.memory_space<hbm>> -> memref<1x8x320x320xf32, #tpu.memory_space<hbm>>
    %dma_wait3A_1362 = tpu.memref_squeeze %dma_wait3A_1361 : memref<1x8x320x320xf32, #tpu.memory_space<hbm>> -> memref<8x320x320xf32, #tpu.memory_space<hbm>>
    tpu.wait_dma2 semaphore(%dma_wait3A_1352 : memref<!tpu.dma_semaphore, #tpu.memory_space<semaphore_mem>>) src(%dma_wait3A_1362 : memref<8x320x320xf32, #tpu.memory_space<hbm>>) dst(%dma_wait3A_1357 : memref<8x320x320xf32, #tpu.memory_space<vmem>>)
    %dma_start3A_1363 = arith.constant 3 : i32
    %dma_start3A_1364 = arith.constant 2 : i32
    %dma_start3A_1365 = arith.constant 3 : i32
    %dma_start3A_1366 = tpu.memref_slice %arg4[%dma_start3A_1365] : memref<4x!tpu.dma_semaphore, #tpu.memory_space<semaphore_mem>> -> memref<1x!tpu.dma_semaphore, #tpu.memory_space<semaphore_mem>>
    %dma_start3A_1367 = tpu.memref_squeeze %dma_start3A_1366 : memref<1x!tpu.dma_semaphore, #tpu.memory_space<semaphore_mem>> -> memref<!tpu.dma_semaphore, #tpu.memory_space<semaphore_mem>>
    %dma_start3A_1368 = arith.constant 56 : i32
    %dma_start3A_1369 = arith.constant 0 : i32
    %dma_start3A_1370 = arith.constant 0 : i32
    %dma_start3A_1371 = tpu.memref_slice %arg1[%dma_start3A_1364, %dma_start3A_1368, %dma_start3A_1369, %dma_start3A_1370] : memref<3x64x320x320xf32, #tpu.memory_space<hbm>> -> memref<1x8x320x320xf32, #tpu.memory_space<hbm>>
    %dma_start3A_1372 = tpu.memref_squeeze %dma_start3A_1371 : memref<1x8x320x320xf32, #tpu.memory_space<hbm>> -> memref<8x320x320xf32, #tpu.memory_space<hbm>>
    %dma_start3A_1373 = arith.constant 0 : i32
    %dma_start3A_1374 = arith.constant 0 : i32
    %dma_start3A_1375 = arith.constant 0 : i32
    %dma_start3A_1376 = tpu.memref_slice %arg2[%dma_start3A_1363, %dma_start3A_1373, %dma_start3A_1374, %dma_start3A_1375] : memref<4x8x320x320xf32, #tpu.memory_space<vmem>> -> memref<1x8x320x320xf32, #tpu.memory_space<vmem>>
    %dma_start3A_1377 = tpu.memref_squeeze %dma_start3A_1376 : memref<1x8x320x320xf32, #tpu.memory_space<vmem>> -> memref<8x320x320xf32, #tpu.memory_space<vmem>>
    tpu.enqueue_dma source(%dma_start3A_1377 : memref<8x320x320xf32, #tpu.memory_space<vmem>>) target(%dma_start3A_1372 : memref<8x320x320xf32, #tpu.memory_space<hbm>>) target_semaphore(%dma_start3A_1367 : memref<!tpu.dma_semaphore, #tpu.memory_space<semaphore_mem>>)
    %dma_wait3A_1378 = arith.constant 0 : i32
    %dma_wait3A_1379 = arith.constant 2 : i32
    %dma_wait3A_1380 = arith.constant 0 : i32
    %dma_wait3A_1381 = tpu.memref_slice %arg4[%dma_wait3A_1380] : memref<4x!tpu.dma_semaphore, #tpu.memory_space<semaphore_mem>> -> memref<1x!tpu.dma_semaphore, #tpu.memory_space<semaphore_mem>>
    %dma_wait3A_1382 = tpu.memref_squeeze %dma_wait3A_1381 : memref<1x!tpu.dma_semaphore, #tpu.memory_space<semaphore_mem>> -> memref<!tpu.dma_semaphore, #tpu.memory_space<semaphore_mem>>
    %dma_wait3A_1383 = arith.constant 32 : i32
    %dma_wait3A_1384 = arith.constant 0 : i32
    %dma_wait3A_1385 = arith.constant 0 : i32
    %dma_wait3A_1386 = tpu.memref_slice %arg1[%dma_wait3A_1379, %dma_wait3A_1383, %dma_wait3A_1384, %dma_wait3A_1385] : memref<3x64x320x320xf32, #tpu.memory_space<hbm>> -> memref<1x8x320x320xf32, #tpu.memory_space<hbm>>
    %dma_wait3A_1387 = tpu.memref_squeeze %dma_wait3A_1386 : memref<1x8x320x320xf32, #tpu.memory_space<hbm>> -> memref<8x320x320xf32, #tpu.memory_space<hbm>>
    %dma_wait3A_1388 = arith.constant 0 : i32
    %dma_wait3A_1389 = arith.constant 0 : i32
    %dma_wait3A_1390 = arith.constant 0 : i32
    %dma_wait3A_1391 = tpu.memref_slice %arg2[%dma_wait3A_1378, %dma_wait3A_1388, %dma_wait3A_1389, %dma_wait3A_1390] : memref<4x8x320x320xf32, #tpu.memory_space<vmem>> -> memref<1x8x320x320xf32, #tpu.memory_space<vmem>>
    %dma_wait3A_1392 = tpu.memref_squeeze %dma_wait3A_1391 : memref<1x8x320x320xf32, #tpu.memory_space<vmem>> -> memref<8x320x320xf32, #tpu.memory_space<vmem>>
    tpu.wait_dma2 semaphore(%dma_wait3A_1382 : memref<!tpu.dma_semaphore, #tpu.memory_space<semaphore_mem>>) src(%dma_wait3A_1392 : memref<8x320x320xf32, #tpu.memory_space<vmem>>) dst(%dma_wait3A_1387 : memref<8x320x320xf32, #tpu.memory_space<hbm>>)
    %dma_wait3A_1393 = arith.constant 1 : i32
    %dma_wait3A_1394 = arith.constant 2 : i32
    %dma_wait3A_1395 = arith.constant 1 : i32
    %dma_wait3A_1396 = tpu.memref_slice %arg4[%dma_wait3A_1395] : memref<4x!tpu.dma_semaphore, #tpu.memory_space<semaphore_mem>> -> memref<1x!tpu.dma_semaphore, #tpu.memory_space<semaphore_mem>>
    %dma_wait3A_1397 = tpu.memref_squeeze %dma_wait3A_1396 : memref<1x!tpu.dma_semaphore, #tpu.memory_space<semaphore_mem>> -> memref<!tpu.dma_semaphore, #tpu.memory_space<semaphore_mem>>
    %dma_wait3A_1398 = arith.constant 40 : i32
    %dma_wait3A_1399 = arith.constant 0 : i32
    %dma_wait3A_1400 = arith.constant 0 : i32
    %dma_wait3A_1401 = tpu.memref_slice %arg1[%dma_wait3A_1394, %dma_wait3A_1398, %dma_wait3A_1399, %dma_wait3A_1400] : memref<3x64x320x320xf32, #tpu.memory_space<hbm>> -> memref<1x8x320x320xf32, #tpu.memory_space<hbm>>
    %dma_wait3A_1402 = tpu.memref_squeeze %dma_wait3A_1401 : memref<1x8x320x320xf32, #tpu.memory_space<hbm>> -> memref<8x320x320xf32, #tpu.memory_space<hbm>>
    %dma_wait3A_1403 = arith.constant 0 : i32
    %dma_wait3A_1404 = arith.constant 0 : i32
    %dma_wait3A_1405 = arith.constant 0 : i32
    %dma_wait3A_1406 = tpu.memref_slice %arg2[%dma_wait3A_1393, %dma_wait3A_1403, %dma_wait3A_1404, %dma_wait3A_1405] : memref<4x8x320x320xf32, #tpu.memory_space<vmem>> -> memref<1x8x320x320xf32, #tpu.memory_space<vmem>>
    %dma_wait3A_1407 = tpu.memref_squeeze %dma_wait3A_1406 : memref<1x8x320x320xf32, #tpu.memory_space<vmem>> -> memref<8x320x320xf32, #tpu.memory_space<vmem>>
    tpu.wait_dma2 semaphore(%dma_wait3A_1397 : memref<!tpu.dma_semaphore, #tpu.memory_space<semaphore_mem>>) src(%dma_wait3A_1407 : memref<8x320x320xf32, #tpu.memory_space<vmem>>) dst(%dma_wait3A_1402 : memref<8x320x320xf32, #tpu.memory_space<hbm>>)
    %dma_wait3A_1408 = arith.constant 2 : i32
    %dma_wait3A_1409 = arith.constant 2 : i32
    %dma_wait3A_1410 = arith.constant 2 : i32
    %dma_wait3A_1411 = tpu.memref_slice %arg4[%dma_wait3A_1410] : memref<4x!tpu.dma_semaphore, #tpu.memory_space<semaphore_mem>> -> memref<1x!tpu.dma_semaphore, #tpu.memory_space<semaphore_mem>>
    %dma_wait3A_1412 = tpu.memref_squeeze %dma_wait3A_1411 : memref<1x!tpu.dma_semaphore, #tpu.memory_space<semaphore_mem>> -> memref<!tpu.dma_semaphore, #tpu.memory_space<semaphore_mem>>
    %dma_wait3A_1413 = arith.constant 48 : i32
    %dma_wait3A_1414 = arith.constant 0 : i32
    %dma_wait3A_1415 = arith.constant 0 : i32
    %dma_wait3A_1416 = tpu.memref_slice %arg1[%dma_wait3A_1409, %dma_wait3A_1413, %dma_wait3A_1414, %dma_wait3A_1415] : memref<3x64x320x320xf32, #tpu.memory_space<hbm>> -> memref<1x8x320x320xf32, #tpu.memory_space<hbm>>
    %dma_wait3A_1417 = tpu.memref_squeeze %dma_wait3A_1416 : memref<1x8x320x320xf32, #tpu.memory_space<hbm>> -> memref<8x320x320xf32, #tpu.memory_space<hbm>>
    %dma_wait3A_1418 = arith.constant 0 : i32
    %dma_wait3A_1419 = arith.constant 0 : i32
    %dma_wait3A_1420 = arith.constant 0 : i32
    %dma_wait3A_1421 = tpu.memref_slice %arg2[%dma_wait3A_1408, %dma_wait3A_1418, %dma_wait3A_1419, %dma_wait3A_1420] : memref<4x8x320x320xf32, #tpu.memory_space<vmem>> -> memref<1x8x320x320xf32, #tpu.memory_space<vmem>>
    %dma_wait3A_1422 = tpu.memref_squeeze %dma_wait3A_1421 : memref<1x8x320x320xf32, #tpu.memory_space<vmem>> -> memref<8x320x320xf32, #tpu.memory_space<vmem>>
    tpu.wait_dma2 semaphore(%dma_wait3A_1412 : memref<!tpu.dma_semaphore, #tpu.memory_space<semaphore_mem>>) src(%dma_wait3A_1422 : memref<8x320x320xf32, #tpu.memory_space<vmem>>) dst(%dma_wait3A_1417 : memref<8x320x320xf32, #tpu.memory_space<hbm>>)
    %dma_wait3A_1423 = arith.constant 3 : i32
    %dma_wait3A_1424 = arith.constant 2 : i32
    %dma_wait3A_1425 = arith.constant 3 : i32
    %dma_wait3A_1426 = tpu.memref_slice %arg4[%dma_wait3A_1425] : memref<4x!tpu.dma_semaphore, #tpu.memory_space<semaphore_mem>> -> memref<1x!tpu.dma_semaphore, #tpu.memory_space<semaphore_mem>>
    %dma_wait3A_1427 = tpu.memref_squeeze %dma_wait3A_1426 : memref<1x!tpu.dma_semaphore, #tpu.memory_space<semaphore_mem>> -> memref<!tpu.dma_semaphore, #tpu.memory_space<semaphore_mem>>
    %dma_wait3A_1428 = arith.constant 56 : i32
    %dma_wait3A_1429 = arith.constant 0 : i32
    %dma_wait3A_1430 = arith.constant 0 : i32
    %dma_wait3A_1431 = tpu.memref_slice %arg1[%dma_wait3A_1424, %dma_wait3A_1428, %dma_wait3A_1429, %dma_wait3A_1430] : memref<3x64x320x320xf32, #tpu.memory_space<hbm>> -> memref<1x8x320x320xf32, #tpu.memory_space<hbm>>
    %dma_wait3A_1432 = tpu.memref_squeeze %dma_wait3A_1431 : memref<1x8x320x320xf32, #tpu.memory_space<hbm>> -> memref<8x320x320xf32, #tpu.memory_space<hbm>>
    %dma_wait3A_1433 = arith.constant 0 : i32
    %dma_wait3A_1434 = arith.constant 0 : i32
    %dma_wait3A_1435 = arith.constant 0 : i32
    %dma_wait3A_1436 = tpu.memref_slice %arg2[%dma_wait3A_1423, %dma_wait3A_1433, %dma_wait3A_1434, %dma_wait3A_1435] : memref<4x8x320x320xf32, #tpu.memory_space<vmem>> -> memref<1x8x320x320xf32, #tpu.memory_space<vmem>>
    %dma_wait3A_1437 = tpu.memref_squeeze %dma_wait3A_1436 : memref<1x8x320x320xf32, #tpu.memory_space<vmem>> -> memref<8x320x320xf32, #tpu.memory_space<vmem>>
    tpu.wait_dma2 semaphore(%dma_wait3A_1427 : memref<!tpu.dma_semaphore, #tpu.memory_space<semaphore_mem>>) src(%dma_wait3A_1437 : memref<8x320x320xf32, #tpu.memory_space<vmem>>) dst(%dma_wait3A_1432 : memref<8x320x320xf32, #tpu.memory_space<hbm>>)
    return
  }
}

</mosaic_0001>

<sc_bundles>
// kernel: kernel.4.cloned.1.call-start
scs
__scs_entry_jumppad:
0x0: {  	(pc) =	sbr.rel $0x88, $3  }
0x1: {  	(tag) =	ssettag $0x0;
	lr =	simm.s32 $0x1  }
0x2: {  	[smem:$0x3FA0] =	sst lr;
	_ =	strace $0xD0000000  }
0x3: {  	_ = 	snop  }
0x4: {  	_ = 	snop  }
0x5: {  	_ = 	snop  }
0x6: {  	_ = 	snop  }
0x7: {  	_ = 	snop  }
__scs_overlays_trampoline_lowered:
0x8: {  	[smem:$0x3FAF] =	sst s0  }
0x9: {  	[smem:$0x3FB0] =	sst s1  }
0xa: {  	[smem:$0x3FB1] =	sst s2  }
0xb: {  	[smem:$0x3FB2] =	sst s3  }
0xc: {  	[smem:$0x3FB3] =	sst s4  }
0xd: {  	[smem:$0x3FB4] =	sst s5  }
0xe: {  	[smem:$0x3FB5] =	sst s6  }
0xf: {  	[smem:$0x3FB6] =	sst s7  }
0x10: {  	[smem:$0x3FB7] =	sst s8  }
0x11: {  	[smem:$0x3FB8] =	sst s9;
	s0 =	simm.s32 @!p0 $0x0  }
0x12: {  	s1 =	sld [smem:$0x3F9E];
	s0 =	simm.s32 @p0 $0x1  }
0x13: {  	[smem:$0x3FB9] =	sst s0;
	s0 =	simm.s32 @!p1 $0x0  }
0x14: {  	s2 =	sld [smem:$0x3F9D];
	s0 =	simm.s32 @p1 $0x1  }
0x15: {  	[smem:$0x3FBA] =	sst s0;
	s0 =	simm.s32 @!p2 $0x0  }
0x16: {  	s3 =	sld [smem:$0x3FDB];
	s0 =	simm.s32 @p2 $0x1  }
0x17: {  	s4 =	simm.s32 $0x1BF5;
	[smem:$0x3FBC] =	sst s0  }
0x18: {  	s0 =	sld [smem:$0x3F9F];
	_ =	swait.ge [sflag:s4], $0x0  }
0x19: {  	s7 =	sld [smem:$0x3FA0]  }
0x1a: {  	s8 =	sadd.s32 $0xFFFFE003, lr  }
0x1b: {  	s9 =	sadd.s32 $0xFFFFFEF7, lr;
	s5 =	simm.s32 $0xFFFFFFFF;
	p2 =	slt.u32 s8, $0xFFFFF086  }
0x1c: {  	p1 =	slt.u32 s9, $0xF7A;
	s5 =	simm.s32 @!p2 $0x0  }
0x1d: {  	s5 =	simm.s32 @p1 $0x1;
	p0 =	seq.s32 s7, s2  }
0x1e: {  	s7 =	smul.u32 @!p0 $0xF7A, s2;
	p2 =	seq.s32 @!p0 s5, $0x0  }
0x1f: {  	s9 =	smul.u32 $0xF7A, s1;
	s8 =	simm.s32 @!p0 $0x1BF5;
	p2 =	por !p2, p0  }
0x20: {  	[sflag:s8] =	ssyncset.s32 @!p0 $0xFFFFF086;
	s6 =	sadd.s32 @!p0 s3, s7;
	s7 =	simm.s32 @!p0 $0x108  }
0x21: {  	s3 =	sadd.s32 s3, s9;
	s6 =	sadd.s32 @!p0 $0x88, s6;
	s7 =	simm.s32 @p2 $0x1082  }
0x22: {  	[simem:s7], [sflag:s8] =	dma.local @!p0 [hbm:s6], $0xF7A  }
0x23: {  	s9 =	sor.u32 $0xD0000000, s2;
	s6 =	simm.s32 $0x108;
	_ =	swait.ge @!p0 [sflag:s8], $0x0  }
0x24: {  	s3 =	sadd.s32 $0x88, s3;
	s6 =	simm.s32 @!p1 $0x1082;
	[sflag:s4] =	ssyncset.s32 $0xFFFFF086  }
0x25: {  	[simem:s6], [sflag:s4] =	dma.local [hbm:s3], $0xF7A  }
0x26: {  	[smem:$0x3FA0] =	sst s1;
	(tag) =	ssettag s2;
	_ =	strace s9  }
0x27: {  	s1 =	sld [smem:$0x3FB0]  }
0x28: {  	s2 =	sld [smem:$0x3FB1]  }
0x29: {  	s4 =	sld [smem:$0x3FB3]  }
0x2a: {  	p0 =	seq.s32 s5, $0x0;
	s5 =	sld [smem:$0x3FB4]  }
0x2b: {  	s6 =	sld [smem:$0x3FB5]  }
0x2c: {  	s7 =	sld [smem:$0x3FB6]  }
0x2d: {  	s3 =	simm.s32 $0x108;
	s8 =	sld [smem:$0x3FB7]  }
0x2e: {  	s3 =	simm.s32 @!p0 $0x1082;
	s9 =	sld [smem:$0x3FB8]  }
0x2f: {  	lr =	sadd.s32 s0, s3;
	s0 =	sld [smem:$0x3FAF]  }
0x30: {  	s3 =	sld [smem:$0x3FB2]  }
0x31: {  	[smem:$0x3FBB] =	sst s10  }
0x32: {  	s10 =	sld [smem:$0x3FB9];
	_ =	sdelay $0x3  }
0x33: {  	p0 =	seq.s32 s10, $0x1;
	s10 =	sld [smem:$0x3FBB];
	_ =	sdelay $0x3  }
0x34: {  	[smem:$0x3FBB] =	sst s10  }
0x35: {  	s10 =	sld [smem:$0x3FBA];
	_ =	sdelay $0x3  }
0x36: {  	p1 =	seq.s32 s10, $0x1;
	s10 =	sld [smem:$0x3FBB];
	_ =	sdelay $0x3  }
0x37: {  	[smem:$0x3FBB] =	sst s10  }
0x38: {  	s10 =	sld [smem:$0x3FBC]  }
0x39: {  	_ = 	snop;
	(pc) =	sbr.ind lr, $3  }
0x3a: {  	_ = 	snop  }
0x3b: {  	_ = 	snop  }
0x3c: {  	p2 =	seq.s32 s10, $0x1;
	s10 =	sld [smem:$0x3FBB]  }
0x3d: {  	_ =	shalt  }
0x3e: {  	_ =	shalt  }
0x3f: {  	_ =	shalt  }
0x40: {  	_ =	shalt  }
0x41: {  	_ =	shalt  }
0x42: {  	_ =	shalt  }
0x43: {  	_ =	shalt  }
0x44: {  	_ =	shalt  }
0x45: {  	_ =	shalt  }
0x46: {  	_ =	shalt  }
0x47: {  	_ =	shalt  }
0x48: {  	_ =	shalt  }
0x49: {  	_ =	shalt  }
0x4a: {  	_ =	shalt  }
0x4b: {  	_ =	shalt  }
0x4c: {  	_ =	shalt  }
0x4d: {  	_ =	shalt  }
0x4e: {  	_ =	shalt  }
0x4f: {  	_ =	shalt  }
0x50: {  	_ =	shalt  }
0x51: {  	_ =	shalt  }
0x52: {  	_ =	shalt  }
0x53: {  	_ =	shalt  }
0x54: {  	_ =	shalt  }
0x55: {  	_ =	shalt  }
0x56: {  	_ =	shalt  }
0x57: {  	_ =	shalt  }
0x58: {  	_ =	shalt  }
0x59: {  	_ =	shalt  }
0x5a: {  	_ =	shalt  }
0x5b: {  	_ =	shalt  }
0x5c: {  	_ =	shalt  }
0x5d: {  	_ =	shalt  }
0x5e: {  	_ =	shalt  }
0x5f: {  	_ =	shalt  }
0x60: {  	_ =	shalt  }
0x61: {  	_ =	shalt  }
0x62: {  	_ =	shalt  }
0x63: {  	_ =	shalt  }
0x64: {  	_ =	shalt  }
0x65: {  	_ =	shalt  }
0x66: {  	_ =	shalt  }
0x67: {  	_ =	shalt  }
0x68: {  	_ =	shalt  }
0x69: {  	_ =	shalt  }
0x6a: {  	_ =	shalt  }
0x6b: {  	_ =	shalt  }
0x6c: {  	_ =	shalt  }
0x6d: {  	_ =	shalt  }
0x6e: {  	_ =	shalt  }
0x6f: {  	_ =	shalt  }
0x70: {  	_ =	shalt  }
0x71: {  	_ =	shalt  }
0x72: {  	_ =	shalt  }
0x73: {  	_ =	shalt  }
0x74: {  	_ =	shalt  }
0x75: {  	_ =	shalt  }
0x76: {  	_ =	shalt  }
0x77: {  	_ =	shalt  }
0x78: {  	_ =	shalt  }
0x79: {  	_ =	shalt  }
0x7a: {  	_ =	shalt  }
0x7b: {  	_ =	shalt  }
0x7c: {  	_ =	shalt  }
0x7d: {  	_ =	shalt  }
0x7e: {  	_ =	shalt  }
0x7f: {  	_ =	shalt  }
0x80: {  	_ =	shalt  }
0x81: {  	_ =	shalt  }
0x82: {  	_ =	shalt  }
0x83: {  	_ =	shalt  }
0x84: {  	_ =	shalt  }
0x85: {  	_ =	shalt  }
0x86: {  	_ =	shalt  }
0x87: {  	_ =	shalt  }
.Lfunc_end0:
.L_simem_size_0:
called_computation_lowered:
.L_overlay_start_0:
0x88: {  	s2 =	sld [smem:$0x3FD9]  }
0x89: {  	s3 =	sld [smem:$0x3FFE];
	_ =	sdelay $0x1  }
0x8a: {  	s1 =	srdreg.scid  }
0x8b: {  	s0 =	sand.u32 $0x1, s1  }
0x8c: {  	s15 =	sshll.u32 s0, $0xA;
	s2 =	sadd.s32 s3, s2  }
0x8d: {  	s2 =	sadd.s32 s2, s15  }
0x8e: {  	[smem:$0x3FC7] =	sst s2  }
0x8f: {  	_ = 	snop  }
0x90: {  	s2 =	sld [smem:$0x3FD0];
	_ =	sdelay $0x2  }
0x91: {  	s4 =	simm.s32 $0xA;
	s5 =	simm.s32 $0x10;
	s16 =	sld [smem:$0x3FC9]  }
0x92: {  	[smem:s5], [sflag:s4] =	dma.local [hbm:s2], $0x1  }
0x93: {  	_ =	swait.eq [sflag:s4], $0x1  }
0x94: {  	[sflag:s4] =	ssyncset.done $0x0  }
0x95: {  	[sflag:s4] =	ssyncadd.s32 $0xFFFFFFFF  }
0x96: {  	s17 =	sld [smem:$0x10];
	(tm) =	ssettm $0x1  }
0x97: {  	s18 =	sld [smem:$0x3FFB];
	_ =	sdelay $0x3  }
0x98: {  	_ =	strace s18  }
0x99: {  	s4 =	sld [smem:$0x3FFC];
	_ =	sdelay $0x3  }
0x9a: {  	_ =	strace s4  }
0x9b: {  	s4 =	sld [smem:$0x3FFD];
	_ =	sdelay $0x3  }
0x9c: {  	_ =	strace s4  }
0x9d: {  	_ =	strace $0x8FFFFFFF  }
0x9e: {  	s19 =	sld [smem:$0x3FDB];
	_ =	sdelay $0x1  }
0x9f: {  	s20 =	simm.s32 $_scs_section_size  }
0xa0: {  	s6 =	simm.s32 $_size__tile_overlayer_lowered;
	s7 =	simm.s32 $_tile_overlayer_lowered  }
0xa1: {  	s23 =	simm.s32 $0x1BFF;
	s22 =	sshll.u32 s7, $0x1;
	s4 =	sadd.s32 s20, s19  }
0xa2: {  	s8 =	simm.s32 $0x0;
	s21 =	sshll.u32 s6, $0x1;
	s6 =	sadd.s32 s22, s4  }
0xa3: {  	[timem:s8], [sflag:s23] =	dma.local [hbm:s6], s21  }
0xa4: {  	_ =	swait.ge [sflag:s23], s21  }
0xa5: {  	s5 =	ssub.s32 $0x0, s21;
	[sflag:s23] =	ssyncset.done $0x0  }
0xa6: {  	[sflag:s23] =	ssyncadd.s32 s5;
	_ =	sdelay $0x1  }
0xa7: {  	s24 =	simm.s32 $0x1B8B  }
0xa8: {  	_ =	swait.ge [sflag:s24], $0x1  }
0xa9: {  	[sflag:s24] =	ssyncset.done $0x0  }
0xaa: {  	s25 =	simm.s32 $0x1B8E;
	[sflag:s24] =	ssyncadd.s32 $0xFFFFFFFF  }
0xab: {  	s26 =	simm.s32 $execute0_lowered;
	[smem:$0x3FD2] =	sst s25  }
0xac: {  	s5 =	sshll.u32 s26, $0x1;
	_ =	strace $0x80000046;
	[dreg:$0x1] =	wrdreg $0xFFFFFFFF  }
0xad: {  	s28 =	simm.s32 $_size_execute0_lowered;
	s4 =	sadd.s32 s4, s5;
	[dreg:$0x0] =	wrdreg $0x0  }
0xae: {  	s5 =	sshll.u32 s28, $0x1;
	[dreg:$0x2] =	wrdreg s4  }
0xaf: {  	[dreg:$0x3] =	wrdreg s5  }
0xb0: {  	[dreg:$0x4] =	wrdreg $0xC0  }
0xb1: {  	_ =	task [dreg:s8], $0x5FFFF  }
0xb2: {  	[dreg:$0x1] =	wrdreg $0xFFFFFFFF  }
0xb3: {  	[dreg:$0x0] =	wrdreg $0x60  }
0xb4: {  	[dreg:$0x2] =	wrdreg s16  }
0xb5: {  	[dreg:$0x3] =	wrdreg s17  }
0xb6: {  	[dreg:$0x4] =	wrdreg $0x9  }
0xb7: {  	_ =	task.clear_ibuf [dreg:s8], $0x5FFFF;
	_ =	strace $0x90000046  }
0xb8: {  	s29 =	simm.s32 $0x9;
	_ =	strace $0x80000048  }
0xb9: {  	_ =	swait.ge [sflag:s29], $0x1  }
0xba: {  	[sflag:s29] =	ssyncadd.s32 $0xFFFFFFFF  }
0xbb: {  	_ =	strace $0x90000048  }
0xbc: {  	_ =	sfence  }
0xbd: {  	s30 =	sld [smem:$0x0];
	_ =	sdelay $0x2  }
0xbe: {  	s31 =	sshll.u32 s1, $0xD;
	s1 =	sshrl.u32 s1, $0x2  }
0xbf: {  	s3 =	sand.u32 $0x4000, s31;
	s1 =	sadd.s32 s1, s30  }
0xc0: {  	s0 =	sor.u32 s3, s0;
	s1 =	sshll.u32 s1, $0x11  }
0xc1: {  	s0 =	sor.u32 s1, s0  }
0xc2: {  	s0 =	sadd.s32 $0x8F2B, s0  }
0xc3: {  	[sflag:s0] =	ssyncadd.remote.s32 $0x1  }
0xc4: {  	_ =	sfence.sel $0xFFFF  }
0xc5: {  	[dreg:$0x0] =	wrdreg $0xFFFFFFFF;
	(pc) =	sbr.abs _section_cstart, $3  }
0xc6: {  	[dreg:$0x1] =	wrdreg $0xFFFFFFFF  }
0xc7: {  	_ =	task.clear_ibuf [dreg:s8], $0x2FFFF;
	_ =	strace $0x9FFFFFFF  }
0xc8: {  	(tm) =	ssettm $0x7FFFFFFF  }
0xc9: {  	_ =	shalt  }
tec
execute0_lowered:
.L_overlay_start_1:
0x0: {  	(tag) =	ssettag $0x1  }
0x1: {  	s1 =	srdreg.scid;
	s0 =	stileid.u32  }
0x2: {  	s19 =	sand.u32 $0x1, s1;
	s26 =	sshll.u32 s0, $0x1  }
0x3: {  	s1 =	sor.u32 s19, s26  }
0x4: {  	p0 =	slt.u32 s0, $0x8;
	s2 =	sshll.u32 s1, $0x1;
	s5 =	sadd.s32 $0x10, s1  }
0x5: {  	s5 =	smov.u32 @p0 s2  }
0x6: {  	s3 =	sand.u32 $0xF, s5  }
0x7: {  	s2 =	sshrl.u32 s5, $0x4;
	s28 =	smul.u32 $0x4336E, s3  }
0x8: {  	s4 =	smul.u32 $0x780000, s2  }
0x9: {  	s11 =	rddreg [dreg:$0x0];
	s7 =	smul.u32 $0x1E0000, s2;
	s1 =	sshrl.u32 s28, $0x10  }
0xa: {  	s17 =	rddreg [dreg:$0x1];
	s8 =	sadd.s32 $0x1, s5;
	s6 =	smul.u32 $0x1E000, s1  }
0xb: {  	s5 =	simm.s32 $0xF000;
	s2 =	simm.s32 $0x0;
	s29 =	smul.u32 $0x1E000, s3  }
0xc: {  	s15 =	sand.u32 $0xF, s8;
	[smem:$0x7FF] =	sst s2;
	s4 =	sadd.s32 s4, s6  }
0xd: {  	s31 =	smul.u32 $0x4336E, s15;
	s1 =	rddreg [dreg:$0x2];
	s30 =	sshrl.u32 s4, $0x3  }
0xe: {  	_ =	strace $0x80000047;
	s6 =	sadd.s32 s29, s7;
	s3 =	sadd.s32 s11, s30  }
0xf: {  	[tilespmem:s2], [sflag:$0x1] =	stream.linear.gather [hbm4b:s3+s2], $0xF000, $0x38;
	[tilespmem:$0x1E000] =	vst v63  }
0x10: {  	s7 =	sshrl.u32 s6, $0x3;
	s6 =	simm.s32 $0x1;
	s4 =	sadd.s32 $0x1E00, s3  }
0x11: {  	[tilespmem:s5], [sflag:$0x2] =	stream.linear.gather [hbm4b:s4+s2], $0xF000, $0x38;
	[tilespmem:$0x1E000] =	vst v63  }
0x12: {  	s14 =	sshrl.u32 s8, $0x4;
	s8 =	simm.s32 $0x2;
	_ =	swait.ge [sflag:s6], $0xF000  }
0x13: {  	s10 =	smul.u32 $0x780000, s14;
	s9 =	sshrl.u32 s31, $0x10;
	[sflag:s6] =	ssyncset.done $0x0  }
0x14: {  	s12 =	smul.u32 $0x1E000, s9;
	s7 =	sadd.s32 s17, s7;
	[sflag:s6] =	ssyncadd.s32 $0xFFFF1000  }
0x15: {  	[hbm4b:s7+s2] =	stream.linear.scatter [tilespmem:s2], [sflag:$0x3], $0xF000, $0x38;
	[tilespmem:$0x1E000] =	vst v63  }
0x16: {  	_ =	swait.ge [sflag:s8], $0xF000  }
0x17: {  	s12 =	sadd.s32 s10, s12;
	[sflag:s8] =	ssyncset.done $0x0  }
0x18: {  	s10 =	simm.s32 $0x3;
	s9 =	sadd.s32 $0x1E00, s7;
	[sflag:s8] =	ssyncadd.s32 $0xFFFF1000  }
0x19: {  	[hbm4b:s9+s2] =	stream.linear.scatter [tilespmem:s5], [sflag:$0x4], $0xF000, $0x38;
	[tilespmem:$0x1E000] =	vst v63  }
0x1a: {  	s21 =	ssub.s32 $0x2, s19;
	p0 =	sgt.u32 s0, $0x7;
	_ =	swait.ge [sflag:s10], $0xF000  }
0x1b: {  	s13 =	simm.s32 @!p0 $0x4;
	s12 =	sshrl.u32 s12, $0x3;
	[sflag:s10] =	ssyncset.done $0x0  }
0x1c: {  	s11 =	sadd.s32 s11, s12;
	s12 =	simm.s32 @!p0 $0x0;
	[sflag:s10] =	ssyncadd.s32 $0xFFFF1000  }
0x1d: {  	[tilespmem:s12], [sflag:$0x1] =	stream.linear.gather @!p0 [hbm4b:s11+s12], $0xF000, $0x38;
	[tilespmem:$0x1E000] =	vst v63  }
0x1e: {  	s22 =	sshrl.u32 s21, $0x1;
	s18 =	smul.u32 $0x1E0000, s14;
	_ =	swait.ge @!p0 [sflag:s13], $0xF000  }
0x1f: {  	s16 =	simm.s32 @!p0 $0x1;
	s20 =	smul.u32 $0x1E000, s15;
	[sflag:s13] =	ssyncset.done @!p0 $0x0  }
0x20: {  	s15 =	simm.s32 @!p0 $0xF000;
	s14 =	sadd.s32 $0x1E00, s11;
	[sflag:s13] =	ssyncadd.s32 @!p0 $0xFFFF1000  }
0x21: {  	[tilespmem:s15], [sflag:$0x2] =	stream.linear.gather @!p0 [hbm4b:s14+s12], $0xF000, $0x38;
	[tilespmem:$0x1E000] =	vst v63  }
0x22: {  	s21 =	ssub.s32 s21, s22;
	s18 =	sadd.s32 s20, s18;
	_ =	swait.ge @!p0 [sflag:s16], $0xF000  }
0x23: {  	s22 =	smax.u32 s21, $0x1;
	s18 =	sshrl.u32 s18, $0x3;
	[sflag:s16] =	ssyncset.done @!p0 $0x0  }
0x24: {  	s17 =	sadd.s32 s17, s18;
	s18 =	simm.s32 @!p0 $0x2;
	[sflag:s16] =	ssyncadd.s32 @!p0 $0xFFFF1000  }
0x25: {  	[hbm4b:s17+s12] =	stream.linear.scatter @!p0 [tilespmem:s12], [sflag:$0x3], $0xF000, $0x38;
	[tilespmem:$0x1E000] =	vst v63  }
0x26: {  	s22 =	sadd.s32 $0xFFFFFFFF, s22;
	_ =	swait.ge @!p0 [sflag:s18], $0xF000  }
0x27: {  	p1 =	sne.s32 s22, $0x0;
	[sflag:s18] =	ssyncset.done @!p0 $0x0  }
0x28: {  	s20 =	simm.s32 @!p0 $0x3;
	s19 =	sadd.s32 $0x1E00, s17;
	[sflag:s18] =	ssyncadd.s32 @!p0 $0xFFFF1000  }
0x29: {  	[hbm4b:s19+s12] =	stream.linear.scatter @!p0 [tilespmem:s15], [sflag:$0x4], $0xF000, $0x38;
	[tilespmem:$0x1E000] =	vst v63  }
.Ltmp0:
0x2a: {  	_ =	swait.ge @!p0 [sflag:s20], $0xF000;
	(pc) =	sbr.rel @!p1 .LBB2_2-.Ltmp0, $4  }
0x2b: {  	[sflag:s20] =	ssyncset.done @!p0 $0x0  }
0x2c: {  	s21 =	simm.s32 $0x4;
	[sflag:s20] =	ssyncadd.s32 @!p0 $0xFFFF1000  }
0x2d: {  	_ =	swait.ge [sflag:s21], $0xF000  }
0x2e: {  	[sflag:s21] =	ssyncset.done $0x0  }
.LBB2_1:
0x2f: {  	s22 =	sadd.s32 $0xFFFFFFFF, s22;
	[sflag:s21] =	ssyncadd.s32 $0xFFFF1000  }
0x30: {  	[tilespmem:s2], [sflag:$0x1] =	stream.linear.gather [hbm4b:s3+s2], $0xF000, $0x38;
	[tilespmem:$0x1E000] =	vst v63  }
0x31: {  	p1 =	sne.s32 s22, $0x0  }
0x32: {  	[tilespmem:s5], [sflag:$0x2] =	stream.linear.gather [hbm4b:s4+s2], $0xF000, $0x38;
	[tilespmem:$0x1E000] =	vst v63  }
0x33: {  	_ =	swait.ge [sflag:s6], $0xF000  }
0x34: {  	[sflag:s6] =	ssyncset.done $0x0  }
0x35: {  	[sflag:s6] =	ssyncadd.s32 $0xFFFF1000  }
0x36: {  	[hbm4b:s7+s2] =	stream.linear.scatter [tilespmem:s2], [sflag:$0x3], $0xF000, $0x38;
	[tilespmem:$0x1E000] =	vst v63  }
0x37: {  	_ =	swait.ge [sflag:s8], $0xF000  }
0x38: {  	[sflag:s8] =	ssyncset.done $0x0  }
0x39: {  	[sflag:s8] =	ssyncadd.s32 $0xFFFF1000  }
0x3a: {  	[hbm4b:s9+s2] =	stream.linear.scatter [tilespmem:s5], [sflag:$0x4], $0xF000, $0x38;
	[tilespmem:$0x1E000] =	vst v63  }
0x3b: {  	_ =	swait.ge [sflag:s10], $0xF000  }
0x3c: {  	[sflag:s10] =	ssyncset.done $0x0  }
0x3d: {  	[sflag:s10] =	ssyncadd.s32 $0xFFFF1000  }
0x3e: {  	[tilespmem:s12], [sflag:$0x1] =	stream.linear.gather @!p0 [hbm4b:s11+s12], $0xF000, $0x38;
	[tilespmem:$0x1E000] =	vst v63  }
0x3f: {  	_ =	swait.ge @!p0 [sflag:s13], $0xF000  }
0x40: {  	[sflag:s13] =	ssyncset.done @!p0 $0x0  }
0x41: {  	[sflag:s13] =	ssyncadd.s32 @!p0 $0xFFFF1000  }
0x42: {  	[tilespmem:s15], [sflag:$0x2] =	stream.linear.gather @!p0 [hbm4b:s14+s12], $0xF000, $0x38;
	[tilespmem:$0x1E000] =	vst v63  }
0x43: {  	_ =	swait.ge @!p0 [sflag:s16], $0xF000  }
0x44: {  	[sflag:s16] =	ssyncset.done @!p0 $0x0  }
0x45: {  	[sflag:s16] =	ssyncadd.s32 @!p0 $0xFFFF1000  }
0x46: {  	[hbm4b:s17+s12] =	stream.linear.scatter @!p0 [tilespmem:s12], [sflag:$0x3], $0xF000, $0x38;
	[tilespmem:$0x1E000] =	vst v63  }
0x47: {  	_ =	swait.ge @!p0 [sflag:s18], $0xF000  }
0x48: {  	[sflag:s18] =	ssyncset.done @!p0 $0x0  }
0x49: {  	[sflag:s18] =	ssyncadd.s32 @!p0 $0xFFFF1000  }
0x4a: {  	[hbm4b:s19+s12] =	stream.linear.scatter @!p0 [tilespmem:s15], [sflag:$0x4], $0xF000, $0x38;
	[tilespmem:$0x1E000] =	vst v63  }
.Ltmp1:
0x4b: {  	_ =	swait.ge @!p0 [sflag:s20], $0xF000;
	(pc) =	sbr.rel @p1 .LBB2_1-.Ltmp1, $4  }
0x4c: {  	[sflag:s20] =	ssyncset.done @!p0 $0x0  }
0x4d: {  	[sflag:s20] =	ssyncadd.s32 @!p0 $0xFFFF1000  }
0x4e: {  	_ =	swait.ge [sflag:s21], $0xF000  }
0x4f: {  	[sflag:s21] =	ssyncset.done $0x0  }
.LBB2_2:
0x50: {  	[sflag:s21] =	ssyncadd.s32 $0xFFFF1000  }
0x51: {  	_ =	sfence.sel $0x180000  }
0x52: {  	[bflag:$0x0] =	sbarrier.arrive $0xFFFF  }
0x53: {  	p0 =	sne.s32 s0, $0x0;
	_ =	strace $0x90000047  }
0x54: {  	s0 =	sadd.s32 @!p0 $0x100000, s1;
	[bflag:$0x2] =	sbarrier.arrive $0xFFFF  }
0x55: {  	[sflag:s0] =	ssyncadd.tile.s32 @!p0 $0x1;
	_ =	shalt  }
.Lfunc_end2:
_tile_overlayer_lowered:
.L_overlay_start_2:
0x56: {  	(tag) =	ssettag $0x2  }
0x57: {  	s0 =	rddreg [dreg:$0x0];
	s2 =	stileid.u32  }
0x58: {  	s1 =	rddreg [dreg:$0x1];
	p0 =	sne.s32 s2, $0x0  }
0x59: {  	s3 =	rddreg [dreg:$0x2];
	[bflag:$0x3] =	sbarrier.arrive $0xFFFF;
	s2 =	simm.s32 @!p0 $0x1C05  }
0x5a: {  	[timem:s3], [sflag:s2] =	dma.local @!p0 [hbm:s0], s1  }
0x5b: {  	s0 =	simm.s32 @!p0 $0x5  }
0x5c: {  	_ =	swait.ge @!p0 [sflag:s0], s1  }
0x5d: {  	s1 =	ssub.s32 @!p0 $0x0, s1;
	[sflag:s0] =	ssyncset.done @!p0 $0x0  }
0x5e: {  	[sflag:s0] =	ssyncadd.s32 @!p0 s1  }
0x5f: {  	[bflag:$0x3] =	sbarrier.arrive $0xFFFF  }
0x60: {  	_ =	shalt  }

</sc_bundles>
